<compile_context>
chip_gen: v7x
topology: tpu7x:2x2x1
jax: 0.10.2.dev20260603
libtpu: 0.0.44.dev20260713+nightly
codegen_flags: <defaults>
</compile_context>

<pallas_src>
import dataclasses
import functools

import jax
import jax.numpy as jnp
from jax import lax
from jax.experimental import pallas as pl
from jax.experimental.pallas import tpu as pltpu
from jax.experimental.pallas import tpu_sc as plsc

_NUM_CORES = 2
_NUM_SUBCORES = 16
_LANES = 16


def _build_at_call(q_len, v_len, max_len, d):
    p = (max_len - 1) // 2
    off = (q_len - 1) - p
    a_cols = q_len + v_len
    nw = _NUM_CORES * _NUM_SUBCORES
    assert d == nw
    assert a_cols % _LANES == 0

    mesh = plsc.VectorSubcoreMesh(core_axis_name="c", subcore_axis_name="s")

    cp = pltpu.CompilerParams(use_tc_tiling_on_sc=False)
    if "needs_layout_passes" in getattr(pltpu.CompilerParams, "__dataclass_fields__", {}):
        cp = dataclasses.replace(cp, needs_layout_passes=False)

    @functools.partial(
        pl.kernel,
        out_type=jax.ShapeDtypeStruct((d * a_cols,), jnp.float32),
        mesh=mesh,
        compiler_params=cp,
        scratch_types=[
            pltpu.VMEM((max_len * d,), jnp.float32),
            pltpu.VMEM((a_cols,), jnp.float32),
            pltpu.SemaphoreType.DMA,
        ],
    )
    def build_at(emb_hbm, at_hbm, emb_v, row_v, sem):
        e = lax.axis_index("c") * _NUM_SUBCORES + lax.axis_index("s")
        pltpu.async_copy(emb_hbm, emb_v, sem).wait()
        lane = lax.iota(jnp.int32, _LANES)

        @pl.loop(0, a_cols, step=_LANES)
        def _(k0):
            kk = jnp.minimum(jnp.maximum((k0 - off) + lane, 0), max_len - 1)
            row_v[pl.ds(k0, _LANES)] = plsc.load_gather(emb_v, [kk * d + e])

        pltpu.async_copy(row_v, at_hbm.at[pl.ds(e * a_cols, a_cols)], sem).wait()

    return build_at


def _emit_rows_tc(q_len, v_len, max_len, d):
    a_cols = q_len + v_len
    rpb = 128
    jb = v_len // 2
    assert q_len % rpb == 0 and jb % 128 == 0 and rpb % 128 == 0

    sup = jb + 128

    def body(at_ref, o_ref):
        g = pl.program_id(0)
        h = pl.program_id(1)
        for r in range(rpb):
            i = g * rpb + r
            s = (q_len - 1) - i
            t = ((q_len - 1) - r) % 128
            base = pl.multiple_of((s - t) + h * jb, 128)
            win = at_ref[:, pl.ds(base, sup)]
            o_ref[r] = pltpu.roll(win, sup - t, axis=1)[:, :jb]

    return pl.pallas_call(
        body,
        grid=(q_len // rpb, v_len // jb),
        in_specs=[
            pl.BlockSpec((d, a_cols), lambda g, h: (0, 0)),
        ],
        out_specs=pl.BlockSpec((rpb, d, jb), lambda g, h: (g, 0, h)),
        out_shape=jax.ShapeDtypeStruct((q_len, d, v_len), jnp.float32),
    )


def kernel(q, v, embeddings):
    q_len = int(q.shape[1])
    v_len = int(v.shape[1])
    max_len, d = int(embeddings.shape[0]), int(embeddings.shape[1])
    at_flat = _build_at_call(q_len, v_len, max_len, d)(embeddings.reshape(max_len * d))
    a_t = at_flat.reshape(d, q_len + v_len)
    out_t = _emit_rows_tc(q_len, v_len, max_len, d)(a_t)
    return jnp.swapaxes(out_t, 1, 2)

# --- scband reference (transcript-rebuilt; emitter-appended) ---
"""Pipeline reference for scband-relative-position-embedding-19095424598690 (READ-ONLY COPY).

The authoritative reference and input builder live on the scoring server;
editing this copy changes nothing except your own understanding.
"""

import jax, jax.numpy as jnp
import numpy as np

MAX_LEN = 1023
OUTPUT_DIM = 32

def setup_inputs(seed: int = 0) -> dict:
    key = jax.random.key(seed)
    k1, k2, k3 = jax.random.split(key, 3)
    q = jax.random.normal(k1, (2, 2048, 1024), dtype=jnp.float32)
    v = jax.random.normal(k2, (2, 2048, 1024), dtype=jnp.float32)
    # learned relative-position embedding table (zeros-init in the original;
    # use small random values so the output is non-trivial)
    embeddings = jax.random.normal(k3, (MAX_LEN, OUTPUT_DIM), dtype=jnp.float32) * 0.02
    return {"q": q, "v": v, "embeddings": embeddings}

def reference(q, v, embeddings):
    q_len = q.shape[1]
    v_len = v.shape[1]
    q_idx = jnp.arange(q_len, dtype=jnp.int32)[:, None]
    v_idx = jnp.arange(v_len, dtype=jnp.int32)[None, :]
    position_idx = v_idx - q_idx
    max_len = embeddings.shape[0]
    max_position = (max_len - 1) // 2
    position_idx = jnp.clip(position_idx, -max_position, max_position)
    position_idx = position_idx + max_position
    return jnp.take(embeddings, position_idx, axis=0)

if __name__ == "__main__":
    import jax
    _d = setup_inputs()
    print(jax.jit(kernel)(*tuple(_d.values())))

</pallas_src>

<mosaic_0001>
#map = affine_map<(d0, d1) -> (0)>
module attributes {stable_mosaic.version = 14 : i64} {
  func.func @build_at(%arg0: i32, %arg1: i32, %arg2: memref<32736xf32, #tpu.memory_space<hbm>>, %arg3: memref<131072xf32, #tpu.memory_space<hbm>>, %arg4: memref<32736xf32, #tpu.memory_space<vmem>>, %arg5: memref<4096xf32, #tpu.memory_space<vmem>>, %arg6: memref<!tpu.dma_semaphore, #tpu.memory_space<semaphore_mem>>) attributes {dimension_semantics = [#tpu.dimension_semantics<core_parallel>, #tpu.dimension_semantics<subcore_parallel>], iteration_bounds = array<i64: 2, 16>, scalar_prefetch = 0 : i64, scratch_operands = 3 : i64, tpu.core_type = #tpu.core_type<sc_vector_subcore>, window_params = [{transform_indices = #map}, {transform_indices = #map}]} {
    %mul3A = arith.constant 16 : i32
    %mul3A_0 = arith.muli %arg0, %mul3A : i32
    %add3A = arith.addi %mul3A_0, %arg1 : i32
    tpu.enqueue_dma source(%arg2 : memref<32736xf32, #tpu.memory_space<hbm>>) target(%arg4 : memref<32736xf32, #tpu.memory_space<vmem>>) target_semaphore(%arg6 : memref<!tpu.dma_semaphore, #tpu.memory_space<semaphore_mem>>)
    tpu.wait_dma2 semaphore(%arg6 : memref<!tpu.dma_semaphore, #tpu.memory_space<semaphore_mem>>) src(%arg2 : memref<32736xf32, #tpu.memory_space<hbm>>) dst(%arg4 : memref<32736xf32, #tpu.memory_space<vmem>>)
    %iota3A = tpu.iota {dimensions = array<i32: 0>} : vector<16xi32>
    %scan3A = arith.constant 0 : i32
    %scan3A_1 = arith.constant 256 : i32
    %scan3A_2 = arith.addi %scan3A, %scan3A_1 : i32
    %scan3A_3 = arith.constant 1 : i32
    scf.for %scan3A_9 = %scan3A to %scan3A_2 step %scan3A_3  : i32 {
      %mul3A_10 = arith.constant 16 : i32
      %mul3A_11 = arith.muli %scan3A_9, %mul3A_10 : i32
      %add3A_12 = arith.constant 0 : i32
      %add3A_13 = arith.addi %add3A_12, %mul3A_11 : i32
      %sub3A = arith.constant 1536 : i32
      %sub3A_14 = arith.subi %add3A_13, %sub3A : i32
      %add3A_15 = vector.broadcast %sub3A_14 : i32 to vector<16xi32>
      %add3A_16 = arith.addi %add3A_15, %iota3A : vector<16xi32>
      %max3A = arith.constant 0 : i32
      %max3A_17 = vector.broadcast %max3A : i32 to vector<16xi32>
      %max3A_18 = arith.maxsi %add3A_16, %max3A_17 : vector<16xi32>
      %min3A = arith.constant 1022 : i32
      %min3A_19 = vector.broadcast %min3A : i32 to vector<16xi32>
      %min3A_20 = arith.minsi %max3A_18, %min3A_19 : vector<16xi32>
      %mul3A_21 = arith.constant 32 : i32
      %mul3A_22 = vector.broadcast %mul3A_21 : i32 to vector<16xi32>
      %mul3A_23 = arith.muli %min3A_20, %mul3A_22 : vector<16xi32>
      %add3A_24 = vector.broadcast %add3A : i32 to vector<16xi32>
      %add3A_25 = arith.addi %mul3A_23, %add3A_24 : vector<16xi32>
      %gather3A = tpu.vector_load_idx %arg4[%add3A_25] : memref<32736xf32, #tpu.memory_space<vmem>>[vector<16xi32>], vector<16xf32>,
      %swap3A = arith.index_cast %add3A_13 : i32 to index
      %swap3A_26 = tpu.vector_load %arg5[%swap3A] {strides = array<i32>} : memref<4096xf32, #tpu.memory_space<vmem>>, vector<16xf32>,
      tpu.vector_store %arg5[%swap3A], %gather3A {strides = array<i32>} : memref<4096xf32, #tpu.memory_space<vmem>>, vector<16xf32>,
    }
    %scan3A_4 = arith.constant 256 : i32
    %mul3A_5 = arith.constant 4096 : i32
    %mul3A_6 = arith.muli %add3A, %mul3A_5 : i32
    %dma_start3A = tpu.memref_slice %arg3[%mul3A_6] : memref<131072xf32, #tpu.memory_space<hbm>> -> memref<4096xf32, #tpu.memory_space<hbm>>
    %dma_start3A_7 = tpu.memref_slice %arg3[%mul3A_6] : memref<131072xf32, #tpu.memory_space<hbm>> -> memref<4096xf32, #tpu.memory_space<hbm>>
    tpu.enqueue_dma source(%arg5 : memref<4096xf32, #tpu.memory_space<vmem>>) target(%dma_start3A_7 : memref<4096xf32, #tpu.memory_space<hbm>>) target_semaphore(%arg6 : memref<!tpu.dma_semaphore, #tpu.memory_space<semaphore_mem>>)
    %dma_wait3A = tpu.memref_slice %arg3[%mul3A_6] : memref<131072xf32, #tpu.memory_space<hbm>> -> memref<4096xf32, #tpu.memory_space<hbm>>
    %dma_wait3A_8 = tpu.memref_slice %arg3[%mul3A_6] : memref<131072xf32, #tpu.memory_space<hbm>> -> memref<4096xf32, #tpu.memory_space<hbm>>
    tpu.wait_dma2 semaphore(%arg6 : memref<!tpu.dma_semaphore, #tpu.memory_space<semaphore_mem>>) src(%arg5 : memref<4096xf32, #tpu.memory_space<vmem>>) dst(%dma_wait3A_8 : memref<4096xf32, #tpu.memory_space<hbm>>)
    return
  }
}

module attributes {stable_mosaic.version = 14 : i64} {
  func.func @body(%arg0: i32, %arg1: i32, %arg2: memref<32x4096xf32, #tpu.memory_space<vmem>>, %arg3: memref<128x32x1024xf32, #tpu.memory_space<vmem>>) attributes {dimension_semantics = [#tpu.dimension_semantics<arbitrary>, #tpu.dimension_semantics<arbitrary>], iteration_bounds = array<i64: 16, 2>, scalar_prefetch = 0 : i64, scratch_operands = 0 : i64, tpu.core_type = #tpu.core_type<tc>, window_params = [{pipeline_mode = #tpu.pipeline_mode<synchronous>, transform_indices = @transform_0, window_bounds = array<i64: 32, 4096>}, {transform_indices = @transform_1, window_bounds = array<i64: 128, 32, 1024>}]} {
    %mul3A = arith.constant 128 : i32
    %mul3A_0 = arith.muli %arg0, %mul3A : i32
    %add3A = arith.constant 0 : i32
    %add3A_1 = arith.addi %mul3A_0, %add3A : i32
    %sub3A = arith.constant 2047 : i32
    %sub3A_2 = arith.subi %sub3A, %add3A_1 : i32
    %sub3A_3 = arith.constant 127 : i32
    %sub3A_4 = arith.subi %sub3A_2, %sub3A_3 : i32
    %mul3A_5 = arith.constant 1024 : i32
    %mul3A_6 = arith.muli %arg1, %mul3A_5 : i32
    %add3A_7 = arith.addi %sub3A_4, %mul3A_6 : i32
    %multiple_of3A = tpu.assume_multiple %add3A_7, 128 : i32
    %get3A = arith.constant 0 : index
    %get3A_8 = arith.index_cast %multiple_of3A : i32 to index
    %get3A_9 = vector.load %arg2[%get3A, %get3A_8] : memref<32x4096xf32, #tpu.memory_space<vmem>>, vector<32x1152xf32>
    %roll3A = arith.constant 1025 : i32
    %roll3A_10 = tpu.dynamic_rotate %get3A_9 by %roll3A dim 1 : vector<32x1152xf32>, i32 -> vector<32x1152xf32>
    %slice3A = vector.extract_strided_slice %roll3A_10 {offsets = [0, 0], sizes = [32, 1024], strides = [1, 1]} : vector<32x1152xf32> to vector<32x1024xf32>
    %swap3A = arith.constant 0 : index
    %swap3A_11 = arith.constant 0 : index
    %swap3A_12 = arith.constant 0 : index
    %swap3A_13 = vector.load %arg3[%swap3A, %swap3A_11, %swap3A_12] : memref<128x32x1024xf32, #tpu.memory_space<vmem>>, vector<1x32x1024xf32>
    %swap3A_14 = vector.shape_cast %swap3A_13 : vector<1x32x1024xf32> to vector<32x1024xf32>
    %swap3A_15 = vector.shape_cast %slice3A : vector<32x1024xf32> to vector<1x32x1024xf32>
    tpu.vector_store %arg3[%swap3A, %swap3A_11, %swap3A_12], %swap3A_15 {strides = array<i32>} : memref<128x32x1024xf32, #tpu.memory_space<vmem>>, vector<1x32x1024xf32>,
    %mul3A_16 = arith.constant 128 : i32
    %mul3A_17 = arith.muli %arg0, %mul3A_16 : i32
    %add3A_18 = arith.constant 1 : i32
    %add3A_19 = arith.addi %mul3A_17, %add3A_18 : i32
    %sub3A_20 = arith.constant 2047 : i32
    %sub3A_21 = arith.subi %sub3A_20, %add3A_19 : i32
    %sub3A_22 = arith.constant 126 : i32
    %sub3A_23 = arith.subi %sub3A_21, %sub3A_22 : i32
    %mul3A_24 = arith.constant 1024 : i32
    %mul3A_25 = arith.muli %arg1, %mul3A_24 : i32
    %add3A_26 = arith.addi %sub3A_23, %mul3A_25 : i32
    %multiple_of3A_27 = tpu.assume_multiple %add3A_26, 128 : i32
    %get3A_28 = arith.constant 0 : index
    %get3A_29 = arith.index_cast %multiple_of3A_27 : i32 to index
    %get3A_30 = vector.load %arg2[%get3A_28, %get3A_29] : memref<32x4096xf32, #tpu.memory_space<vmem>>, vector<32x1152xf32>
    %roll3A_31 = arith.constant 1026 : i32
    %roll3A_32 = tpu.dynamic_rotate %get3A_30 by %roll3A_31 dim 1 : vector<32x1152xf32>, i32 -> vector<32x1152xf32>
    %slice3A_33 = vector.extract_strided_slice %roll3A_32 {offsets = [0, 0], sizes = [32, 1024], strides = [1, 1]} : vector<32x1152xf32> to vector<32x1024xf32>
    %swap3A_34 = arith.constant 1 : index
    %swap3A_35 = arith.constant 0 : index
    %swap3A_36 = arith.constant 0 : index
    %swap3A_37 = vector.load %arg3[%swap3A_34, %swap3A_35, %swap3A_36] : memref<128x32x1024xf32, #tpu.memory_space<vmem>>, vector<1x32x1024xf32>
    %swap3A_38 = vector.shape_cast %swap3A_37 : vector<1x32x1024xf32> to vector<32x1024xf32>
    %swap3A_39 = vector.shape_cast %slice3A_33 : vector<32x1024xf32> to vector<1x32x1024xf32>
    tpu.vector_store %arg3[%swap3A_34, %swap3A_35, %swap3A_36], %swap3A_39 {strides = array<i32>} : memref<128x32x1024xf32, #tpu.memory_space<vmem>>, vector<1x32x1024xf32>,
    %mul3A_40 = arith.constant 128 : i32
    %mul3A_41 = arith.muli %arg0, %mul3A_40 : i32
    %add3A_42 = arith.constant 2 : i32
    %add3A_43 = arith.addi %mul3A_41, %add3A_42 : i32
    %sub3A_44 = arith.constant 2047 : i32
    %sub3A_45 = arith.subi %sub3A_44, %add3A_43 : i32
    %sub3A_46 = arith.constant 125 : i32
    %sub3A_47 = arith.subi %sub3A_45, %sub3A_46 : i32
    %mul3A_48 = arith.constant 1024 : i32
    %mul3A_49 = arith.muli %arg1, %mul3A_48 : i32
    %add3A_50 = arith.addi %sub3A_47, %mul3A_49 : i32
    %multiple_of3A_51 = tpu.assume_multiple %add3A_50, 128 : i32
    %get3A_52 = arith.constant 0 : index
    %get3A_53 = arith.index_cast %multiple_of3A_51 : i32 to index
    %get3A_54 = vector.load %arg2[%get3A_52, %get3A_53] : memref<32x4096xf32, #tpu.memory_space<vmem>>, vector<32x1152xf32>
    %roll3A_55 = arith.constant 1027 : i32
    %roll3A_56 = tpu.dynamic_rotate %get3A_54 by %roll3A_55 dim 1 : vector<32x1152xf32>, i32 -> vector<32x1152xf32>
    %slice3A_57 = vector.extract_strided_slice %roll3A_56 {offsets = [0, 0], sizes = [32, 1024], strides = [1, 1]} : vector<32x1152xf32> to vector<32x1024xf32>
    %swap3A_58 = arith.constant 2 : index
    %swap3A_59 = arith.constant 0 : index
    %swap3A_60 = arith.constant 0 : index
    %swap3A_61 = vector.load %arg3[%swap3A_58, %swap3A_59, %swap3A_60] : memref<128x32x1024xf32, #tpu.memory_space<vmem>>, vector<1x32x1024xf32>
    %swap3A_62 = vector.shape_cast %swap3A_61 : vector<1x32x1024xf32> to vector<32x1024xf32>
    %swap3A_63 = vector.shape_cast %slice3A_57 : vector<32x1024xf32> to vector<1x32x1024xf32>
    tpu.vector_store %arg3[%swap3A_58, %swap3A_59, %swap3A_60], %swap3A_63 {strides = array<i32>} : memref<128x32x1024xf32, #tpu.memory_space<vmem>>, vector<1x32x1024xf32>,
    %mul3A_64 = arith.constant 128 : i32
    %mul3A_65 = arith.muli %arg0, %mul3A_64 : i32
    %add3A_66 = arith.constant 3 : i32
    %add3A_67 = arith.addi %mul3A_65, %add3A_66 : i32
    %sub3A_68 = arith.constant 2047 : i32
    %sub3A_69 = arith.subi %sub3A_68, %add3A_67 : i32
    %sub3A_70 = arith.constant 124 : i32
    %sub3A_71 = arith.subi %sub3A_69, %sub3A_70 : i32
    %mul3A_72 = arith.constant 1024 : i32
    %mul3A_73 = arith.muli %arg1, %mul3A_72 : i32
    %add3A_74 = arith.addi %sub3A_71, %mul3A_73 : i32
    %multiple_of3A_75 = tpu.assume_multiple %add3A_74, 128 : i32
    %get3A_76 = arith.constant 0 : index
    %get3A_77 = arith.index_cast %multiple_of3A_75 : i32 to index
    %get3A_78 = vector.load %arg2[%get3A_76, %get3A_77] : memref<32x4096xf32, #tpu.memory_space<vmem>>, vector<32x1152xf32>
    %roll3A_79 = arith.constant 1028 : i32
    %roll3A_80 = tpu.dynamic_rotate %get3A_78 by %roll3A_79 dim 1 : vector<32x1152xf32>, i32 -> vector<32x1152xf32>
    %slice3A_81 = vector.extract_strided_slice %roll3A_80 {offsets = [0, 0], sizes = [32, 1024], strides = [1, 1]} : vector<32x1152xf32> to vector<32x1024xf32>
    %swap3A_82 = arith.constant 3 : index
    %swap3A_83 = arith.constant 0 : index
    %swap3A_84 = arith.constant 0 : index
    %swap3A_85 = vector.load %arg3[%swap3A_82, %swap3A_83, %swap3A_84] : memref<128x32x1024xf32, #tpu.memory_space<vmem>>, vector<1x32x1024xf32>
    %swap3A_86 = vector.shape_cast %swap3A_85 : vector<1x32x1024xf32> to vector<32x1024xf32>
    %swap3A_87 = vector.shape_cast %slice3A_81 : vector<32x1024xf32> to vector<1x32x1024xf32>
    tpu.vector_store %arg3[%swap3A_82, %swap3A_83, %swap3A_84], %swap3A_87 {strides = array<i32>} : memref<128x32x1024xf32, #tpu.memory_space<vmem>>, vector<1x32x1024xf32>,
    %mul3A_88 = arith.constant 128 : i32
    %mul3A_89 = arith.muli %arg0, %mul3A_88 : i32
    %add3A_90 = arith.constant 4 : i32
    %add3A_91 = arith.addi %mul3A_89, %add3A_90 : i32
    %sub3A_92 = arith.constant 2047 : i32
    %sub3A_93 = arith.subi %sub3A_92, %add3A_91 : i32
    %sub3A_94 = arith.constant 123 : i32
    %sub3A_95 = arith.subi %sub3A_93, %sub3A_94 : i32
    %mul3A_96 = arith.constant 1024 : i32
    %mul3A_97 = arith.muli %arg1, %mul3A_96 : i32
    %add3A_98 = arith.addi %sub3A_95, %mul3A_97 : i32
    %multiple_of3A_99 = tpu.assume_multiple %add3A_98, 128 : i32
    %get3A_100 = arith.constant 0 : index
    %get3A_101 = arith.index_cast %multiple_of3A_99 : i32 to index
    %get3A_102 = vector.load %arg2[%get3A_100, %get3A_101] : memref<32x4096xf32, #tpu.memory_space<vmem>>, vector<32x1152xf32>
    %roll3A_103 = arith.constant 1029 : i32
    %roll3A_104 = tpu.dynamic_rotate %get3A_102 by %roll3A_103 dim 1 : vector<32x1152xf32>, i32 -> vector<32x1152xf32>
    %slice3A_105 = vector.extract_strided_slice %roll3A_104 {offsets = [0, 0], sizes = [32, 1024], strides = [1, 1]} : vector<32x1152xf32> to vector<32x1024xf32>
    %swap3A_106 = arith.constant 4 : index
    %swap3A_107 = arith.constant 0 : index
    %swap3A_108 = arith.constant 0 : index
    %swap3A_109 = vector.load %arg3[%swap3A_106, %swap3A_107, %swap3A_108] : memref<128x32x1024xf32, #tpu.memory_space<vmem>>, vector<1x32x1024xf32>
    %swap3A_110 = vector.shape_cast %swap3A_109 : vector<1x32x1024xf32> to vector<32x1024xf32>
    %swap3A_111 = vector.shape_cast %slice3A_105 : vector<32x1024xf32> to vector<1x32x1024xf32>
    tpu.vector_store %arg3[%swap3A_106, %swap3A_107, %swap3A_108], %swap3A_111 {strides = array<i32>} : memref<128x32x1024xf32, #tpu.memory_space<vmem>>, vector<1x32x1024xf32>,
    %mul3A_112 = arith.constant 128 : i32
    %mul3A_113 = arith.muli %arg0, %mul3A_112 : i32
    %add3A_114 = arith.constant 5 : i32
    %add3A_115 = arith.addi %mul3A_113, %add3A_114 : i32
    %sub3A_116 = arith.constant 2047 : i32
    %sub3A_117 = arith.subi %sub3A_116, %add3A_115 : i32
    %sub3A_118 = arith.constant 122 : i32
    %sub3A_119 = arith.subi %sub3A_117, %sub3A_118 : i32
    %mul3A_120 = arith.constant 1024 : i32
    %mul3A_121 = arith.muli %arg1, %mul3A_120 : i32
    %add3A_122 = arith.addi %sub3A_119, %mul3A_121 : i32
    %multiple_of3A_123 = tpu.assume_multiple %add3A_122, 128 : i32
    %get3A_124 = arith.constant 0 : index
    %get3A_125 = arith.index_cast %multiple_of3A_123 : i32 to index
    %get3A_126 = vector.load %arg2[%get3A_124, %get3A_125] : memref<32x4096xf32, #tpu.memory_space<vmem>>, vector<32x1152xf32>
    %roll3A_127 = arith.constant 1030 : i32
    %roll3A_128 = tpu.dynamic_rotate %get3A_126 by %roll3A_127 dim 1 : vector<32x1152xf32>, i32 -> vector<32x1152xf32>
    %slice3A_129 = vector.extract_strided_slice %roll3A_128 {offsets = [0, 0], sizes = [32, 1024], strides = [1, 1]} : vector<32x1152xf32> to vector<32x1024xf32>
    %swap3A_130 = arith.constant 5 : index
    %swap3A_131 = arith.constant 0 : index
    %swap3A_132 = arith.constant 0 : index
    %swap3A_133 = vector.load %arg3[%swap3A_130, %swap3A_131, %swap3A_132] : memref<128x32x1024xf32, #tpu.memory_space<vmem>>, vector<1x32x1024xf32>
    %swap3A_134 = vector.shape_cast %swap3A_133 : vector<1x32x1024xf32> to vector<32x1024xf32>
    %swap3A_135 = vector.shape_cast %slice3A_129 : vector<32x1024xf32> to vector<1x32x1024xf32>
    tpu.vector_store %arg3[%swap3A_130, %swap3A_131, %swap3A_132], %swap3A_135 {strides = array<i32>} : memref<128x32x1024xf32, #tpu.memory_space<vmem>>, vector<1x32x1024xf32>,
    %mul3A_136 = arith.constant 128 : i32
    %mul3A_137 = arith.muli %arg0, %mul3A_136 : i32
    %add3A_138 = arith.constant 6 : i32
    %add3A_139 = arith.addi %mul3A_137, %add3A_138 : i32
    %sub3A_140 = arith.constant 2047 : i32
    %sub3A_141 = arith.subi %sub3A_140, %add3A_139 : i32
    %sub3A_142 = arith.constant 121 : i32
    %sub3A_143 = arith.subi %sub3A_141, %sub3A_142 : i32
    %mul3A_144 = arith.constant 1024 : i32
    %mul3A_145 = arith.muli %arg1, %mul3A_144 : i32
    %add3A_146 = arith.addi %sub3A_143, %mul3A_145 : i32
    %multiple_of3A_147 = tpu.assume_multiple %add3A_146, 128 : i32
    %get3A_148 = arith.constant 0 : index
    %get3A_149 = arith.index_cast %multiple_of3A_147 : i32 to index
    %get3A_150 = vector.load %arg2[%get3A_148, %get3A_149] : memref<32x4096xf32, #tpu.memory_space<vmem>>, vector<32x1152xf32>
    %roll3A_151 = arith.constant 1031 : i32
    %roll3A_152 = tpu.dynamic_rotate %get3A_150 by %roll3A_151 dim 1 : vector<32x1152xf32>, i32 -> vector<32x1152xf32>
    %slice3A_153 = vector.extract_strided_slice %roll3A_152 {offsets = [0, 0], sizes = [32, 1024], strides = [1, 1]} : vector<32x1152xf32> to vector<32x1024xf32>
    %swap3A_154 = arith.constant 6 : index
    %swap3A_155 = arith.constant 0 : index
    %swap3A_156 = arith.constant 0 : index
    %swap3A_157 = vector.load %arg3[%swap3A_154, %swap3A_155, %swap3A_156] : memref<128x32x1024xf32, #tpu.memory_space<vmem>>, vector<1x32x1024xf32>
    %swap3A_158 = vector.shape_cast %swap3A_157 : vector<1x32x1024xf32> to vector<32x1024xf32>
    %swap3A_159 = vector.shape_cast %slice3A_153 : vector<32x1024xf32> to vector<1x32x1024xf32>
    tpu.vector_store %arg3[%swap3A_154, %swap3A_155, %swap3A_156], %swap3A_159 {strides = array<i32>} : memref<128x32x1024xf32, #tpu.memory_space<vmem>>, vector<1x32x1024xf32>,
    %mul3A_160 = arith.constant 128 : i32
    %mul3A_161 = arith.muli %arg0, %mul3A_160 : i32
    %add3A_162 = arith.constant 7 : i32
    %add3A_163 = arith.addi %mul3A_161, %add3A_162 : i32
    %sub3A_164 = arith.constant 2047 : i32
    %sub3A_165 = arith.subi %sub3A_164, %add3A_163 : i32
    %sub3A_166 = arith.constant 120 : i32
    %sub3A_167 = arith.subi %sub3A_165, %sub3A_166 : i32
    %mul3A_168 = arith.constant 1024 : i32
    %mul3A_169 = arith.muli %arg1, %mul3A_168 : i32
    %add3A_170 = arith.addi %sub3A_167, %mul3A_169 : i32
    %multiple_of3A_171 = tpu.assume_multiple %add3A_170, 128 : i32
    %get3A_172 = arith.constant 0 : index
    %get3A_173 = arith.index_cast %multiple_of3A_171 : i32 to index
    %get3A_174 = vector.load %arg2[%get3A_172, %get3A_173] : memref<32x4096xf32, #tpu.memory_space<vmem>>, vector<32x1152xf32>
    %roll3A_175 = arith.constant 1032 : i32
    %roll3A_176 = tpu.dynamic_rotate %get3A_174 by %roll3A_175 dim 1 : vector<32x1152xf32>, i32 -> vector<32x1152xf32>
    %slice3A_177 = vector.extract_strided_slice %roll3A_176 {offsets = [0, 0], sizes = [32, 1024], strides = [1, 1]} : vector<32x1152xf32> to vector<32x1024xf32>
    %swap3A_178 = arith.constant 7 : index
    %swap3A_179 = arith.constant 0 : index
    %swap3A_180 = arith.constant 0 : index
    %swap3A_181 = vector.load %arg3[%swap3A_178, %swap3A_179, %swap3A_180] : memref<128x32x1024xf32, #tpu.memory_space<vmem>>, vector<1x32x1024xf32>
    %swap3A_182 = vector.shape_cast %swap3A_181 : vector<1x32x1024xf32> to vector<32x1024xf32>
    %swap3A_183 = vector.shape_cast %slice3A_177 : vector<32x1024xf32> to vector<1x32x1024xf32>
    tpu.vector_store %arg3[%swap3A_178, %swap3A_179, %swap3A_180], %swap3A_183 {strides = array<i32>} : memref<128x32x1024xf32, #tpu.memory_space<vmem>>, vector<1x32x1024xf32>,
    %mul3A_184 = arith.constant 128 : i32
    %mul3A_185 = arith.muli %arg0, %mul3A_184 : i32
    %add3A_186 = arith.constant 8 : i32
    %add3A_187 = arith.addi %mul3A_185, %add3A_186 : i32
    %sub3A_188 = arith.constant 2047 : i32
    %sub3A_189 = arith.subi %sub3A_188, %add3A_187 : i32
    %sub3A_190 = arith.constant 119 : i32
    %sub3A_191 = arith.subi %sub3A_189, %sub3A_190 : i32
    %mul3A_192 = arith.constant 1024 : i32
    %mul3A_193 = arith.muli %arg1, %mul3A_192 : i32
    %add3A_194 = arith.addi %sub3A_191, %mul3A_193 : i32
    %multiple_of3A_195 = tpu.assume_multiple %add3A_194, 128 : i32
    %get3A_196 = arith.constant 0 : index
    %get3A_197 = arith.index_cast %multiple_of3A_195 : i32 to index
    %get3A_198 = vector.load %arg2[%get3A_196, %get3A_197] : memref<32x4096xf32, #tpu.memory_space<vmem>>, vector<32x1152xf32>
    %roll3A_199 = arith.constant 1033 : i32
    %roll3A_200 = tpu.dynamic_rotate %get3A_198 by %roll3A_199 dim 1 : vector<32x1152xf32>, i32 -> vector<32x1152xf32>
    %slice3A_201 = vector.extract_strided_slice %roll3A_200 {offsets = [0, 0], sizes = [32, 1024], strides = [1, 1]} : vector<32x1152xf32> to vector<32x1024xf32>
    %swap3A_202 = arith.constant 8 : index
    %swap3A_203 = arith.constant 0 : index
    %swap3A_204 = arith.constant 0 : index
    %swap3A_205 = vector.load %arg3[%swap3A_202, %swap3A_203, %swap3A_204] : memref<128x32x1024xf32, #tpu.memory_space<vmem>>, vector<1x32x1024xf32>
    %swap3A_206 = vector.shape_cast %swap3A_205 : vector<1x32x1024xf32> to vector<32x1024xf32>
    %swap3A_207 = vector.shape_cast %slice3A_201 : vector<32x1024xf32> to vector<1x32x1024xf32>
    tpu.vector_store %arg3[%swap3A_202, %swap3A_203, %swap3A_204], %swap3A_207 {strides = array<i32>} : memref<128x32x1024xf32, #tpu.memory_space<vmem>>, vector<1x32x1024xf32>,
    %mul3A_208 = arith.constant 128 : i32
    %mul3A_209 = arith.muli %arg0, %mul3A_208 : i32
    %add3A_210 = arith.constant 9 : i32
    %add3A_211 = arith.addi %mul3A_209, %add3A_210 : i32
    %sub3A_212 = arith.constant 2047 : i32
    %sub3A_213 = arith.subi %sub3A_212, %add3A_211 : i32
    %sub3A_214 = arith.constant 118 : i32
    %sub3A_215 = arith.subi %sub3A_213, %sub3A_214 : i32
    %mul3A_216 = arith.constant 1024 : i32
    %mul3A_217 = arith.muli %arg1, %mul3A_216 : i32
    %add3A_218 = arith.addi %sub3A_215, %mul3A_217 : i32
    %multiple_of3A_219 = tpu.assume_multiple %add3A_218, 128 : i32
    %get3A_220 = arith.constant 0 : index
    %get3A_221 = arith.index_cast %multiple_of3A_219 : i32 to index
    %get3A_222 = vector.load %arg2[%get3A_220, %get3A_221] : memref<32x4096xf32, #tpu.memory_space<vmem>>, vector<32x1152xf32>
    %roll3A_223 = arith.constant 1034 : i32
    %roll3A_224 = tpu.dynamic_rotate %get3A_222 by %roll3A_223 dim 1 : vector<32x1152xf32>, i32 -> vector<32x1152xf32>
    %slice3A_225 = vector.extract_strided_slice %roll3A_224 {offsets = [0, 0], sizes = [32, 1024], strides = [1, 1]} : vector<32x1152xf32> to vector<32x1024xf32>
    %swap3A_226 = arith.constant 9 : index
    %swap3A_227 = arith.constant 0 : index
    %swap3A_228 = arith.constant 0 : index
    %swap3A_229 = vector.load %arg3[%swap3A_226, %swap3A_227, %swap3A_228] : memref<128x32x1024xf32, #tpu.memory_space<vmem>>, vector<1x32x1024xf32>
    %swap3A_230 = vector.shape_cast %swap3A_229 : vector<1x32x1024xf32> to vector<32x1024xf32>
    %swap3A_231 = vector.shape_cast %slice3A_225 : vector<32x1024xf32> to vector<1x32x1024xf32>
    tpu.vector_store %arg3[%swap3A_226, %swap3A_227, %swap3A_228], %swap3A_231 {strides = array<i32>} : memref<128x32x1024xf32, #tpu.memory_space<vmem>>, vector<1x32x1024xf32>,
    %mul3A_232 = arith.constant 128 : i32
    %mul3A_233 = arith.muli %arg0, %mul3A_232 : i32
    %add3A_234 = arith.constant 10 : i32
    %add3A_235 = arith.addi %mul3A_233, %add3A_234 : i32
    %sub3A_236 = arith.constant 2047 : i32
    %sub3A_237 = arith.subi %sub3A_236, %add3A_235 : i32
    %sub3A_238 = arith.constant 117 : i32
    %sub3A_239 = arith.subi %sub3A_237, %sub3A_238 : i32
    %mul3A_240 = arith.constant 1024 : i32
    %mul3A_241 = arith.muli %arg1, %mul3A_240 : i32
    %add3A_242 = arith.addi %sub3A_239, %mul3A_241 : i32
    %multiple_of3A_243 = tpu.assume_multiple %add3A_242, 128 : i32
    %get3A_244 = arith.constant 0 : index
    %get3A_245 = arith.index_cast %multiple_of3A_243 : i32 to index
    %get3A_246 = vector.load %arg2[%get3A_244, %get3A_245] : memref<32x4096xf32, #tpu.memory_space<vmem>>, vector<32x1152xf32>
    %roll3A_247 = arith.constant 1035 : i32
    %roll3A_248 = tpu.dynamic_rotate %get3A_246 by %roll3A_247 dim 1 : vector<32x1152xf32>, i32 -> vector<32x1152xf32>
    %slice3A_249 = vector.extract_strided_slice %roll3A_248 {offsets = [0, 0], sizes = [32, 1024], strides = [1, 1]} : vector<32x1152xf32> to vector<32x1024xf32>
    %swap3A_250 = arith.constant 10 : index
    %swap3A_251 = arith.constant 0 : index
    %swap3A_252 = arith.constant 0 : index
    %swap3A_253 = vector.load %arg3[%swap3A_250, %swap3A_251, %swap3A_252] : memref<128x32x1024xf32, #tpu.memory_space<vmem>>, vector<1x32x1024xf32>
    %swap3A_254 = vector.shape_cast %swap3A_253 : vector<1x32x1024xf32> to vector<32x1024xf32>
    %swap3A_255 = vector.shape_cast %slice3A_249 : vector<32x1024xf32> to vector<1x32x1024xf32>
    tpu.vector_store %arg3[%swap3A_250, %swap3A_251, %swap3A_252], %swap3A_255 {strides = array<i32>} : memref<128x32x1024xf32, #tpu.memory_space<vmem>>, vector<1x32x1024xf32>,
    %mul3A_256 = arith.constant 128 : i32
    %mul3A_257 = arith.muli %arg0, %mul3A_256 : i32
    %add3A_258 = arith.constant 11 : i32
    %add3A_259 = arith.addi %mul3A_257, %add3A_258 : i32
    %sub3A_260 = arith.constant 2047 : i32
    %sub3A_261 = arith.subi %sub3A_260, %add3A_259 : i32
    %sub3A_262 = arith.constant 116 : i32
    %sub3A_263 = arith.subi %sub3A_261, %sub3A_262 : i32
    %mul3A_264 = arith.constant 1024 : i32
    %mul3A_265 = arith.muli %arg1, %mul3A_264 : i32
    %add3A_266 = arith.addi %sub3A_263, %mul3A_265 : i32
    %multiple_of3A_267 = tpu.assume_multiple %add3A_266, 128 : i32
    %get3A_268 = arith.constant 0 : index
    %get3A_269 = arith.index_cast %multiple_of3A_267 : i32 to index
    %get3A_270 = vector.load %arg2[%get3A_268, %get3A_269] : memref<32x4096xf32, #tpu.memory_space<vmem>>, vector<32x1152xf32>
    %roll3A_271 = arith.constant 1036 : i32
    %roll3A_272 = tpu.dynamic_rotate %get3A_270 by %roll3A_271 dim 1 : vector<32x1152xf32>, i32 -> vector<32x1152xf32>
    %slice3A_273 = vector.extract_strided_slice %roll3A_272 {offsets = [0, 0], sizes = [32, 1024], strides = [1, 1]} : vector<32x1152xf32> to vector<32x1024xf32>
    %swap3A_274 = arith.constant 11 : index
    %swap3A_275 = arith.constant 0 : index
    %swap3A_276 = arith.constant 0 : index
    %swap3A_277 = vector.load %arg3[%swap3A_274, %swap3A_275, %swap3A_276] : memref<128x32x1024xf32, #tpu.memory_space<vmem>>, vector<1x32x1024xf32>
    %swap3A_278 = vector.shape_cast %swap3A_277 : vector<1x32x1024xf32> to vector<32x1024xf32>
    %swap3A_279 = vector.shape_cast %slice3A_273 : vector<32x1024xf32> to vector<1x32x1024xf32>
    tpu.vector_store %arg3[%swap3A_274, %swap3A_275, %swap3A_276], %swap3A_279 {strides = array<i32>} : memref<128x32x1024xf32, #tpu.memory_space<vmem>>, vector<1x32x1024xf32>,
    %mul3A_280 = arith.constant 128 : i32
    %mul3A_281 = arith.muli %arg0, %mul3A_280 : i32
    %add3A_282 = arith.constant 12 : i32
    %add3A_283 = arith.addi %mul3A_281, %add3A_282 : i32
    %sub3A_284 = arith.constant 2047 : i32
    %sub3A_285 = arith.subi %sub3A_284, %add3A_283 : i32
    %sub3A_286 = arith.constant 115 : i32
    %sub3A_287 = arith.subi %sub3A_285, %sub3A_286 : i32
    %mul3A_288 = arith.constant 1024 : i32
    %mul3A_289 = arith.muli %arg1, %mul3A_288 : i32
    %add3A_290 = arith.addi %sub3A_287, %mul3A_289 : i32
    %multiple_of3A_291 = tpu.assume_multiple %add3A_290, 128 : i32
    %get3A_292 = arith.constant 0 : index
    %get3A_293 = arith.index_cast %multiple_of3A_291 : i32 to index
    %get3A_294 = vector.load %arg2[%get3A_292, %get3A_293] : memref<32x4096xf32, #tpu.memory_space<vmem>>, vector<32x1152xf32>
    %roll3A_295 = arith.constant 1037 : i32
    %roll3A_296 = tpu.dynamic_rotate %get3A_294 by %roll3A_295 dim 1 : vector<32x1152xf32>, i32 -> vector<32x1152xf32>
    %slice3A_297 = vector.extract_strided_slice %roll3A_296 {offsets = [0, 0], sizes = [32, 1024], strides = [1, 1]} : vector<32x1152xf32> to vector<32x1024xf32>
    %swap3A_298 = arith.constant 12 : index
    %swap3A_299 = arith.constant 0 : index
    %swap3A_300 = arith.constant 0 : index
    %swap3A_301 = vector.load %arg3[%swap3A_298, %swap3A_299, %swap3A_300] : memref<128x32x1024xf32, #tpu.memory_space<vmem>>, vector<1x32x1024xf32>
    %swap3A_302 = vector.shape_cast %swap3A_301 : vector<1x32x1024xf32> to vector<32x1024xf32>
    %swap3A_303 = vector.shape_cast %slice3A_297 : vector<32x1024xf32> to vector<1x32x1024xf32>
    tpu.vector_store %arg3[%swap3A_298, %swap3A_299, %swap3A_300], %swap3A_303 {strides = array<i32>} : memref<128x32x1024xf32, #tpu.memory_space<vmem>>, vector<1x32x1024xf32>,
    %mul3A_304 = arith.constant 128 : i32
    %mul3A_305 = arith.muli %arg0, %mul3A_304 : i32
    %add3A_306 = arith.constant 13 : i32
    %add3A_307 = arith.addi %mul3A_305, %add3A_306 : i32
    %sub3A_308 = arith.constant 2047 : i32
    %sub3A_309 = arith.subi %sub3A_308, %add3A_307 : i32
    %sub3A_310 = arith.constant 114 : i32
    %sub3A_311 = arith.subi %sub3A_309, %sub3A_310 : i32
    %mul3A_312 = arith.constant 1024 : i32
    %mul3A_313 = arith.muli %arg1, %mul3A_312 : i32
    %add3A_314 = arith.addi %sub3A_311, %mul3A_313 : i32
    %multiple_of3A_315 = tpu.assume_multiple %add3A_314, 128 : i32
    %get3A_316 = arith.constant 0 : index
    %get3A_317 = arith.index_cast %multiple_of3A_315 : i32 to index
    %get3A_318 = vector.load %arg2[%get3A_316, %get3A_317] : memref<32x4096xf32, #tpu.memory_space<vmem>>, vector<32x1152xf32>
    %roll3A_319 = arith.constant 1038 : i32
    %roll3A_320 = tpu.dynamic_rotate %get3A_318 by %roll3A_319 dim 1 : vector<32x1152xf32>, i32 -> vector<32x1152xf32>
    %slice3A_321 = vector.extract_strided_slice %roll3A_320 {offsets = [0, 0], sizes = [32, 1024], strides = [1, 1]} : vector<32x1152xf32> to vector<32x1024xf32>
    %swap3A_322 = arith.constant 13 : index
    %swap3A_323 = arith.constant 0 : index
    %swap3A_324 = arith.constant 0 : index
    %swap3A_325 = vector.load %arg3[%swap3A_322, %swap3A_323, %swap3A_324] : memref<128x32x1024xf32, #tpu.memory_space<vmem>>, vector<1x32x1024xf32>
    %swap3A_326 = vector.shape_cast %swap3A_325 : vector<1x32x1024xf32> to vector<32x1024xf32>
    %swap3A_327 = vector.shape_cast %slice3A_321 : vector<32x1024xf32> to vector<1x32x1024xf32>
    tpu.vector_store %arg3[%swap3A_322, %swap3A_323, %swap3A_324], %swap3A_327 {strides = array<i32>} : memref<128x32x1024xf32, #tpu.memory_space<vmem>>, vector<1x32x1024xf32>,
    %mul3A_328 = arith.constant 128 : i32
    %mul3A_329 = arith.muli %arg0, %mul3A_328 : i32
    %add3A_330 = arith.constant 14 : i32
    %add3A_331 = arith.addi %mul3A_329, %add3A_330 : i32
    %sub3A_332 = arith.constant 2047 : i32
    %sub3A_333 = arith.subi %sub3A_332, %add3A_331 : i32
    %sub3A_334 = arith.constant 113 : i32
    %sub3A_335 = arith.subi %sub3A_333, %sub3A_334 : i32
    %mul3A_336 = arith.constant 1024 : i32
    %mul3A_337 = arith.muli %arg1, %mul3A_336 : i32
    %add3A_338 = arith.addi %sub3A_335, %mul3A_337 : i32
    %multiple_of3A_339 = tpu.assume_multiple %add3A_338, 128 : i32
    %get3A_340 = arith.constant 0 : index
    %get3A_341 = arith.index_cast %multiple_of3A_339 : i32 to index
    %get3A_342 = vector.load %arg2[%get3A_340, %get3A_341] : memref<32x4096xf32, #tpu.memory_space<vmem>>, vector<32x1152xf32>
    %roll3A_343 = arith.constant 1039 : i32
    %roll3A_344 = tpu.dynamic_rotate %get3A_342 by %roll3A_343 dim 1 : vector<32x1152xf32>, i32 -> vector<32x1152xf32>
    %slice3A_345 = vector.extract_strided_slice %roll3A_344 {offsets = [0, 0], sizes = [32, 1024], strides = [1, 1]} : vector<32x1152xf32> to vector<32x1024xf32>
    %swap3A_346 = arith.constant 14 : index
    %swap3A_347 = arith.constant 0 : index
    %swap3A_348 = arith.constant 0 : index
    %swap3A_349 = vector.load %arg3[%swap3A_346, %swap3A_347, %swap3A_348] : memref<128x32x1024xf32, #tpu.memory_space<vmem>>, vector<1x32x1024xf32>
    %swap3A_350 = vector.shape_cast %swap3A_349 : vector<1x32x1024xf32> to vector<32x1024xf32>
    %swap3A_351 = vector.shape_cast %slice3A_345 : vector<32x1024xf32> to vector<1x32x1024xf32>
    tpu.vector_store %arg3[%swap3A_346, %swap3A_347, %swap3A_348], %swap3A_351 {strides = array<i32>} : memref<128x32x1024xf32, #tpu.memory_space<vmem>>, vector<1x32x1024xf32>,
    %mul3A_352 = arith.constant 128 : i32
    %mul3A_353 = arith.muli %arg0, %mul3A_352 : i32
    %add3A_354 = arith.constant 15 : i32
    %add3A_355 = arith.addi %mul3A_353, %add3A_354 : i32
    %sub3A_356 = arith.constant 2047 : i32
    %sub3A_357 = arith.subi %sub3A_356, %add3A_355 : i32
    %sub3A_358 = arith.constant 112 : i32
    %sub3A_359 = arith.subi %sub3A_357, %sub3A_358 : i32
    %mul3A_360 = arith.constant 1024 : i32
    %mul3A_361 = arith.muli %arg1, %mul3A_360 : i32
    %add3A_362 = arith.addi %sub3A_359, %mul3A_361 : i32
    %multiple_of3A_363 = tpu.assume_multiple %add3A_362, 128 : i32
    %get3A_364 = arith.constant 0 : index
    %get3A_365 = arith.index_cast %multiple_of3A_363 : i32 to index
    %get3A_366 = vector.load %arg2[%get3A_364, %get3A_365] : memref<32x4096xf32, #tpu.memory_space<vmem>>, vector<32x1152xf32>
    %roll3A_367 = arith.constant 1040 : i32
    %roll3A_368 = tpu.dynamic_rotate %get3A_366 by %roll3A_367 dim 1 : vector<32x1152xf32>, i32 -> vector<32x1152xf32>
    %slice3A_369 = vector.extract_strided_slice %roll3A_368 {offsets = [0, 0], sizes = [32, 1024], strides = [1, 1]} : vector<32x1152xf32> to vector<32x1024xf32>
    %swap3A_370 = arith.constant 15 : index
    %swap3A_371 = arith.constant 0 : index
    %swap3A_372 = arith.constant 0 : index
    %swap3A_373 = vector.load %arg3[%swap3A_370, %swap3A_371, %swap3A_372] : memref<128x32x1024xf32, #tpu.memory_space<vmem>>, vector<1x32x1024xf32>
    %swap3A_374 = vector.shape_cast %swap3A_373 : vector<1x32x1024xf32> to vector<32x1024xf32>
    %swap3A_375 = vector.shape_cast %slice3A_369 : vector<32x1024xf32> to vector<1x32x1024xf32>
    tpu.vector_store %arg3[%swap3A_370, %swap3A_371, %swap3A_372], %swap3A_375 {strides = array<i32>} : memref<128x32x1024xf32, #tpu.memory_space<vmem>>, vector<1x32x1024xf32>,
    %mul3A_376 = arith.constant 128 : i32
    %mul3A_377 = arith.muli %arg0, %mul3A_376 : i32
    %add3A_378 = arith.constant 16 : i32
    %add3A_379 = arith.addi %mul3A_377, %add3A_378 : i32
    %sub3A_380 = arith.constant 2047 : i32
    %sub3A_381 = arith.subi %sub3A_380, %add3A_379 : i32
    %sub3A_382 = arith.constant 111 : i32
    %sub3A_383 = arith.subi %sub3A_381, %sub3A_382 : i32
    %mul3A_384 = arith.constant 1024 : i32
    %mul3A_385 = arith.muli %arg1, %mul3A_384 : i32
    %add3A_386 = arith.addi %sub3A_383, %mul3A_385 : i32
    %multiple_of3A_387 = tpu.assume_multiple %add3A_386, 128 : i32
    %get3A_388 = arith.constant 0 : index
    %get3A_389 = arith.index_cast %multiple_of3A_387 : i32 to index
    %get3A_390 = vector.load %arg2[%get3A_388, %get3A_389] : memref<32x4096xf32, #tpu.memory_space<vmem>>, vector<32x1152xf32>
    %roll3A_391 = arith.constant 1041 : i32
    %roll3A_392 = tpu.dynamic_rotate %get3A_390 by %roll3A_391 dim 1 : vector<32x1152xf32>, i32 -> vector<32x1152xf32>
    %slice3A_393 = vector.extract_strided_slice %roll3A_392 {offsets = [0, 0], sizes = [32, 1024], strides = [1, 1]} : vector<32x1152xf32> to vector<32x1024xf32>
    %swap3A_394 = arith.constant 16 : index
    %swap3A_395 = arith.constant 0 : index
    %swap3A_396 = arith.constant 0 : index
    %swap3A_397 = vector.load %arg3[%swap3A_394, %swap3A_395, %swap3A_396] : memref<128x32x1024xf32, #tpu.memory_space<vmem>>, vector<1x32x1024xf32>
    %swap3A_398 = vector.shape_cast %swap3A_397 : vector<1x32x1024xf32> to vector<32x1024xf32>
    %swap3A_399 = vector.shape_cast %slice3A_393 : vector<32x1024xf32> to vector<1x32x1024xf32>
    tpu.vector_store %arg3[%swap3A_394, %swap3A_395, %swap3A_396], %swap3A_399 {strides = array<i32>} : memref<128x32x1024xf32, #tpu.memory_space<vmem>>, vector<1x32x1024xf32>,
    %mul3A_400 = arith.constant 128 : i32
    %mul3A_401 = arith.muli %arg0, %mul3A_400 : i32
    %add3A_402 = arith.constant 17 : i32
    %add3A_403 = arith.addi %mul3A_401, %add3A_402 : i32
    %sub3A_404 = arith.constant 2047 : i32
    %sub3A_405 = arith.subi %sub3A_404, %add3A_403 : i32
    %sub3A_406 = arith.constant 110 : i32
    %sub3A_407 = arith.subi %sub3A_405, %sub3A_406 : i32
    %mul3A_408 = arith.constant 1024 : i32
    %mul3A_409 = arith.muli %arg1, %mul3A_408 : i32
    %add3A_410 = arith.addi %sub3A_407, %mul3A_409 : i32
    %multiple_of3A_411 = tpu.assume_multiple %add3A_410, 128 : i32
    %get3A_412 = arith.constant 0 : index
    %get3A_413 = arith.index_cast %multiple_of3A_411 : i32 to index
    %get3A_414 = vector.load %arg2[%get3A_412, %get3A_413] : memref<32x4096xf32, #tpu.memory_space<vmem>>, vector<32x1152xf32>
    %roll3A_415 = arith.constant 1042 : i32
    %roll3A_416 = tpu.dynamic_rotate %get3A_414 by %roll3A_415 dim 1 : vector<32x1152xf32>, i32 -> vector<32x1152xf32>
    %slice3A_417 = vector.extract_strided_slice %roll3A_416 {offsets = [0, 0], sizes = [32, 1024], strides = [1, 1]} : vector<32x1152xf32> to vector<32x1024xf32>
    %swap3A_418 = arith.constant 17 : index
    %swap3A_419 = arith.constant 0 : index
    %swap3A_420 = arith.constant 0 : index
    %swap3A_421 = vector.load %arg3[%swap3A_418, %swap3A_419, %swap3A_420] : memref<128x32x1024xf32, #tpu.memory_space<vmem>>, vector<1x32x1024xf32>
    %swap3A_422 = vector.shape_cast %swap3A_421 : vector<1x32x1024xf32> to vector<32x1024xf32>
    %swap3A_423 = vector.shape_cast %slice3A_417 : vector<32x1024xf32> to vector<1x32x1024xf32>
    tpu.vector_store %arg3[%swap3A_418, %swap3A_419, %swap3A_420], %swap3A_423 {strides = array<i32>} : memref<128x32x1024xf32, #tpu.memory_space<vmem>>, vector<1x32x1024xf32>,
    %mul3A_424 = arith.constant 128 : i32
    %mul3A_425 = arith.muli %arg0, %mul3A_424 : i32
    %add3A_426 = arith.constant 18 : i32
    %add3A_427 = arith.addi %mul3A_425, %add3A_426 : i32
    %sub3A_428 = arith.constant 2047 : i32
    %sub3A_429 = arith.subi %sub3A_428, %add3A_427 : i32
    %sub3A_430 = arith.constant 109 : i32
    %sub3A_431 = arith.subi %sub3A_429, %sub3A_430 : i32
    %mul3A_432 = arith.constant 1024 : i32
    %mul3A_433 = arith.muli %arg1, %mul3A_432 : i32
    %add3A_434 = arith.addi %sub3A_431, %mul3A_433 : i32
    %multiple_of3A_435 = tpu.assume_multiple %add3A_434, 128 : i32
    %get3A_436 = arith.constant 0 : index
    %get3A_437 = arith.index_cast %multiple_of3A_435 : i32 to index
    %get3A_438 = vector.load %arg2[%get3A_436, %get3A_437] : memref<32x4096xf32, #tpu.memory_space<vmem>>, vector<32x1152xf32>
    %roll3A_439 = arith.constant 1043 : i32
    %roll3A_440 = tpu.dynamic_rotate %get3A_438 by %roll3A_439 dim 1 : vector<32x1152xf32>, i32 -> vector<32x1152xf32>
    %slice3A_441 = vector.extract_strided_slice %roll3A_440 {offsets = [0, 0], sizes = [32, 1024], strides = [1, 1]} : vector<32x1152xf32> to vector<32x1024xf32>
    %swap3A_442 = arith.constant 18 : index
    %swap3A_443 = arith.constant 0 : index
    %swap3A_444 = arith.constant 0 : index
    %swap3A_445 = vector.load %arg3[%swap3A_442, %swap3A_443, %swap3A_444] : memref<128x32x1024xf32, #tpu.memory_space<vmem>>, vector<1x32x1024xf32>
    %swap3A_446 = vector.shape_cast %swap3A_445 : vector<1x32x1024xf32> to vector<32x1024xf32>
    %swap3A_447 = vector.shape_cast %slice3A_441 : vector<32x1024xf32> to vector<1x32x1024xf32>
    tpu.vector_store %arg3[%swap3A_442, %swap3A_443, %swap3A_444], %swap3A_447 {strides = array<i32>} : memref<128x32x1024xf32, #tpu.memory_space<vmem>>, vector<1x32x1024xf32>,
    %mul3A_448 = arith.constant 128 : i32
    %mul3A_449 = arith.muli %arg0, %mul3A_448 : i32
    %add3A_450 = arith.constant 19 : i32
    %add3A_451 = arith.addi %mul3A_449, %add3A_450 : i32
    %sub3A_452 = arith.constant 2047 : i32
    %sub3A_453 = arith.subi %sub3A_452, %add3A_451 : i32
    %sub3A_454 = arith.constant 108 : i32
    %sub3A_455 = arith.subi %sub3A_453, %sub3A_454 : i32
    %mul3A_456 = arith.constant 1024 : i32
    %mul3A_457 = arith.muli %arg1, %mul3A_456 : i32
    %add3A_458 = arith.addi %sub3A_455, %mul3A_457 : i32
    %multiple_of3A_459 = tpu.assume_multiple %add3A_458, 128 : i32
    %get3A_460 = arith.constant 0 : index
    %get3A_461 = arith.index_cast %multiple_of3A_459 : i32 to index
    %get3A_462 = vector.load %arg2[%get3A_460, %get3A_461] : memref<32x4096xf32, #tpu.memory_space<vmem>>, vector<32x1152xf32>
    %roll3A_463 = arith.constant 1044 : i32
    %roll3A_464 = tpu.dynamic_rotate %get3A_462 by %roll3A_463 dim 1 : vector<32x1152xf32>, i32 -> vector<32x1152xf32>
    %slice3A_465 = vector.extract_strided_slice %roll3A_464 {offsets = [0, 0], sizes = [32, 1024], strides = [1, 1]} : vector<32x1152xf32> to vector<32x1024xf32>
    %swap3A_466 = arith.constant 19 : index
    %swap3A_467 = arith.constant 0 : index
    %swap3A_468 = arith.constant 0 : index
    %swap3A_469 = vector.load %arg3[%swap3A_466, %swap3A_467, %swap3A_468] : memref<128x32x1024xf32, #tpu.memory_space<vmem>>, vector<1x32x1024xf32>
    %swap3A_470 = vector.shape_cast %swap3A_469 : vector<1x32x1024xf32> to vector<32x1024xf32>
    %swap3A_471 = vector.shape_cast %slice3A_465 : vector<32x1024xf32> to vector<1x32x1024xf32>
    tpu.vector_store %arg3[%swap3A_466, %swap3A_467, %swap3A_468], %swap3A_471 {strides = array<i32>} : memref<128x32x1024xf32, #tpu.memory_space<vmem>>, vector<1x32x1024xf32>,
    %mul3A_472 = arith.constant 128 : i32
    %mul3A_473 = arith.muli %arg0, %mul3A_472 : i32
    %add3A_474 = arith.constant 20 : i32
    %add3A_475 = arith.addi %mul3A_473, %add3A_474 : i32
    %sub3A_476 = arith.constant 2047 : i32
    %sub3A_477 = arith.subi %sub3A_476, %add3A_475 : i32
    %sub3A_478 = arith.constant 107 : i32
    %sub3A_479 = arith.subi %sub3A_477, %sub3A_478 : i32
    %mul3A_480 = arith.constant 1024 : i32
    %mul3A_481 = arith.muli %arg1, %mul3A_480 : i32
    %add3A_482 = arith.addi %sub3A_479, %mul3A_481 : i32
    %multiple_of3A_483 = tpu.assume_multiple %add3A_482, 128 : i32
    %get3A_484 = arith.constant 0 : index
    %get3A_485 = arith.index_cast %multiple_of3A_483 : i32 to index
    %get3A_486 = vector.load %arg2[%get3A_484, %get3A_485] : memref<32x4096xf32, #tpu.memory_space<vmem>>, vector<32x1152xf32>
    %roll3A_487 = arith.constant 1045 : i32
    %roll3A_488 = tpu.dynamic_rotate %get3A_486 by %roll3A_487 dim 1 : vector<32x1152xf32>, i32 -> vector<32x1152xf32>
    %slice3A_489 = vector.extract_strided_slice %roll3A_488 {offsets = [0, 0], sizes = [32, 1024], strides = [1, 1]} : vector<32x1152xf32> to vector<32x1024xf32>
    %swap3A_490 = arith.constant 20 : index
    %swap3A_491 = arith.constant 0 : index
    %swap3A_492 = arith.constant 0 : index
    %swap3A_493 = vector.load %arg3[%swap3A_490, %swap3A_491, %swap3A_492] : memref<128x32x1024xf32, #tpu.memory_space<vmem>>, vector<1x32x1024xf32>
    %swap3A_494 = vector.shape_cast %swap3A_493 : vector<1x32x1024xf32> to vector<32x1024xf32>
    %swap3A_495 = vector.shape_cast %slice3A_489 : vector<32x1024xf32> to vector<1x32x1024xf32>
    tpu.vector_store %arg3[%swap3A_490, %swap3A_491, %swap3A_492], %swap3A_495 {strides = array<i32>} : memref<128x32x1024xf32, #tpu.memory_space<vmem>>, vector<1x32x1024xf32>,
    %mul3A_496 = arith.constant 128 : i32
    %mul3A_497 = arith.muli %arg0, %mul3A_496 : i32
    %add3A_498 = arith.constant 21 : i32
    %add3A_499 = arith.addi %mul3A_497, %add3A_498 : i32
    %sub3A_500 = arith.constant 2047 : i32
    %sub3A_501 = arith.subi %sub3A_500, %add3A_499 : i32
    %sub3A_502 = arith.constant 106 : i32
    %sub3A_503 = arith.subi %sub3A_501, %sub3A_502 : i32
    %mul3A_504 = arith.constant 1024 : i32
    %mul3A_505 = arith.muli %arg1, %mul3A_504 : i32
    %add3A_506 = arith.addi %sub3A_503, %mul3A_505 : i32
    %multiple_of3A_507 = tpu.assume_multiple %add3A_506, 128 : i32
    %get3A_508 = arith.constant 0 : index
    %get3A_509 = arith.index_cast %multiple_of3A_507 : i32 to index
    %get3A_510 = vector.load %arg2[%get3A_508, %get3A_509] : memref<32x4096xf32, #tpu.memory_space<vmem>>, vector<32x1152xf32>
    %roll3A_511 = arith.constant 1046 : i32
    %roll3A_512 = tpu.dynamic_rotate %get3A_510 by %roll3A_511 dim 1 : vector<32x1152xf32>, i32 -> vector<32x1152xf32>
    %slice3A_513 = vector.extract_strided_slice %roll3A_512 {offsets = [0, 0], sizes = [32, 1024], strides = [1, 1]} : vector<32x1152xf32> to vector<32x1024xf32>
    %swap3A_514 = arith.constant 21 : index
    %swap3A_515 = arith.constant 0 : index
    %swap3A_516 = arith.constant 0 : index
    %swap3A_517 = vector.load %arg3[%swap3A_514, %swap3A_515, %swap3A_516] : memref<128x32x1024xf32, #tpu.memory_space<vmem>>, vector<1x32x1024xf32>
    %swap3A_518 = vector.shape_cast %swap3A_517 : vector<1x32x1024xf32> to vector<32x1024xf32>
    %swap3A_519 = vector.shape_cast %slice3A_513 : vector<32x1024xf32> to vector<1x32x1024xf32>
    tpu.vector_store %arg3[%swap3A_514, %swap3A_515, %swap3A_516], %swap3A_519 {strides = array<i32>} : memref<128x32x1024xf32, #tpu.memory_space<vmem>>, vector<1x32x1024xf32>,
    %mul3A_520 = arith.constant 128 : i32
    %mul3A_521 = arith.muli %arg0, %mul3A_520 : i32
    %add3A_522 = arith.constant 22 : i32
    %add3A_523 = arith.addi %mul3A_521, %add3A_522 : i32
    %sub3A_524 = arith.constant 2047 : i32
    %sub3A_525 = arith.subi %sub3A_524, %add3A_523 : i32
    %sub3A_526 = arith.constant 105 : i32
    %sub3A_527 = arith.subi %sub3A_525, %sub3A_526 : i32
    %mul3A_528 = arith.constant 1024 : i32
    %mul3A_529 = arith.muli %arg1, %mul3A_528 : i32
    %add3A_530 = arith.addi %sub3A_527, %mul3A_529 : i32
    %multiple_of3A_531 = tpu.assume_multiple %add3A_530, 128 : i32
    %get3A_532 = arith.constant 0 : index
    %get3A_533 = arith.index_cast %multiple_of3A_531 : i32 to index
    %get3A_534 = vector.load %arg2[%get3A_532, %get3A_533] : memref<32x4096xf32, #tpu.memory_space<vmem>>, vector<32x1152xf32>
    %roll3A_535 = arith.constant 1047 : i32
    %roll3A_536 = tpu.dynamic_rotate %get3A_534 by %roll3A_535 dim 1 : vector<32x1152xf32>, i32 -> vector<32x1152xf32>
    %slice3A_537 = vector.extract_strided_slice %roll3A_536 {offsets = [0, 0], sizes = [32, 1024], strides = [1, 1]} : vector<32x1152xf32> to vector<32x1024xf32>
    %swap3A_538 = arith.constant 22 : index
    %swap3A_539 = arith.constant 0 : index
    %swap3A_540 = arith.constant 0 : index
    %swap3A_541 = vector.load %arg3[%swap3A_538, %swap3A_539, %swap3A_540] : memref<128x32x1024xf32, #tpu.memory_space<vmem>>, vector<1x32x1024xf32>
    %swap3A_542 = vector.shape_cast %swap3A_541 : vector<1x32x1024xf32> to vector<32x1024xf32>
    %swap3A_543 = vector.shape_cast %slice3A_537 : vector<32x1024xf32> to vector<1x32x1024xf32>
    tpu.vector_store %arg3[%swap3A_538, %swap3A_539, %swap3A_540], %swap3A_543 {strides = array<i32>} : memref<128x32x1024xf32, #tpu.memory_space<vmem>>, vector<1x32x1024xf32>,
    %mul3A_544 = arith.constant 128 : i32
    %mul3A_545 = arith.muli %arg0, %mul3A_544 : i32
    %add3A_546 = arith.constant 23 : i32
    %add3A_547 = arith.addi %mul3A_545, %add3A_546 : i32
    %sub3A_548 = arith.constant 2047 : i32
    %sub3A_549 = arith.subi %sub3A_548, %add3A_547 : i32
    %sub3A_550 = arith.constant 104 : i32
    %sub3A_551 = arith.subi %sub3A_549, %sub3A_550 : i32
    %mul3A_552 = arith.constant 1024 : i32
    %mul3A_553 = arith.muli %arg1, %mul3A_552 : i32
    %add3A_554 = arith.addi %sub3A_551, %mul3A_553 : i32
    %multiple_of3A_555 = tpu.assume_multiple %add3A_554, 128 : i32
    %get3A_556 = arith.constant 0 : index
    %get3A_557 = arith.index_cast %multiple_of3A_555 : i32 to index
    %get3A_558 = vector.load %arg2[%get3A_556, %get3A_557] : memref<32x4096xf32, #tpu.memory_space<vmem>>, vector<32x1152xf32>
    %roll3A_559 = arith.constant 1048 : i32
    %roll3A_560 = tpu.dynamic_rotate %get3A_558 by %roll3A_559 dim 1 : vector<32x1152xf32>, i32 -> vector<32x1152xf32>
    %slice3A_561 = vector.extract_strided_slice %roll3A_560 {offsets = [0, 0], sizes = [32, 1024], strides = [1, 1]} : vector<32x1152xf32> to vector<32x1024xf32>
    %swap3A_562 = arith.constant 23 : index
    %swap3A_563 = arith.constant 0 : index
    %swap3A_564 = arith.constant 0 : index
    %swap3A_565 = vector.load %arg3[%swap3A_562, %swap3A_563, %swap3A_564] : memref<128x32x1024xf32, #tpu.memory_space<vmem>>, vector<1x32x1024xf32>
    %swap3A_566 = vector.shape_cast %swap3A_565 : vector<1x32x1024xf32> to vector<32x1024xf32>
    %swap3A_567 = vector.shape_cast %slice3A_561 : vector<32x1024xf32> to vector<1x32x1024xf32>
    tpu.vector_store %arg3[%swap3A_562, %swap3A_563, %swap3A_564], %swap3A_567 {strides = array<i32>} : memref<128x32x1024xf32, #tpu.memory_space<vmem>>, vector<1x32x1024xf32>,
    %mul3A_568 = arith.constant 128 : i32
    %mul3A_569 = arith.muli %arg0, %mul3A_568 : i32
    %add3A_570 = arith.constant 24 : i32
    %add3A_571 = arith.addi %mul3A_569, %add3A_570 : i32
    %sub3A_572 = arith.constant 2047 : i32
    %sub3A_573 = arith.subi %sub3A_572, %add3A_571 : i32
    %sub3A_574 = arith.constant 103 : i32
    %sub3A_575 = arith.subi %sub3A_573, %sub3A_574 : i32
    %mul3A_576 = arith.constant 1024 : i32
    %mul3A_577 = arith.muli %arg1, %mul3A_576 : i32
    %add3A_578 = arith.addi %sub3A_575, %mul3A_577 : i32
    %multiple_of3A_579 = tpu.assume_multiple %add3A_578, 128 : i32
    %get3A_580 = arith.constant 0 : index
    %get3A_581 = arith.index_cast %multiple_of3A_579 : i32 to index
    %get3A_582 = vector.load %arg2[%get3A_580, %get3A_581] : memref<32x4096xf32, #tpu.memory_space<vmem>>, vector<32x1152xf32>
    %roll3A_583 = arith.constant 1049 : i32
    %roll3A_584 = tpu.dynamic_rotate %get3A_582 by %roll3A_583 dim 1 : vector<32x1152xf32>, i32 -> vector<32x1152xf32>
    %slice3A_585 = vector.extract_strided_slice %roll3A_584 {offsets = [0, 0], sizes = [32, 1024], strides = [1, 1]} : vector<32x1152xf32> to vector<32x1024xf32>
    %swap3A_586 = arith.constant 24 : index
    %swap3A_587 = arith.constant 0 : index
    %swap3A_588 = arith.constant 0 : index
    %swap3A_589 = vector.load %arg3[%swap3A_586, %swap3A_587, %swap3A_588] : memref<128x32x1024xf32, #tpu.memory_space<vmem>>, vector<1x32x1024xf32>
    %swap3A_590 = vector.shape_cast %swap3A_589 : vector<1x32x1024xf32> to vector<32x1024xf32>
    %swap3A_591 = vector.shape_cast %slice3A_585 : vector<32x1024xf32> to vector<1x32x1024xf32>
    tpu.vector_store %arg3[%swap3A_586, %swap3A_587, %swap3A_588], %swap3A_591 {strides = array<i32>} : memref<128x32x1024xf32, #tpu.memory_space<vmem>>, vector<1x32x1024xf32>,
    %mul3A_592 = arith.constant 128 : i32
    %mul3A_593 = arith.muli %arg0, %mul3A_592 : i32
    %add3A_594 = arith.constant 25 : i32
    %add3A_595 = arith.addi %mul3A_593, %add3A_594 : i32
    %sub3A_596 = arith.constant 2047 : i32
    %sub3A_597 = arith.subi %sub3A_596, %add3A_595 : i32
    %sub3A_598 = arith.constant 102 : i32
    %sub3A_599 = arith.subi %sub3A_597, %sub3A_598 : i32
    %mul3A_600 = arith.constant 1024 : i32
    %mul3A_601 = arith.muli %arg1, %mul3A_600 : i32
    %add3A_602 = arith.addi %sub3A_599, %mul3A_601 : i32
    %multiple_of3A_603 = tpu.assume_multiple %add3A_602, 128 : i32
    %get3A_604 = arith.constant 0 : index
    %get3A_605 = arith.index_cast %multiple_of3A_603 : i32 to index
    %get3A_606 = vector.load %arg2[%get3A_604, %get3A_605] : memref<32x4096xf32, #tpu.memory_space<vmem>>, vector<32x1152xf32>
    %roll3A_607 = arith.constant 1050 : i32
    %roll3A_608 = tpu.dynamic_rotate %get3A_606 by %roll3A_607 dim 1 : vector<32x1152xf32>, i32 -> vector<32x1152xf32>
    %slice3A_609 = vector.extract_strided_slice %roll3A_608 {offsets = [0, 0], sizes = [32, 1024], strides = [1, 1]} : vector<32x1152xf32> to vector<32x1024xf32>
    %swap3A_610 = arith.constant 25 : index
    %swap3A_611 = arith.constant 0 : index
    %swap3A_612 = arith.constant 0 : index
    %swap3A_613 = vector.load %arg3[%swap3A_610, %swap3A_611, %swap3A_612] : memref<128x32x1024xf32, #tpu.memory_space<vmem>>, vector<1x32x1024xf32>
    %swap3A_614 = vector.shape_cast %swap3A_613 : vector<1x32x1024xf32> to vector<32x1024xf32>
    %swap3A_615 = vector.shape_cast %slice3A_609 : vector<32x1024xf32> to vector<1x32x1024xf32>
    tpu.vector_store %arg3[%swap3A_610, %swap3A_611, %swap3A_612], %swap3A_615 {strides = array<i32>} : memref<128x32x1024xf32, #tpu.memory_space<vmem>>, vector<1x32x1024xf32>,
    %mul3A_616 = arith.constant 128 : i32
    %mul3A_617 = arith.muli %arg0, %mul3A_616 : i32
    %add3A_618 = arith.constant 26 : i32
    %add3A_619 = arith.addi %mul3A_617, %add3A_618 : i32
    %sub3A_620 = arith.constant 2047 : i32
    %sub3A_621 = arith.subi %sub3A_620, %add3A_619 : i32
    %sub3A_622 = arith.constant 101 : i32
    %sub3A_623 = arith.subi %sub3A_621, %sub3A_622 : i32
    %mul3A_624 = arith.constant 1024 : i32
    %mul3A_625 = arith.muli %arg1, %mul3A_624 : i32
    %add3A_626 = arith.addi %sub3A_623, %mul3A_625 : i32
    %multiple_of3A_627 = tpu.assume_multiple %add3A_626, 128 : i32
    %get3A_628 = arith.constant 0 : index
    %get3A_629 = arith.index_cast %multiple_of3A_627 : i32 to index
    %get3A_630 = vector.load %arg2[%get3A_628, %get3A_629] : memref<32x4096xf32, #tpu.memory_space<vmem>>, vector<32x1152xf32>
    %roll3A_631 = arith.constant 1051 : i32
    %roll3A_632 = tpu.dynamic_rotate %get3A_630 by %roll3A_631 dim 1 : vector<32x1152xf32>, i32 -> vector<32x1152xf32>
    %slice3A_633 = vector.extract_strided_slice %roll3A_632 {offsets = [0, 0], sizes = [32, 1024], strides = [1, 1]} : vector<32x1152xf32> to vector<32x1024xf32>
    %swap3A_634 = arith.constant 26 : index
    %swap3A_635 = arith.constant 0 : index
    %swap3A_636 = arith.constant 0 : index
    %swap3A_637 = vector.load %arg3[%swap3A_634, %swap3A_635, %swap3A_636] : memref<128x32x1024xf32, #tpu.memory_space<vmem>>, vector<1x32x1024xf32>
    %swap3A_638 = vector.shape_cast %swap3A_637 : vector<1x32x1024xf32> to vector<32x1024xf32>
    %swap3A_639 = vector.shape_cast %slice3A_633 : vector<32x1024xf32> to vector<1x32x1024xf32>
    tpu.vector_store %arg3[%swap3A_634, %swap3A_635, %swap3A_636], %swap3A_639 {strides = array<i32>} : memref<128x32x1024xf32, #tpu.memory_space<vmem>>, vector<1x32x1024xf32>,
    %mul3A_640 = arith.constant 128 : i32
    %mul3A_641 = arith.muli %arg0, %mul3A_640 : i32
    %add3A_642 = arith.constant 27 : i32
    %add3A_643 = arith.addi %mul3A_641, %add3A_642 : i32
    %sub3A_644 = arith.constant 2047 : i32
    %sub3A_645 = arith.subi %sub3A_644, %add3A_643 : i32
    %sub3A_646 = arith.constant 100 : i32
    %sub3A_647 = arith.subi %sub3A_645, %sub3A_646 : i32
    %mul3A_648 = arith.constant 1024 : i32
    %mul3A_649 = arith.muli %arg1, %mul3A_648 : i32
    %add3A_650 = arith.addi %sub3A_647, %mul3A_649 : i32
    %multiple_of3A_651 = tpu.assume_multiple %add3A_650, 128 : i32
    %get3A_652 = arith.constant 0 : index
    %get3A_653 = arith.index_cast %multiple_of3A_651 : i32 to index
    %get3A_654 = vector.load %arg2[%get3A_652, %get3A_653] : memref<32x4096xf32, #tpu.memory_space<vmem>>, vector<32x1152xf32>
    %roll3A_655 = arith.constant 1052 : i32
    %roll3A_656 = tpu.dynamic_rotate %get3A_654 by %roll3A_655 dim 1 : vector<32x1152xf32>, i32 -> vector<32x1152xf32>
    %slice3A_657 = vector.extract_strided_slice %roll3A_656 {offsets = [0, 0], sizes = [32, 1024], strides = [1, 1]} : vector<32x1152xf32> to vector<32x1024xf32>
    %swap3A_658 = arith.constant 27 : index
    %swap3A_659 = arith.constant 0 : index
    %swap3A_660 = arith.constant 0 : index
    %swap3A_661 = vector.load %arg3[%swap3A_658, %swap3A_659, %swap3A_660] : memref<128x32x1024xf32, #tpu.memory_space<vmem>>, vector<1x32x1024xf32>
    %swap3A_662 = vector.shape_cast %swap3A_661 : vector<1x32x1024xf32> to vector<32x1024xf32>
    %swap3A_663 = vector.shape_cast %slice3A_657 : vector<32x1024xf32> to vector<1x32x1024xf32>
    tpu.vector_store %arg3[%swap3A_658, %swap3A_659, %swap3A_660], %swap3A_663 {strides = array<i32>} : memref<128x32x1024xf32, #tpu.memory_space<vmem>>, vector<1x32x1024xf32>,
    %mul3A_664 = arith.constant 128 : i32
    %mul3A_665 = arith.muli %arg0, %mul3A_664 : i32
    %add3A_666 = arith.constant 28 : i32
    %add3A_667 = arith.addi %mul3A_665, %add3A_666 : i32
    %sub3A_668 = arith.constant 2047 : i32
    %sub3A_669 = arith.subi %sub3A_668, %add3A_667 : i32
    %sub3A_670 = arith.constant 99 : i32
    %sub3A_671 = arith.subi %sub3A_669, %sub3A_670 : i32
    %mul3A_672 = arith.constant 1024 : i32
    %mul3A_673 = arith.muli %arg1, %mul3A_672 : i32
    %add3A_674 = arith.addi %sub3A_671, %mul3A_673 : i32
    %multiple_of3A_675 = tpu.assume_multiple %add3A_674, 128 : i32
    %get3A_676 = arith.constant 0 : index
    %get3A_677 = arith.index_cast %multiple_of3A_675 : i32 to index
    %get3A_678 = vector.load %arg2[%get3A_676, %get3A_677] : memref<32x4096xf32, #tpu.memory_space<vmem>>, vector<32x1152xf32>
    %roll3A_679 = arith.constant 1053 : i32
    %roll3A_680 = tpu.dynamic_rotate %get3A_678 by %roll3A_679 dim 1 : vector<32x1152xf32>, i32 -> vector<32x1152xf32>
    %slice3A_681 = vector.extract_strided_slice %roll3A_680 {offsets = [0, 0], sizes = [32, 1024], strides = [1, 1]} : vector<32x1152xf32> to vector<32x1024xf32>
    %swap3A_682 = arith.constant 28 : index
    %swap3A_683 = arith.constant 0 : index
    %swap3A_684 = arith.constant 0 : index
    %swap3A_685 = vector.load %arg3[%swap3A_682, %swap3A_683, %swap3A_684] : memref<128x32x1024xf32, #tpu.memory_space<vmem>>, vector<1x32x1024xf32>
    %swap3A_686 = vector.shape_cast %swap3A_685 : vector<1x32x1024xf32> to vector<32x1024xf32>
    %swap3A_687 = vector.shape_cast %slice3A_681 : vector<32x1024xf32> to vector<1x32x1024xf32>
    tpu.vector_store %arg3[%swap3A_682, %swap3A_683, %swap3A_684], %swap3A_687 {strides = array<i32>} : memref<128x32x1024xf32, #tpu.memory_space<vmem>>, vector<1x32x1024xf32>,
    %mul3A_688 = arith.constant 128 : i32
    %mul3A_689 = arith.muli %arg0, %mul3A_688 : i32
    %add3A_690 = arith.constant 29 : i32
    %add3A_691 = arith.addi %mul3A_689, %add3A_690 : i32
    %sub3A_692 = arith.constant 2047 : i32
    %sub3A_693 = arith.subi %sub3A_692, %add3A_691 : i32
    %sub3A_694 = arith.constant 98 : i32
    %sub3A_695 = arith.subi %sub3A_693, %sub3A_694 : i32
    %mul3A_696 = arith.constant 1024 : i32
    %mul3A_697 = arith.muli %arg1, %mul3A_696 : i32
    %add3A_698 = arith.addi %sub3A_695, %mul3A_697 : i32
    %multiple_of3A_699 = tpu.assume_multiple %add3A_698, 128 : i32
    %get3A_700 = arith.constant 0 : index
    %get3A_701 = arith.index_cast %multiple_of3A_699 : i32 to index
    %get3A_702 = vector.load %arg2[%get3A_700, %get3A_701] : memref<32x4096xf32, #tpu.memory_space<vmem>>, vector<32x1152xf32>
    %roll3A_703 = arith.constant 1054 : i32
    %roll3A_704 = tpu.dynamic_rotate %get3A_702 by %roll3A_703 dim 1 : vector<32x1152xf32>, i32 -> vector<32x1152xf32>
    %slice3A_705 = vector.extract_strided_slice %roll3A_704 {offsets = [0, 0], sizes = [32, 1024], strides = [1, 1]} : vector<32x1152xf32> to vector<32x1024xf32>
    %swap3A_706 = arith.constant 29 : index
    %swap3A_707 = arith.constant 0 : index
    %swap3A_708 = arith.constant 0 : index
    %swap3A_709 = vector.load %arg3[%swap3A_706, %swap3A_707, %swap3A_708] : memref<128x32x1024xf32, #tpu.memory_space<vmem>>, vector<1x32x1024xf32>
    %swap3A_710 = vector.shape_cast %swap3A_709 : vector<1x32x1024xf32> to vector<32x1024xf32>
    %swap3A_711 = vector.shape_cast %slice3A_705 : vector<32x1024xf32> to vector<1x32x1024xf32>
    tpu.vector_store %arg3[%swap3A_706, %swap3A_707, %swap3A_708], %swap3A_711 {strides = array<i32>} : memref<128x32x1024xf32, #tpu.memory_space<vmem>>, vector<1x32x1024xf32>,
    %mul3A_712 = arith.constant 128 : i32
    %mul3A_713 = arith.muli %arg0, %mul3A_712 : i32
    %add3A_714 = arith.constant 30 : i32
    %add3A_715 = arith.addi %mul3A_713, %add3A_714 : i32
    %sub3A_716 = arith.constant 2047 : i32
    %sub3A_717 = arith.subi %sub3A_716, %add3A_715 : i32
    %sub3A_718 = arith.constant 97 : i32
    %sub3A_719 = arith.subi %sub3A_717, %sub3A_718 : i32
    %mul3A_720 = arith.constant 1024 : i32
    %mul3A_721 = arith.muli %arg1, %mul3A_720 : i32
    %add3A_722 = arith.addi %sub3A_719, %mul3A_721 : i32
    %multiple_of3A_723 = tpu.assume_multiple %add3A_722, 128 : i32
    %get3A_724 = arith.constant 0 : index
    %get3A_725 = arith.index_cast %multiple_of3A_723 : i32 to index
    %get3A_726 = vector.load %arg2[%get3A_724, %get3A_725] : memref<32x4096xf32, #tpu.memory_space<vmem>>, vector<32x1152xf32>
    %roll3A_727 = arith.constant 1055 : i32
    %roll3A_728 = tpu.dynamic_rotate %get3A_726 by %roll3A_727 dim 1 : vector<32x1152xf32>, i32 -> vector<32x1152xf32>
    %slice3A_729 = vector.extract_strided_slice %roll3A_728 {offsets = [0, 0], sizes = [32, 1024], strides = [1, 1]} : vector<32x1152xf32> to vector<32x1024xf32>
    %swap3A_730 = arith.constant 30 : index
    %swap3A_731 = arith.constant 0 : index
    %swap3A_732 = arith.constant 0 : index
    %swap3A_733 = vector.load %arg3[%swap3A_730, %swap3A_731, %swap3A_732] : memref<128x32x1024xf32, #tpu.memory_space<vmem>>, vector<1x32x1024xf32>
    %swap3A_734 = vector.shape_cast %swap3A_733 : vector<1x32x1024xf32> to vector<32x1024xf32>
    %swap3A_735 = vector.shape_cast %slice3A_729 : vector<32x1024xf32> to vector<1x32x1024xf32>
    tpu.vector_store %arg3[%swap3A_730, %swap3A_731, %swap3A_732], %swap3A_735 {strides = array<i32>} : memref<128x32x1024xf32, #tpu.memory_space<vmem>>, vector<1x32x1024xf32>,
    %mul3A_736 = arith.constant 128 : i32
    %mul3A_737 = arith.muli %arg0, %mul3A_736 : i32
    %add3A_738 = arith.constant 31 : i32
    %add3A_739 = arith.addi %mul3A_737, %add3A_738 : i32
    %sub3A_740 = arith.constant 2047 : i32
    %sub3A_741 = arith.subi %sub3A_740, %add3A_739 : i32
    %sub3A_742 = arith.constant 96 : i32
    %sub3A_743 = arith.subi %sub3A_741, %sub3A_742 : i32
    %mul3A_744 = arith.constant 1024 : i32
    %mul3A_745 = arith.muli %arg1, %mul3A_744 : i32
    %add3A_746 = arith.addi %sub3A_743, %mul3A_745 : i32
    %multiple_of3A_747 = tpu.assume_multiple %add3A_746, 128 : i32
    %get3A_748 = arith.constant 0 : index
    %get3A_749 = arith.index_cast %multiple_of3A_747 : i32 to index
    %get3A_750 = vector.load %arg2[%get3A_748, %get3A_749] : memref<32x4096xf32, #tpu.memory_space<vmem>>, vector<32x1152xf32>
    %roll3A_751 = arith.constant 1056 : i32
    %roll3A_752 = tpu.dynamic_rotate %get3A_750 by %roll3A_751 dim 1 : vector<32x1152xf32>, i32 -> vector<32x1152xf32>
    %slice3A_753 = vector.extract_strided_slice %roll3A_752 {offsets = [0, 0], sizes = [32, 1024], strides = [1, 1]} : vector<32x1152xf32> to vector<32x1024xf32>
    %swap3A_754 = arith.constant 31 : index
    %swap3A_755 = arith.constant 0 : index
    %swap3A_756 = arith.constant 0 : index
    %swap3A_757 = vector.load %arg3[%swap3A_754, %swap3A_755, %swap3A_756] : memref<128x32x1024xf32, #tpu.memory_space<vmem>>, vector<1x32x1024xf32>
    %swap3A_758 = vector.shape_cast %swap3A_757 : vector<1x32x1024xf32> to vector<32x1024xf32>
    %swap3A_759 = vector.shape_cast %slice3A_753 : vector<32x1024xf32> to vector<1x32x1024xf32>
    tpu.vector_store %arg3[%swap3A_754, %swap3A_755, %swap3A_756], %swap3A_759 {strides = array<i32>} : memref<128x32x1024xf32, #tpu.memory_space<vmem>>, vector<1x32x1024xf32>,
    %mul3A_760 = arith.constant 128 : i32
    %mul3A_761 = arith.muli %arg0, %mul3A_760 : i32
    %add3A_762 = arith.constant 32 : i32
    %add3A_763 = arith.addi %mul3A_761, %add3A_762 : i32
    %sub3A_764 = arith.constant 2047 : i32
    %sub3A_765 = arith.subi %sub3A_764, %add3A_763 : i32
    %sub3A_766 = arith.constant 95 : i32
    %sub3A_767 = arith.subi %sub3A_765, %sub3A_766 : i32
    %mul3A_768 = arith.constant 1024 : i32
    %mul3A_769 = arith.muli %arg1, %mul3A_768 : i32
    %add3A_770 = arith.addi %sub3A_767, %mul3A_769 : i32
    %multiple_of3A_771 = tpu.assume_multiple %add3A_770, 128 : i32
    %get3A_772 = arith.constant 0 : index
    %get3A_773 = arith.index_cast %multiple_of3A_771 : i32 to index
    %get3A_774 = vector.load %arg2[%get3A_772, %get3A_773] : memref<32x4096xf32, #tpu.memory_space<vmem>>, vector<32x1152xf32>
    %roll3A_775 = arith.constant 1057 : i32
    %roll3A_776 = tpu.dynamic_rotate %get3A_774 by %roll3A_775 dim 1 : vector<32x1152xf32>, i32 -> vector<32x1152xf32>
    %slice3A_777 = vector.extract_strided_slice %roll3A_776 {offsets = [0, 0], sizes = [32, 1024], strides = [1, 1]} : vector<32x1152xf32> to vector<32x1024xf32>
    %swap3A_778 = arith.constant 32 : index
    %swap3A_779 = arith.constant 0 : index
    %swap3A_780 = arith.constant 0 : index
    %swap3A_781 = vector.load %arg3[%swap3A_778, %swap3A_779, %swap3A_780] : memref<128x32x1024xf32, #tpu.memory_space<vmem>>, vector<1x32x1024xf32>
    %swap3A_782 = vector.shape_cast %swap3A_781 : vector<1x32x1024xf32> to vector<32x1024xf32>
    %swap3A_783 = vector.shape_cast %slice3A_777 : vector<32x1024xf32> to vector<1x32x1024xf32>
    tpu.vector_store %arg3[%swap3A_778, %swap3A_779, %swap3A_780], %swap3A_783 {strides = array<i32>} : memref<128x32x1024xf32, #tpu.memory_space<vmem>>, vector<1x32x1024xf32>,
    %mul3A_784 = arith.constant 128 : i32
    %mul3A_785 = arith.muli %arg0, %mul3A_784 : i32
    %add3A_786 = arith.constant 33 : i32
    %add3A_787 = arith.addi %mul3A_785, %add3A_786 : i32
    %sub3A_788 = arith.constant 2047 : i32
    %sub3A_789 = arith.subi %sub3A_788, %add3A_787 : i32
    %sub3A_790 = arith.constant 94 : i32
    %sub3A_791 = arith.subi %sub3A_789, %sub3A_790 : i32
    %mul3A_792 = arith.constant 1024 : i32
    %mul3A_793 = arith.muli %arg1, %mul3A_792 : i32
    %add3A_794 = arith.addi %sub3A_791, %mul3A_793 : i32
    %multiple_of3A_795 = tpu.assume_multiple %add3A_794, 128 : i32
    %get3A_796 = arith.constant 0 : index
    %get3A_797 = arith.index_cast %multiple_of3A_795 : i32 to index
    %get3A_798 = vector.load %arg2[%get3A_796, %get3A_797] : memref<32x4096xf32, #tpu.memory_space<vmem>>, vector<32x1152xf32>
    %roll3A_799 = arith.constant 1058 : i32
    %roll3A_800 = tpu.dynamic_rotate %get3A_798 by %roll3A_799 dim 1 : vector<32x1152xf32>, i32 -> vector<32x1152xf32>
    %slice3A_801 = vector.extract_strided_slice %roll3A_800 {offsets = [0, 0], sizes = [32, 1024], strides = [1, 1]} : vector<32x1152xf32> to vector<32x1024xf32>
    %swap3A_802 = arith.constant 33 : index
    %swap3A_803 = arith.constant 0 : index
    %swap3A_804 = arith.constant 0 : index
    %swap3A_805 = vector.load %arg3[%swap3A_802, %swap3A_803, %swap3A_804] : memref<128x32x1024xf32, #tpu.memory_space<vmem>>, vector<1x32x1024xf32>
    %swap3A_806 = vector.shape_cast %swap3A_805 : vector<1x32x1024xf32> to vector<32x1024xf32>
    %swap3A_807 = vector.shape_cast %slice3A_801 : vector<32x1024xf32> to vector<1x32x1024xf32>
    tpu.vector_store %arg3[%swap3A_802, %swap3A_803, %swap3A_804], %swap3A_807 {strides = array<i32>} : memref<128x32x1024xf32, #tpu.memory_space<vmem>>, vector<1x32x1024xf32>,
    %mul3A_808 = arith.constant 128 : i32
    %mul3A_809 = arith.muli %arg0, %mul3A_808 : i32
    %add3A_810 = arith.constant 34 : i32
    %add3A_811 = arith.addi %mul3A_809, %add3A_810 : i32
    %sub3A_812 = arith.constant 2047 : i32
    %sub3A_813 = arith.subi %sub3A_812, %add3A_811 : i32
    %sub3A_814 = arith.constant 93 : i32
    %sub3A_815 = arith.subi %sub3A_813, %sub3A_814 : i32
    %mul3A_816 = arith.constant 1024 : i32
    %mul3A_817 = arith.muli %arg1, %mul3A_816 : i32
    %add3A_818 = arith.addi %sub3A_815, %mul3A_817 : i32
    %multiple_of3A_819 = tpu.assume_multiple %add3A_818, 128 : i32
    %get3A_820 = arith.constant 0 : index
    %get3A_821 = arith.index_cast %multiple_of3A_819 : i32 to index
    %get3A_822 = vector.load %arg2[%get3A_820, %get3A_821] : memref<32x4096xf32, #tpu.memory_space<vmem>>, vector<32x1152xf32>
    %roll3A_823 = arith.constant 1059 : i32
    %roll3A_824 = tpu.dynamic_rotate %get3A_822 by %roll3A_823 dim 1 : vector<32x1152xf32>, i32 -> vector<32x1152xf32>
    %slice3A_825 = vector.extract_strided_slice %roll3A_824 {offsets = [0, 0], sizes = [32, 1024], strides = [1, 1]} : vector<32x1152xf32> to vector<32x1024xf32>
    %swap3A_826 = arith.constant 34 : index
    %swap3A_827 = arith.constant 0 : index
    %swap3A_828 = arith.constant 0 : index
    %swap3A_829 = vector.load %arg3[%swap3A_826, %swap3A_827, %swap3A_828] : memref<128x32x1024xf32, #tpu.memory_space<vmem>>, vector<1x32x1024xf32>
    %swap3A_830 = vector.shape_cast %swap3A_829 : vector<1x32x1024xf32> to vector<32x1024xf32>
    %swap3A_831 = vector.shape_cast %slice3A_825 : vector<32x1024xf32> to vector<1x32x1024xf32>
    tpu.vector_store %arg3[%swap3A_826, %swap3A_827, %swap3A_828], %swap3A_831 {strides = array<i32>} : memref<128x32x1024xf32, #tpu.memory_space<vmem>>, vector<1x32x1024xf32>,
    %mul3A_832 = arith.constant 128 : i32
    %mul3A_833 = arith.muli %arg0, %mul3A_832 : i32
    %add3A_834 = arith.constant 35 : i32
    %add3A_835 = arith.addi %mul3A_833, %add3A_834 : i32
    %sub3A_836 = arith.constant 2047 : i32
    %sub3A_837 = arith.subi %sub3A_836, %add3A_835 : i32
    %sub3A_838 = arith.constant 92 : i32
    %sub3A_839 = arith.subi %sub3A_837, %sub3A_838 : i32
    %mul3A_840 = arith.constant 1024 : i32
    %mul3A_841 = arith.muli %arg1, %mul3A_840 : i32
    %add3A_842 = arith.addi %sub3A_839, %mul3A_841 : i32
    %multiple_of3A_843 = tpu.assume_multiple %add3A_842, 128 : i32
    %get3A_844 = arith.constant 0 : index
    %get3A_845 = arith.index_cast %multiple_of3A_843 : i32 to index
    %get3A_846 = vector.load %arg2[%get3A_844, %get3A_845] : memref<32x4096xf32, #tpu.memory_space<vmem>>, vector<32x1152xf32>
    %roll3A_847 = arith.constant 1060 : i32
    %roll3A_848 = tpu.dynamic_rotate %get3A_846 by %roll3A_847 dim 1 : vector<32x1152xf32>, i32 -> vector<32x1152xf32>
    %slice3A_849 = vector.extract_strided_slice %roll3A_848 {offsets = [0, 0], sizes = [32, 1024], strides = [1, 1]} : vector<32x1152xf32> to vector<32x1024xf32>
    %swap3A_850 = arith.constant 35 : index
    %swap3A_851 = arith.constant 0 : index
    %swap3A_852 = arith.constant 0 : index
    %swap3A_853 = vector.load %arg3[%swap3A_850, %swap3A_851, %swap3A_852] : memref<128x32x1024xf32, #tpu.memory_space<vmem>>, vector<1x32x1024xf32>
    %swap3A_854 = vector.shape_cast %swap3A_853 : vector<1x32x1024xf32> to vector<32x1024xf32>
    %swap3A_855 = vector.shape_cast %slice3A_849 : vector<32x1024xf32> to vector<1x32x1024xf32>
    tpu.vector_store %arg3[%swap3A_850, %swap3A_851, %swap3A_852], %swap3A_855 {strides = array<i32>} : memref<128x32x1024xf32, #tpu.memory_space<vmem>>, vector<1x32x1024xf32>,
    %mul3A_856 = arith.constant 128 : i32
    %mul3A_857 = arith.muli %arg0, %mul3A_856 : i32
    %add3A_858 = arith.constant 36 : i32
    %add3A_859 = arith.addi %mul3A_857, %add3A_858 : i32
    %sub3A_860 = arith.constant 2047 : i32
    %sub3A_861 = arith.subi %sub3A_860, %add3A_859 : i32
    %sub3A_862 = arith.constant 91 : i32
    %sub3A_863 = arith.subi %sub3A_861, %sub3A_862 : i32
    %mul3A_864 = arith.constant 1024 : i32
    %mul3A_865 = arith.muli %arg1, %mul3A_864 : i32
    %add3A_866 = arith.addi %sub3A_863, %mul3A_865 : i32
    %multiple_of3A_867 = tpu.assume_multiple %add3A_866, 128 : i32
    %get3A_868 = arith.constant 0 : index
    %get3A_869 = arith.index_cast %multiple_of3A_867 : i32 to index
    %get3A_870 = vector.load %arg2[%get3A_868, %get3A_869] : memref<32x4096xf32, #tpu.memory_space<vmem>>, vector<32x1152xf32>
    %roll3A_871 = arith.constant 1061 : i32
    %roll3A_872 = tpu.dynamic_rotate %get3A_870 by %roll3A_871 dim 1 : vector<32x1152xf32>, i32 -> vector<32x1152xf32>
    %slice3A_873 = vector.extract_strided_slice %roll3A_872 {offsets = [0, 0], sizes = [32, 1024], strides = [1, 1]} : vector<32x1152xf32> to vector<32x1024xf32>
    %swap3A_874 = arith.constant 36 : index
    %swap3A_875 = arith.constant 0 : index
    %swap3A_876 = arith.constant 0 : index
    %swap3A_877 = vector.load %arg3[%swap3A_874, %swap3A_875, %swap3A_876] : memref<128x32x1024xf32, #tpu.memory_space<vmem>>, vector<1x32x1024xf32>
    %swap3A_878 = vector.shape_cast %swap3A_877 : vector<1x32x1024xf32> to vector<32x1024xf32>
    %swap3A_879 = vector.shape_cast %slice3A_873 : vector<32x1024xf32> to vector<1x32x1024xf32>
    tpu.vector_store %arg3[%swap3A_874, %swap3A_875, %swap3A_876], %swap3A_879 {strides = array<i32>} : memref<128x32x1024xf32, #tpu.memory_space<vmem>>, vector<1x32x1024xf32>,
    %mul3A_880 = arith.constant 128 : i32
    %mul3A_881 = arith.muli %arg0, %mul3A_880 : i32
    %add3A_882 = arith.constant 37 : i32
    %add3A_883 = arith.addi %mul3A_881, %add3A_882 : i32
    %sub3A_884 = arith.constant 2047 : i32
    %sub3A_885 = arith.subi %sub3A_884, %add3A_883 : i32
    %sub3A_886 = arith.constant 90 : i32
    %sub3A_887 = arith.subi %sub3A_885, %sub3A_886 : i32
    %mul3A_888 = arith.constant 1024 : i32
    %mul3A_889 = arith.muli %arg1, %mul3A_888 : i32
    %add3A_890 = arith.addi %sub3A_887, %mul3A_889 : i32
    %multiple_of3A_891 = tpu.assume_multiple %add3A_890, 128 : i32
    %get3A_892 = arith.constant 0 : index
    %get3A_893 = arith.index_cast %multiple_of3A_891 : i32 to index
    %get3A_894 = vector.load %arg2[%get3A_892, %get3A_893] : memref<32x4096xf32, #tpu.memory_space<vmem>>, vector<32x1152xf32>
    %roll3A_895 = arith.constant 1062 : i32
    %roll3A_896 = tpu.dynamic_rotate %get3A_894 by %roll3A_895 dim 1 : vector<32x1152xf32>, i32 -> vector<32x1152xf32>
    %slice3A_897 = vector.extract_strided_slice %roll3A_896 {offsets = [0, 0], sizes = [32, 1024], strides = [1, 1]} : vector<32x1152xf32> to vector<32x1024xf32>
    %swap3A_898 = arith.constant 37 : index
    %swap3A_899 = arith.constant 0 : index
    %swap3A_900 = arith.constant 0 : index
    %swap3A_901 = vector.load %arg3[%swap3A_898, %swap3A_899, %swap3A_900] : memref<128x32x1024xf32, #tpu.memory_space<vmem>>, vector<1x32x1024xf32>
    %swap3A_902 = vector.shape_cast %swap3A_901 : vector<1x32x1024xf32> to vector<32x1024xf32>
    %swap3A_903 = vector.shape_cast %slice3A_897 : vector<32x1024xf32> to vector<1x32x1024xf32>
    tpu.vector_store %arg3[%swap3A_898, %swap3A_899, %swap3A_900], %swap3A_903 {strides = array<i32>} : memref<128x32x1024xf32, #tpu.memory_space<vmem>>, vector<1x32x1024xf32>,
    %mul3A_904 = arith.constant 128 : i32
    %mul3A_905 = arith.muli %arg0, %mul3A_904 : i32
    %add3A_906 = arith.constant 38 : i32
    %add3A_907 = arith.addi %mul3A_905, %add3A_906 : i32
    %sub3A_908 = arith.constant 2047 : i32
    %sub3A_909 = arith.subi %sub3A_908, %add3A_907 : i32
    %sub3A_910 = arith.constant 89 : i32
    %sub3A_911 = arith.subi %sub3A_909, %sub3A_910 : i32
    %mul3A_912 = arith.constant 1024 : i32
    %mul3A_913 = arith.muli %arg1, %mul3A_912 : i32
    %add3A_914 = arith.addi %sub3A_911, %mul3A_913 : i32
    %multiple_of3A_915 = tpu.assume_multiple %add3A_914, 128 : i32
    %get3A_916 = arith.constant 0 : index
    %get3A_917 = arith.index_cast %multiple_of3A_915 : i32 to index
    %get3A_918 = vector.load %arg2[%get3A_916, %get3A_917] : memref<32x4096xf32, #tpu.memory_space<vmem>>, vector<32x1152xf32>
    %roll3A_919 = arith.constant 1063 : i32
    %roll3A_920 = tpu.dynamic_rotate %get3A_918 by %roll3A_919 dim 1 : vector<32x1152xf32>, i32 -> vector<32x1152xf32>
    %slice3A_921 = vector.extract_strided_slice %roll3A_920 {offsets = [0, 0], sizes = [32, 1024], strides = [1, 1]} : vector<32x1152xf32> to vector<32x1024xf32>
    %swap3A_922 = arith.constant 38 : index
    %swap3A_923 = arith.constant 0 : index
    %swap3A_924 = arith.constant 0 : index
    %swap3A_925 = vector.load %arg3[%swap3A_922, %swap3A_923, %swap3A_924] : memref<128x32x1024xf32, #tpu.memory_space<vmem>>, vector<1x32x1024xf32>
    %swap3A_926 = vector.shape_cast %swap3A_925 : vector<1x32x1024xf32> to vector<32x1024xf32>
    %swap3A_927 = vector.shape_cast %slice3A_921 : vector<32x1024xf32> to vector<1x32x1024xf32>
    tpu.vector_store %arg3[%swap3A_922, %swap3A_923, %swap3A_924], %swap3A_927 {strides = array<i32>} : memref<128x32x1024xf32, #tpu.memory_space<vmem>>, vector<1x32x1024xf32>,
    %mul3A_928 = arith.constant 128 : i32
    %mul3A_929 = arith.muli %arg0, %mul3A_928 : i32
    %add3A_930 = arith.constant 39 : i32
    %add3A_931 = arith.addi %mul3A_929, %add3A_930 : i32
    %sub3A_932 = arith.constant 2047 : i32
    %sub3A_933 = arith.subi %sub3A_932, %add3A_931 : i32
    %sub3A_934 = arith.constant 88 : i32
    %sub3A_935 = arith.subi %sub3A_933, %sub3A_934 : i32
    %mul3A_936 = arith.constant 1024 : i32
    %mul3A_937 = arith.muli %arg1, %mul3A_936 : i32
    %add3A_938 = arith.addi %sub3A_935, %mul3A_937 : i32
    %multiple_of3A_939 = tpu.assume_multiple %add3A_938, 128 : i32
    %get3A_940 = arith.constant 0 : index
    %get3A_941 = arith.index_cast %multiple_of3A_939 : i32 to index
    %get3A_942 = vector.load %arg2[%get3A_940, %get3A_941] : memref<32x4096xf32, #tpu.memory_space<vmem>>, vector<32x1152xf32>
    %roll3A_943 = arith.constant 1064 : i32
    %roll3A_944 = tpu.dynamic_rotate %get3A_942 by %roll3A_943 dim 1 : vector<32x1152xf32>, i32 -> vector<32x1152xf32>
    %slice3A_945 = vector.extract_strided_slice %roll3A_944 {offsets = [0, 0], sizes = [32, 1024], strides = [1, 1]} : vector<32x1152xf32> to vector<32x1024xf32>
    %swap3A_946 = arith.constant 39 : index
    %swap3A_947 = arith.constant 0 : index
    %swap3A_948 = arith.constant 0 : index
    %swap3A_949 = vector.load %arg3[%swap3A_946, %swap3A_947, %swap3A_948] : memref<128x32x1024xf32, #tpu.memory_space<vmem>>, vector<1x32x1024xf32>
    %swap3A_950 = vector.shape_cast %swap3A_949 : vector<1x32x1024xf32> to vector<32x1024xf32>
    %swap3A_951 = vector.shape_cast %slice3A_945 : vector<32x1024xf32> to vector<1x32x1024xf32>
    tpu.vector_store %arg3[%swap3A_946, %swap3A_947, %swap3A_948], %swap3A_951 {strides = array<i32>} : memref<128x32x1024xf32, #tpu.memory_space<vmem>>, vector<1x32x1024xf32>,
    %mul3A_952 = arith.constant 128 : i32
    %mul3A_953 = arith.muli %arg0, %mul3A_952 : i32
    %add3A_954 = arith.constant 40 : i32
    %add3A_955 = arith.addi %mul3A_953, %add3A_954 : i32
    %sub3A_956 = arith.constant 2047 : i32
    %sub3A_957 = arith.subi %sub3A_956, %add3A_955 : i32
    %sub3A_958 = arith.constant 87 : i32
    %sub3A_959 = arith.subi %sub3A_957, %sub3A_958 : i32
    %mul3A_960 = arith.constant 1024 : i32
    %mul3A_961 = arith.muli %arg1, %mul3A_960 : i32
    %add3A_962 = arith.addi %sub3A_959, %mul3A_961 : i32
    %multiple_of3A_963 = tpu.assume_multiple %add3A_962, 128 : i32
    %get3A_964 = arith.constant 0 : index
    %get3A_965 = arith.index_cast %multiple_of3A_963 : i32 to index
    %get3A_966 = vector.load %arg2[%get3A_964, %get3A_965] : memref<32x4096xf32, #tpu.memory_space<vmem>>, vector<32x1152xf32>
    %roll3A_967 = arith.constant 1065 : i32
    %roll3A_968 = tpu.dynamic_rotate %get3A_966 by %roll3A_967 dim 1 : vector<32x1152xf32>, i32 -> vector<32x1152xf32>
    %slice3A_969 = vector.extract_strided_slice %roll3A_968 {offsets = [0, 0], sizes = [32, 1024], strides = [1, 1]} : vector<32x1152xf32> to vector<32x1024xf32>
    %swap3A_970 = arith.constant 40 : index
    %swap3A_971 = arith.constant 0 : index
    %swap3A_972 = arith.constant 0 : index
    %swap3A_973 = vector.load %arg3[%swap3A_970, %swap3A_971, %swap3A_972] : memref<128x32x1024xf32, #tpu.memory_space<vmem>>, vector<1x32x1024xf32>
    %swap3A_974 = vector.shape_cast %swap3A_973 : vector<1x32x1024xf32> to vector<32x1024xf32>
    %swap3A_975 = vector.shape_cast %slice3A_969 : vector<32x1024xf32> to vector<1x32x1024xf32>
    tpu.vector_store %arg3[%swap3A_970, %swap3A_971, %swap3A_972], %swap3A_975 {strides = array<i32>} : memref<128x32x1024xf32, #tpu.memory_space<vmem>>, vector<1x32x1024xf32>,
    %mul3A_976 = arith.constant 128 : i32
    %mul3A_977 = arith.muli %arg0, %mul3A_976 : i32
    %add3A_978 = arith.constant 41 : i32
    %add3A_979 = arith.addi %mul3A_977, %add3A_978 : i32
    %sub3A_980 = arith.constant 2047 : i32
    %sub3A_981 = arith.subi %sub3A_980, %add3A_979 : i32
    %sub3A_982 = arith.constant 86 : i32
    %sub3A_983 = arith.subi %sub3A_981, %sub3A_982 : i32
    %mul3A_984 = arith.constant 1024 : i32
    %mul3A_985 = arith.muli %arg1, %mul3A_984 : i32
    %add3A_986 = arith.addi %sub3A_983, %mul3A_985 : i32
    %multiple_of3A_987 = tpu.assume_multiple %add3A_986, 128 : i32
    %get3A_988 = arith.constant 0 : index
    %get3A_989 = arith.index_cast %multiple_of3A_987 : i32 to index
    %get3A_990 = vector.load %arg2[%get3A_988, %get3A_989] : memref<32x4096xf32, #tpu.memory_space<vmem>>, vector<32x1152xf32>
    %roll3A_991 = arith.constant 1066 : i32
    %roll3A_992 = tpu.dynamic_rotate %get3A_990 by %roll3A_991 dim 1 : vector<32x1152xf32>, i32 -> vector<32x1152xf32>
    %slice3A_993 = vector.extract_strided_slice %roll3A_992 {offsets = [0, 0], sizes = [32, 1024], strides = [1, 1]} : vector<32x1152xf32> to vector<32x1024xf32>
    %swap3A_994 = arith.constant 41 : index
    %swap3A_995 = arith.constant 0 : index
    %swap3A_996 = arith.constant 0 : index
    %swap3A_997 = vector.load %arg3[%swap3A_994, %swap3A_995, %swap3A_996] : memref<128x32x1024xf32, #tpu.memory_space<vmem>>, vector<1x32x1024xf32>
    %swap3A_998 = vector.shape_cast %swap3A_997 : vector<1x32x1024xf32> to vector<32x1024xf32>
    %swap3A_999 = vector.shape_cast %slice3A_993 : vector<32x1024xf32> to vector<1x32x1024xf32>
    tpu.vector_store %arg3[%swap3A_994, %swap3A_995, %swap3A_996], %swap3A_999 {strides = array<i32>} : memref<128x32x1024xf32, #tpu.memory_space<vmem>>, vector<1x32x1024xf32>,
    %mul3A_1000 = arith.constant 128 : i32
    %mul3A_1001 = arith.muli %arg0, %mul3A_1000 : i32
    %add3A_1002 = arith.constant 42 : i32
    %add3A_1003 = arith.addi %mul3A_1001, %add3A_1002 : i32
    %sub3A_1004 = arith.constant 2047 : i32
    %sub3A_1005 = arith.subi %sub3A_1004, %add3A_1003 : i32
    %sub3A_1006 = arith.constant 85 : i32
    %sub3A_1007 = arith.subi %sub3A_1005, %sub3A_1006 : i32
    %mul3A_1008 = arith.constant 1024 : i32
    %mul3A_1009 = arith.muli %arg1, %mul3A_1008 : i32
    %add3A_1010 = arith.addi %sub3A_1007, %mul3A_1009 : i32
    %multiple_of3A_1011 = tpu.assume_multiple %add3A_1010, 128 : i32
    %get3A_1012 = arith.constant 0 : index
    %get3A_1013 = arith.index_cast %multiple_of3A_1011 : i32 to index
    %get3A_1014 = vector.load %arg2[%get3A_1012, %get3A_1013] : memref<32x4096xf32, #tpu.memory_space<vmem>>, vector<32x1152xf32>
    %roll3A_1015 = arith.constant 1067 : i32
    %roll3A_1016 = tpu.dynamic_rotate %get3A_1014 by %roll3A_1015 dim 1 : vector<32x1152xf32>, i32 -> vector<32x1152xf32>
    %slice3A_1017 = vector.extract_strided_slice %roll3A_1016 {offsets = [0, 0], sizes = [32, 1024], strides = [1, 1]} : vector<32x1152xf32> to vector<32x1024xf32>
    %swap3A_1018 = arith.constant 42 : index
    %swap3A_1019 = arith.constant 0 : index
    %swap3A_1020 = arith.constant 0 : index
    %swap3A_1021 = vector.load %arg3[%swap3A_1018, %swap3A_1019, %swap3A_1020] : memref<128x32x1024xf32, #tpu.memory_space<vmem>>, vector<1x32x1024xf32>
    %swap3A_1022 = vector.shape_cast %swap3A_1021 : vector<1x32x1024xf32> to vector<32x1024xf32>
    %swap3A_1023 = vector.shape_cast %slice3A_1017 : vector<32x1024xf32> to vector<1x32x1024xf32>
    tpu.vector_store %arg3[%swap3A_1018, %swap3A_1019, %swap3A_1020], %swap3A_1023 {strides = array<i32>} : memref<128x32x1024xf32, #tpu.memory_space<vmem>>, vector<1x32x1024xf32>,
    %mul3A_1024 = arith.constant 128 : i32
    %mul3A_1025 = arith.muli %arg0, %mul3A_1024 : i32
    %add3A_1026 = arith.constant 43 : i32
    %add3A_1027 = arith.addi %mul3A_1025, %add3A_1026 : i32
    %sub3A_1028 = arith.constant 2047 : i32
    %sub3A_1029 = arith.subi %sub3A_1028, %add3A_1027 : i32
    %sub3A_1030 = arith.constant 84 : i32
    %sub3A_1031 = arith.subi %sub3A_1029, %sub3A_1030 : i32
    %mul3A_1032 = arith.constant 1024 : i32
    %mul3A_1033 = arith.muli %arg1, %mul3A_1032 : i32
    %add3A_1034 = arith.addi %sub3A_1031, %mul3A_1033 : i32
    %multiple_of3A_1035 = tpu.assume_multiple %add3A_1034, 128 : i32
    %get3A_1036 = arith.constant 0 : index
    %get3A_1037 = arith.index_cast %multiple_of3A_1035 : i32 to index
    %get3A_1038 = vector.load %arg2[%get3A_1036, %get3A_1037] : memref<32x4096xf32, #tpu.memory_space<vmem>>, vector<32x1152xf32>
    %roll3A_1039 = arith.constant 1068 : i32
    %roll3A_1040 = tpu.dynamic_rotate %get3A_1038 by %roll3A_1039 dim 1 : vector<32x1152xf32>, i32 -> vector<32x1152xf32>
    %slice3A_1041 = vector.extract_strided_slice %roll3A_1040 {offsets = [0, 0], sizes = [32, 1024], strides = [1, 1]} : vector<32x1152xf32> to vector<32x1024xf32>
    %swap3A_1042 = arith.constant 43 : index
    %swap3A_1043 = arith.constant 0 : index
    %swap3A_1044 = arith.constant 0 : index
    %swap3A_1045 = vector.load %arg3[%swap3A_1042, %swap3A_1043, %swap3A_1044] : memref<128x32x1024xf32, #tpu.memory_space<vmem>>, vector<1x32x1024xf32>
    %swap3A_1046 = vector.shape_cast %swap3A_1045 : vector<1x32x1024xf32> to vector<32x1024xf32>
    %swap3A_1047 = vector.shape_cast %slice3A_1041 : vector<32x1024xf32> to vector<1x32x1024xf32>
    tpu.vector_store %arg3[%swap3A_1042, %swap3A_1043, %swap3A_1044], %swap3A_1047 {strides = array<i32>} : memref<128x32x1024xf32, #tpu.memory_space<vmem>>, vector<1x32x1024xf32>,
    %mul3A_1048 = arith.constant 128 : i32
    %mul3A_1049 = arith.muli %arg0, %mul3A_1048 : i32
    %add3A_1050 = arith.constant 44 : i32
    %add3A_1051 = arith.addi %mul3A_1049, %add3A_1050 : i32
    %sub3A_1052 = arith.constant 2047 : i32
    %sub3A_1053 = arith.subi %sub3A_1052, %add3A_1051 : i32
    %sub3A_1054 = arith.constant 83 : i32
    %sub3A_1055 = arith.subi %sub3A_1053, %sub3A_1054 : i32
    %mul3A_1056 = arith.constant 1024 : i32
    %mul3A_1057 = arith.muli %arg1, %mul3A_1056 : i32
    %add3A_1058 = arith.addi %sub3A_1055, %mul3A_1057 : i32
    %multiple_of3A_1059 = tpu.assume_multiple %add3A_1058, 128 : i32
    %get3A_1060 = arith.constant 0 : index
    %get3A_1061 = arith.index_cast %multiple_of3A_1059 : i32 to index
    %get3A_1062 = vector.load %arg2[%get3A_1060, %get3A_1061] : memref<32x4096xf32, #tpu.memory_space<vmem>>, vector<32x1152xf32>
    %roll3A_1063 = arith.constant 1069 : i32
    %roll3A_1064 = tpu.dynamic_rotate %get3A_1062 by %roll3A_1063 dim 1 : vector<32x1152xf32>, i32 -> vector<32x1152xf32>
    %slice3A_1065 = vector.extract_strided_slice %roll3A_1064 {offsets = [0, 0], sizes = [32, 1024], strides = [1, 1]} : vector<32x1152xf32> to vector<32x1024xf32>
    %swap3A_1066 = arith.constant 44 : index
    %swap3A_1067 = arith.constant 0 : index
    %swap3A_1068 = arith.constant 0 : index
    %swap3A_1069 = vector.load %arg3[%swap3A_1066, %swap3A_1067, %swap3A_1068] : memref<128x32x1024xf32, #tpu.memory_space<vmem>>, vector<1x32x1024xf32>
    %swap3A_1070 = vector.shape_cast %swap3A_1069 : vector<1x32x1024xf32> to vector<32x1024xf32>
    %swap3A_1071 = vector.shape_cast %slice3A_1065 : vector<32x1024xf32> to vector<1x32x1024xf32>
    tpu.vector_store %arg3[%swap3A_1066, %swap3A_1067, %swap3A_1068], %swap3A_1071 {strides = array<i32>} : memref<128x32x1024xf32, #tpu.memory_space<vmem>>, vector<1x32x1024xf32>,
    %mul3A_1072 = arith.constant 128 : i32
    %mul3A_1073 = arith.muli %arg0, %mul3A_1072 : i32
    %add3A_1074 = arith.constant 45 : i32
    %add3A_1075 = arith.addi %mul3A_1073, %add3A_1074 : i32
    %sub3A_1076 = arith.constant 2047 : i32
    %sub3A_1077 = arith.subi %sub3A_1076, %add3A_1075 : i32
    %sub3A_1078 = arith.constant 82 : i32
    %sub3A_1079 = arith.subi %sub3A_1077, %sub3A_1078 : i32
    %mul3A_1080 = arith.constant 1024 : i32
    %mul3A_1081 = arith.muli %arg1, %mul3A_1080 : i32
    %add3A_1082 = arith.addi %sub3A_1079, %mul3A_1081 : i32
    %multiple_of3A_1083 = tpu.assume_multiple %add3A_1082, 128 : i32
    %get3A_1084 = arith.constant 0 : index
    %get3A_1085 = arith.index_cast %multiple_of3A_1083 : i32 to index
    %get3A_1086 = vector.load %arg2[%get3A_1084, %get3A_1085] : memref<32x4096xf32, #tpu.memory_space<vmem>>, vector<32x1152xf32>
    %roll3A_1087 = arith.constant 1070 : i32
    %roll3A_1088 = tpu.dynamic_rotate %get3A_1086 by %roll3A_1087 dim 1 : vector<32x1152xf32>, i32 -> vector<32x1152xf32>
    %slice3A_1089 = vector.extract_strided_slice %roll3A_1088 {offsets = [0, 0], sizes = [32, 1024], strides = [1, 1]} : vector<32x1152xf32> to vector<32x1024xf32>
    %swap3A_1090 = arith.constant 45 : index
    %swap3A_1091 = arith.constant 0 : index
    %swap3A_1092 = arith.constant 0 : index
    %swap3A_1093 = vector.load %arg3[%swap3A_1090, %swap3A_1091, %swap3A_1092] : memref<128x32x1024xf32, #tpu.memory_space<vmem>>, vector<1x32x1024xf32>
    %swap3A_1094 = vector.shape_cast %swap3A_1093 : vector<1x32x1024xf32> to vector<32x1024xf32>
    %swap3A_1095 = vector.shape_cast %slice3A_1089 : vector<32x1024xf32> to vector<1x32x1024xf32>
    tpu.vector_store %arg3[%swap3A_1090, %swap3A_1091, %swap3A_1092], %swap3A_1095 {strides = array<i32>} : memref<128x32x1024xf32, #tpu.memory_space<vmem>>, vector<1x32x1024xf32>,
    %mul3A_1096 = arith.constant 128 : i32
    %mul3A_1097 = arith.muli %arg0, %mul3A_1096 : i32
    %add3A_1098 = arith.constant 46 : i32
    %add3A_1099 = arith.addi %mul3A_1097, %add3A_1098 : i32
    %sub3A_1100 = arith.constant 2047 : i32
    %sub3A_1101 = arith.subi %sub3A_1100, %add3A_1099 : i32
    %sub3A_1102 = arith.constant 81 : i32
    %sub3A_1103 = arith.subi %sub3A_1101, %sub3A_1102 : i32
    %mul3A_1104 = arith.constant 1024 : i32
    %mul3A_1105 = arith.muli %arg1, %mul3A_1104 : i32
    %add3A_1106 = arith.addi %sub3A_1103, %mul3A_1105 : i32
    %multiple_of3A_1107 = tpu.assume_multiple %add3A_1106, 128 : i32
    %get3A_1108 = arith.constant 0 : index
    %get3A_1109 = arith.index_cast %multiple_of3A_1107 : i32 to index
    %get3A_1110 = vector.load %arg2[%get3A_1108, %get3A_1109] : memref<32x4096xf32, #tpu.memory_space<vmem>>, vector<32x1152xf32>
    %roll3A_1111 = arith.constant 1071 : i32
    %roll3A_1112 = tpu.dynamic_rotate %get3A_1110 by %roll3A_1111 dim 1 : vector<32x1152xf32>, i32 -> vector<32x1152xf32>
    %slice3A_1113 = vector.extract_strided_slice %roll3A_1112 {offsets = [0, 0], sizes = [32, 1024], strides = [1, 1]} : vector<32x1152xf32> to vector<32x1024xf32>
    %swap3A_1114 = arith.constant 46 : index
    %swap3A_1115 = arith.constant 0 : index
    %swap3A_1116 = arith.constant 0 : index
    %swap3A_1117 = vector.load %arg3[%swap3A_1114, %swap3A_1115, %swap3A_1116] : memref<128x32x1024xf32, #tpu.memory_space<vmem>>, vector<1x32x1024xf32>
    %swap3A_1118 = vector.shape_cast %swap3A_1117 : vector<1x32x1024xf32> to vector<32x1024xf32>
    %swap3A_1119 = vector.shape_cast %slice3A_1113 : vector<32x1024xf32> to vector<1x32x1024xf32>
    tpu.vector_store %arg3[%swap3A_1114, %swap3A_1115, %swap3A_1116], %swap3A_1119 {strides = array<i32>} : memref<128x32x1024xf32, #tpu.memory_space<vmem>>, vector<1x32x1024xf32>,
    %mul3A_1120 = arith.constant 128 : i32
    %mul3A_1121 = arith.muli %arg0, %mul3A_1120 : i32
    %add3A_1122 = arith.constant 47 : i32
    %add3A_1123 = arith.addi %mul3A_1121, %add3A_1122 : i32
    %sub3A_1124 = arith.constant 2047 : i32
    %sub3A_1125 = arith.subi %sub3A_1124, %add3A_1123 : i32
    %sub3A_1126 = arith.constant 80 : i32
    %sub3A_1127 = arith.subi %sub3A_1125, %sub3A_1126 : i32
    %mul3A_1128 = arith.constant 1024 : i32
    %mul3A_1129 = arith.muli %arg1, %mul3A_1128 : i32
    %add3A_1130 = arith.addi %sub3A_1127, %mul3A_1129 : i32
    %multiple_of3A_1131 = tpu.assume_multiple %add3A_1130, 128 : i32
    %get3A_1132 = arith.constant 0 : index
    %get3A_1133 = arith.index_cast %multiple_of3A_1131 : i32 to index
    %get3A_1134 = vector.load %arg2[%get3A_1132, %get3A_1133] : memref<32x4096xf32, #tpu.memory_space<vmem>>, vector<32x1152xf32>
    %roll3A_1135 = arith.constant 1072 : i32
    %roll3A_1136 = tpu.dynamic_rotate %get3A_1134 by %roll3A_1135 dim 1 : vector<32x1152xf32>, i32 -> vector<32x1152xf32>
    %slice3A_1137 = vector.extract_strided_slice %roll3A_1136 {offsets = [0, 0], sizes = [32, 1024], strides = [1, 1]} : vector<32x1152xf32> to vector<32x1024xf32>
    %swap3A_1138 = arith.constant 47 : index
    %swap3A_1139 = arith.constant 0 : index
    %swap3A_1140 = arith.constant 0 : index
    %swap3A_1141 = vector.load %arg3[%swap3A_1138, %swap3A_1139, %swap3A_1140] : memref<128x32x1024xf32, #tpu.memory_space<vmem>>, vector<1x32x1024xf32>
    %swap3A_1142 = vector.shape_cast %swap3A_1141 : vector<1x32x1024xf32> to vector<32x1024xf32>
    %swap3A_1143 = vector.shape_cast %slice3A_1137 : vector<32x1024xf32> to vector<1x32x1024xf32>
    tpu.vector_store %arg3[%swap3A_1138, %swap3A_1139, %swap3A_1140], %swap3A_1143 {strides = array<i32>} : memref<128x32x1024xf32, #tpu.memory_space<vmem>>, vector<1x32x1024xf32>,
    %mul3A_1144 = arith.constant 128 : i32
    %mul3A_1145 = arith.muli %arg0, %mul3A_1144 : i32
    %add3A_1146 = arith.constant 48 : i32
    %add3A_1147 = arith.addi %mul3A_1145, %add3A_1146 : i32
    %sub3A_1148 = arith.constant 2047 : i32
    %sub3A_1149 = arith.subi %sub3A_1148, %add3A_1147 : i32
    %sub3A_1150 = arith.constant 79 : i32
    %sub3A_1151 = arith.subi %sub3A_1149, %sub3A_1150 : i32
    %mul3A_1152 = arith.constant 1024 : i32
    %mul3A_1153 = arith.muli %arg1, %mul3A_1152 : i32
    %add3A_1154 = arith.addi %sub3A_1151, %mul3A_1153 : i32
    %multiple_of3A_1155 = tpu.assume_multiple %add3A_1154, 128 : i32
    %get3A_1156 = arith.constant 0 : index
    %get3A_1157 = arith.index_cast %multiple_of3A_1155 : i32 to index
    %get3A_1158 = vector.load %arg2[%get3A_1156, %get3A_1157] : memref<32x4096xf32, #tpu.memory_space<vmem>>, vector<32x1152xf32>
    %roll3A_1159 = arith.constant 1073 : i32
    %roll3A_1160 = tpu.dynamic_rotate %get3A_1158 by %roll3A_1159 dim 1 : vector<32x1152xf32>, i32 -> vector<32x1152xf32>
    %slice3A_1161 = vector.extract_strided_slice %roll3A_1160 {offsets = [0, 0], sizes = [32, 1024], strides = [1, 1]} : vector<32x1152xf32> to vector<32x1024xf32>
    %swap3A_1162 = arith.constant 48 : index
    %swap3A_1163 = arith.constant 0 : index
    %swap3A_1164 = arith.constant 0 : index
    %swap3A_1165 = vector.load %arg3[%swap3A_1162, %swap3A_1163, %swap3A_1164] : memref<128x32x1024xf32, #tpu.memory_space<vmem>>, vector<1x32x1024xf32>
    %swap3A_1166 = vector.shape_cast %swap3A_1165 : vector<1x32x1024xf32> to vector<32x1024xf32>
    %swap3A_1167 = vector.shape_cast %slice3A_1161 : vector<32x1024xf32> to vector<1x32x1024xf32>
    tpu.vector_store %arg3[%swap3A_1162, %swap3A_1163, %swap3A_1164], %swap3A_1167 {strides = array<i32>} : memref<128x32x1024xf32, #tpu.memory_space<vmem>>, vector<1x32x1024xf32>,
    %mul3A_1168 = arith.constant 128 : i32
    %mul3A_1169 = arith.muli %arg0, %mul3A_1168 : i32
    %add3A_1170 = arith.constant 49 : i32
    %add3A_1171 = arith.addi %mul3A_1169, %add3A_1170 : i32
    %sub3A_1172 = arith.constant 2047 : i32
    %sub3A_1173 = arith.subi %sub3A_1172, %add3A_1171 : i32
    %sub3A_1174 = arith.constant 78 : i32
    %sub3A_1175 = arith.subi %sub3A_1173, %sub3A_1174 : i32
    %mul3A_1176 = arith.constant 1024 : i32
    %mul3A_1177 = arith.muli %arg1, %mul3A_1176 : i32
    %add3A_1178 = arith.addi %sub3A_1175, %mul3A_1177 : i32
    %multiple_of3A_1179 = tpu.assume_multiple %add3A_1178, 128 : i32
    %get3A_1180 = arith.constant 0 : index
    %get3A_1181 = arith.index_cast %multiple_of3A_1179 : i32 to index
    %get3A_1182 = vector.load %arg2[%get3A_1180, %get3A_1181] : memref<32x4096xf32, #tpu.memory_space<vmem>>, vector<32x1152xf32>
    %roll3A_1183 = arith.constant 1074 : i32
    %roll3A_1184 = tpu.dynamic_rotate %get3A_1182 by %roll3A_1183 dim 1 : vector<32x1152xf32>, i32 -> vector<32x1152xf32>
    %slice3A_1185 = vector.extract_strided_slice %roll3A_1184 {offsets = [0, 0], sizes = [32, 1024], strides = [1, 1]} : vector<32x1152xf32> to vector<32x1024xf32>
    %swap3A_1186 = arith.constant 49 : index
    %swap3A_1187 = arith.constant 0 : index
    %swap3A_1188 = arith.constant 0 : index
    %swap3A_1189 = vector.load %arg3[%swap3A_1186, %swap3A_1187, %swap3A_1188] : memref<128x32x1024xf32, #tpu.memory_space<vmem>>, vector<1x32x1024xf32>
    %swap3A_1190 = vector.shape_cast %swap3A_1189 : vector<1x32x1024xf32> to vector<32x1024xf32>
    %swap3A_1191 = vector.shape_cast %slice3A_1185 : vector<32x1024xf32> to vector<1x32x1024xf32>
    tpu.vector_store %arg3[%swap3A_1186, %swap3A_1187, %swap3A_1188], %swap3A_1191 {strides = array<i32>} : memref<128x32x1024xf32, #tpu.memory_space<vmem>>, vector<1x32x1024xf32>,
    %mul3A_1192 = arith.constant 128 : i32
    %mul3A_1193 = arith.muli %arg0, %mul3A_1192 : i32
    %add3A_1194 = arith.constant 50 : i32
    %add3A_1195 = arith.addi %mul3A_1193, %add3A_1194 : i32
    %sub3A_1196 = arith.constant 2047 : i32
    %sub3A_1197 = arith.subi %sub3A_1196, %add3A_1195 : i32
    %sub3A_1198 = arith.constant 77 : i32
    %sub3A_1199 = arith.subi %sub3A_1197, %sub3A_1198 : i32
    %mul3A_1200 = arith.constant 1024 : i32
    %mul3A_1201 = arith.muli %arg1, %mul3A_1200 : i32
    %add3A_1202 = arith.addi %sub3A_1199, %mul3A_1201 : i32
    %multiple_of3A_1203 = tpu.assume_multiple %add3A_1202, 128 : i32
    %get3A_1204 = arith.constant 0 : index
    %get3A_1205 = arith.index_cast %multiple_of3A_1203 : i32 to index
    %get3A_1206 = vector.load %arg2[%get3A_1204, %get3A_1205] : memref<32x4096xf32, #tpu.memory_space<vmem>>, vector<32x1152xf32>
    %roll3A_1207 = arith.constant 1075 : i32
    %roll3A_1208 = tpu.dynamic_rotate %get3A_1206 by %roll3A_1207 dim 1 : vector<32x1152xf32>, i32 -> vector<32x1152xf32>
    %slice3A_1209 = vector.extract_strided_slice %roll3A_1208 {offsets = [0, 0], sizes = [32, 1024], strides = [1, 1]} : vector<32x1152xf32> to vector<32x1024xf32>
    %swap3A_1210 = arith.constant 50 : index
    %swap3A_1211 = arith.constant 0 : index
    %swap3A_1212 = arith.constant 0 : index
    %swap3A_1213 = vector.load %arg3[%swap3A_1210, %swap3A_1211, %swap3A_1212] : memref<128x32x1024xf32, #tpu.memory_space<vmem>>, vector<1x32x1024xf32>
    %swap3A_1214 = vector.shape_cast %swap3A_1213 : vector<1x32x1024xf32> to vector<32x1024xf32>
    %swap3A_1215 = vector.shape_cast %slice3A_1209 : vector<32x1024xf32> to vector<1x32x1024xf32>
    tpu.vector_store %arg3[%swap3A_1210, %swap3A_1211, %swap3A_1212], %swap3A_1215 {strides = array<i32>} : memref<128x32x1024xf32, #tpu.memory_space<vmem>>, vector<1x32x1024xf32>,
    %mul3A_1216 = arith.constant 128 : i32
    %mul3A_1217 = arith.muli %arg0, %mul3A_1216 : i32
    %add3A_1218 = arith.constant 51 : i32
    %add3A_1219 = arith.addi %mul3A_1217, %add3A_1218 : i32
    %sub3A_1220 = arith.constant 2047 : i32
    %sub3A_1221 = arith.subi %sub3A_1220, %add3A_1219 : i32
    %sub3A_1222 = arith.constant 76 : i32
    %sub3A_1223 = arith.subi %sub3A_1221, %sub3A_1222 : i32
    %mul3A_1224 = arith.constant 1024 : i32
    %mul3A_1225 = arith.muli %arg1, %mul3A_1224 : i32
    %add3A_1226 = arith.addi %sub3A_1223, %mul3A_1225 : i32
    %multiple_of3A_1227 = tpu.assume_multiple %add3A_1226, 128 : i32
    %get3A_1228 = arith.constant 0 : index
    %get3A_1229 = arith.index_cast %multiple_of3A_1227 : i32 to index
    %get3A_1230 = vector.load %arg2[%get3A_1228, %get3A_1229] : memref<32x4096xf32, #tpu.memory_space<vmem>>, vector<32x1152xf32>
    %roll3A_1231 = arith.constant 1076 : i32
    %roll3A_1232 = tpu.dynamic_rotate %get3A_1230 by %roll3A_1231 dim 1 : vector<32x1152xf32>, i32 -> vector<32x1152xf32>
    %slice3A_1233 = vector.extract_strided_slice %roll3A_1232 {offsets = [0, 0], sizes = [32, 1024], strides = [1, 1]} : vector<32x1152xf32> to vector<32x1024xf32>
    %swap3A_1234 = arith.constant 51 : index
    %swap3A_1235 = arith.constant 0 : index
    %swap3A_1236 = arith.constant 0 : index
    %swap3A_1237 = vector.load %arg3[%swap3A_1234, %swap3A_1235, %swap3A_1236] : memref<128x32x1024xf32, #tpu.memory_space<vmem>>, vector<1x32x1024xf32>
    %swap3A_1238 = vector.shape_cast %swap3A_1237 : vector<1x32x1024xf32> to vector<32x1024xf32>
    %swap3A_1239 = vector.shape_cast %slice3A_1233 : vector<32x1024xf32> to vector<1x32x1024xf32>
    tpu.vector_store %arg3[%swap3A_1234, %swap3A_1235, %swap3A_1236], %swap3A_1239 {strides = array<i32>} : memref<128x32x1024xf32, #tpu.memory_space<vmem>>, vector<1x32x1024xf32>,
    %mul3A_1240 = arith.constant 128 : i32
    %mul3A_1241 = arith.muli %arg0, %mul3A_1240 : i32
    %add3A_1242 = arith.constant 52 : i32
    %add3A_1243 = arith.addi %mul3A_1241, %add3A_1242 : i32
    %sub3A_1244 = arith.constant 2047 : i32
    %sub3A_1245 = arith.subi %sub3A_1244, %add3A_1243 : i32
    %sub3A_1246 = arith.constant 75 : i32
    %sub3A_1247 = arith.subi %sub3A_1245, %sub3A_1246 : i32
    %mul3A_1248 = arith.constant 1024 : i32
    %mul3A_1249 = arith.muli %arg1, %mul3A_1248 : i32
    %add3A_1250 = arith.addi %sub3A_1247, %mul3A_1249 : i32
    %multiple_of3A_1251 = tpu.assume_multiple %add3A_1250, 128 : i32
    %get3A_1252 = arith.constant 0 : index
    %get3A_1253 = arith.index_cast %multiple_of3A_1251 : i32 to index
    %get3A_1254 = vector.load %arg2[%get3A_1252, %get3A_1253] : memref<32x4096xf32, #tpu.memory_space<vmem>>, vector<32x1152xf32>
    %roll3A_1255 = arith.constant 1077 : i32
    %roll3A_1256 = tpu.dynamic_rotate %get3A_1254 by %roll3A_1255 dim 1 : vector<32x1152xf32>, i32 -> vector<32x1152xf32>
    %slice3A_1257 = vector.extract_strided_slice %roll3A_1256 {offsets = [0, 0], sizes = [32, 1024], strides = [1, 1]} : vector<32x1152xf32> to vector<32x1024xf32>
    %swap3A_1258 = arith.constant 52 : index
    %swap3A_1259 = arith.constant 0 : index
    %swap3A_1260 = arith.constant 0 : index
    %swap3A_1261 = vector.load %arg3[%swap3A_1258, %swap3A_1259, %swap3A_1260] : memref<128x32x1024xf32, #tpu.memory_space<vmem>>, vector<1x32x1024xf32>
    %swap3A_1262 = vector.shape_cast %swap3A_1261 : vector<1x32x1024xf32> to vector<32x1024xf32>
    %swap3A_1263 = vector.shape_cast %slice3A_1257 : vector<32x1024xf32> to vector<1x32x1024xf32>
    tpu.vector_store %arg3[%swap3A_1258, %swap3A_1259, %swap3A_1260], %swap3A_1263 {strides = array<i32>} : memref<128x32x1024xf32, #tpu.memory_space<vmem>>, vector<1x32x1024xf32>,
    %mul3A_1264 = arith.constant 128 : i32
    %mul3A_1265 = arith.muli %arg0, %mul3A_1264 : i32
    %add3A_1266 = arith.constant 53 : i32
    %add3A_1267 = arith.addi %mul3A_1265, %add3A_1266 : i32
    %sub3A_1268 = arith.constant 2047 : i32
    %sub3A_1269 = arith.subi %sub3A_1268, %add3A_1267 : i32
    %sub3A_1270 = arith.constant 74 : i32
    %sub3A_1271 = arith.subi %sub3A_1269, %sub3A_1270 : i32
    %mul3A_1272 = arith.constant 1024 : i32
    %mul3A_1273 = arith.muli %arg1, %mul3A_1272 : i32
    %add3A_1274 = arith.addi %sub3A_1271, %mul3A_1273 : i32
    %multiple_of3A_1275 = tpu.assume_multiple %add3A_1274, 128 : i32
    %get3A_1276 = arith.constant 0 : index
    %get3A_1277 = arith.index_cast %multiple_of3A_1275 : i32 to index
    %get3A_1278 = vector.load %arg2[%get3A_1276, %get3A_1277] : memref<32x4096xf32, #tpu.memory_space<vmem>>, vector<32x1152xf32>
    %roll3A_1279 = arith.constant 1078 : i32
    %roll3A_1280 = tpu.dynamic_rotate %get3A_1278 by %roll3A_1279 dim 1 : vector<32x1152xf32>, i32 -> vector<32x1152xf32>
    %slice3A_1281 = vector.extract_strided_slice %roll3A_1280 {offsets = [0, 0], sizes = [32, 1024], strides = [1, 1]} : vector<32x1152xf32> to vector<32x1024xf32>
    %swap3A_1282 = arith.constant 53 : index
    %swap3A_1283 = arith.constant 0 : index
    %swap3A_1284 = arith.constant 0 : index
    %swap3A_1285 = vector.load %arg3[%swap3A_1282, %swap3A_1283, %swap3A_1284] : memref<128x32x1024xf32, #tpu.memory_space<vmem>>, vector<1x32x1024xf32>
    %swap3A_1286 = vector.shape_cast %swap3A_1285 : vector<1x32x1024xf32> to vector<32x1024xf32>
    %swap3A_1287 = vector.shape_cast %slice3A_1281 : vector<32x1024xf32> to vector<1x32x1024xf32>
    tpu.vector_store %arg3[%swap3A_1282, %swap3A_1283, %swap3A_1284], %swap3A_1287 {strides = array<i32>} : memref<128x32x1024xf32, #tpu.memory_space<vmem>>, vector<1x32x1024xf32>,
    %mul3A_1288 = arith.constant 128 : i32
    %mul3A_1289 = arith.muli %arg0, %mul3A_1288 : i32
    %add3A_1290 = arith.constant 54 : i32
    %add3A_1291 = arith.addi %mul3A_1289, %add3A_1290 : i32
    %sub3A_1292 = arith.constant 2047 : i32
    %sub3A_1293 = arith.subi %sub3A_1292, %add3A_1291 : i32
    %sub3A_1294 = arith.constant 73 : i32
    %sub3A_1295 = arith.subi %sub3A_1293, %sub3A_1294 : i32
    %mul3A_1296 = arith.constant 1024 : i32
    %mul3A_1297 = arith.muli %arg1, %mul3A_1296 : i32
    %add3A_1298 = arith.addi %sub3A_1295, %mul3A_1297 : i32
    %multiple_of3A_1299 = tpu.assume_multiple %add3A_1298, 128 : i32
    %get3A_1300 = arith.constant 0 : index
    %get3A_1301 = arith.index_cast %multiple_of3A_1299 : i32 to index
    %get3A_1302 = vector.load %arg2[%get3A_1300, %get3A_1301] : memref<32x4096xf32, #tpu.memory_space<vmem>>, vector<32x1152xf32>
    %roll3A_1303 = arith.constant 1079 : i32
    %roll3A_1304 = tpu.dynamic_rotate %get3A_1302 by %roll3A_1303 dim 1 : vector<32x1152xf32>, i32 -> vector<32x1152xf32>
    %slice3A_1305 = vector.extract_strided_slice %roll3A_1304 {offsets = [0, 0], sizes = [32, 1024], strides = [1, 1]} : vector<32x1152xf32> to vector<32x1024xf32>
    %swap3A_1306 = arith.constant 54 : index
    %swap3A_1307 = arith.constant 0 : index
    %swap3A_1308 = arith.constant 0 : index
    %swap3A_1309 = vector.load %arg3[%swap3A_1306, %swap3A_1307, %swap3A_1308] : memref<128x32x1024xf32, #tpu.memory_space<vmem>>, vector<1x32x1024xf32>
    %swap3A_1310 = vector.shape_cast %swap3A_1309 : vector<1x32x1024xf32> to vector<32x1024xf32>
    %swap3A_1311 = vector.shape_cast %slice3A_1305 : vector<32x1024xf32> to vector<1x32x1024xf32>
    tpu.vector_store %arg3[%swap3A_1306, %swap3A_1307, %swap3A_1308], %swap3A_1311 {strides = array<i32>} : memref<128x32x1024xf32, #tpu.memory_space<vmem>>, vector<1x32x1024xf32>,
    %mul3A_1312 = arith.constant 128 : i32
    %mul3A_1313 = arith.muli %arg0, %mul3A_1312 : i32
    %add3A_1314 = arith.constant 55 : i32
    %add3A_1315 = arith.addi %mul3A_1313, %add3A_1314 : i32
    %sub3A_1316 = arith.constant 2047 : i32
    %sub3A_1317 = arith.subi %sub3A_1316, %add3A_1315 : i32
    %sub3A_1318 = arith.constant 72 : i32
    %sub3A_1319 = arith.subi %sub3A_1317, %sub3A_1318 : i32
    %mul3A_1320 = arith.constant 1024 : i32
    %mul3A_1321 = arith.muli %arg1, %mul3A_1320 : i32
    %add3A_1322 = arith.addi %sub3A_1319, %mul3A_1321 : i32
    %multiple_of3A_1323 = tpu.assume_multiple %add3A_1322, 128 : i32
    %get3A_1324 = arith.constant 0 : index
    %get3A_1325 = arith.index_cast %multiple_of3A_1323 : i32 to index
    %get3A_1326 = vector.load %arg2[%get3A_1324, %get3A_1325] : memref<32x4096xf32, #tpu.memory_space<vmem>>, vector<32x1152xf32>
    %roll3A_1327 = arith.constant 1080 : i32
    %roll3A_1328 = tpu.dynamic_rotate %get3A_1326 by %roll3A_1327 dim 1 : vector<32x1152xf32>, i32 -> vector<32x1152xf32>
    %slice3A_1329 = vector.extract_strided_slice %roll3A_1328 {offsets = [0, 0], sizes = [32, 1024], strides = [1, 1]} : vector<32x1152xf32> to vector<32x1024xf32>
    %swap3A_1330 = arith.constant 55 : index
    %swap3A_1331 = arith.constant 0 : index
    %swap3A_1332 = arith.constant 0 : index
    %swap3A_1333 = vector.load %arg3[%swap3A_1330, %swap3A_1331, %swap3A_1332] : memref<128x32x1024xf32, #tpu.memory_space<vmem>>, vector<1x32x1024xf32>
    %swap3A_1334 = vector.shape_cast %swap3A_1333 : vector<1x32x1024xf32> to vector<32x1024xf32>
    %swap3A_1335 = vector.shape_cast %slice3A_1329 : vector<32x1024xf32> to vector<1x32x1024xf32>
    tpu.vector_store %arg3[%swap3A_1330, %swap3A_1331, %swap3A_1332], %swap3A_1335 {strides = array<i32>} : memref<128x32x1024xf32, #tpu.memory_space<vmem>>, vector<1x32x1024xf32>,
    %mul3A_1336 = arith.constant 128 : i32
    %mul3A_1337 = arith.muli %arg0, %mul3A_1336 : i32
    %add3A_1338 = arith.constant 56 : i32
    %add3A_1339 = arith.addi %mul3A_1337, %add3A_1338 : i32
    %sub3A_1340 = arith.constant 2047 : i32
    %sub3A_1341 = arith.subi %sub3A_1340, %add3A_1339 : i32
    %sub3A_1342 = arith.constant 71 : i32
    %sub3A_1343 = arith.subi %sub3A_1341, %sub3A_1342 : i32
    %mul3A_1344 = arith.constant 1024 : i32
    %mul3A_1345 = arith.muli %arg1, %mul3A_1344 : i32
    %add3A_1346 = arith.addi %sub3A_1343, %mul3A_1345 : i32
    %multiple_of3A_1347 = tpu.assume_multiple %add3A_1346, 128 : i32
    %get3A_1348 = arith.constant 0 : index
    %get3A_1349 = arith.index_cast %multiple_of3A_1347 : i32 to index
    %get3A_1350 = vector.load %arg2[%get3A_1348, %get3A_1349] : memref<32x4096xf32, #tpu.memory_space<vmem>>, vector<32x1152xf32>
    %roll3A_1351 = arith.constant 1081 : i32
    %roll3A_1352 = tpu.dynamic_rotate %get3A_1350 by %roll3A_1351 dim 1 : vector<32x1152xf32>, i32 -> vector<32x1152xf32>
    %slice3A_1353 = vector.extract_strided_slice %roll3A_1352 {offsets = [0, 0], sizes = [32, 1024], strides = [1, 1]} : vector<32x1152xf32> to vector<32x1024xf32>
    %swap3A_1354 = arith.constant 56 : index
    %swap3A_1355 = arith.constant 0 : index
    %swap3A_1356 = arith.constant 0 : index
    %swap3A_1357 = vector.load %arg3[%swap3A_1354, %swap3A_1355, %swap3A_1356] : memref<128x32x1024xf32, #tpu.memory_space<vmem>>, vector<1x32x1024xf32>
    %swap3A_1358 = vector.shape_cast %swap3A_1357 : vector<1x32x1024xf32> to vector<32x1024xf32>
    %swap3A_1359 = vector.shape_cast %slice3A_1353 : vector<32x1024xf32> to vector<1x32x1024xf32>
    tpu.vector_store %arg3[%swap3A_1354, %swap3A_1355, %swap3A_1356], %swap3A_1359 {strides = array<i32>} : memref<128x32x1024xf32, #tpu.memory_space<vmem>>, vector<1x32x1024xf32>,
    %mul3A_1360 = arith.constant 128 : i32
    %mul3A_1361 = arith.muli %arg0, %mul3A_1360 : i32
    %add3A_1362 = arith.constant 57 : i32
    %add3A_1363 = arith.addi %mul3A_1361, %add3A_1362 : i32
    %sub3A_1364 = arith.constant 2047 : i32
    %sub3A_1365 = arith.subi %sub3A_1364, %add3A_1363 : i32
    %sub3A_1366 = arith.constant 70 : i32
    %sub3A_1367 = arith.subi %sub3A_1365, %sub3A_1366 : i32
    %mul3A_1368 = arith.constant 1024 : i32
    %mul3A_1369 = arith.muli %arg1, %mul3A_1368 : i32
    %add3A_1370 = arith.addi %sub3A_1367, %mul3A_1369 : i32
    %multiple_of3A_1371 = tpu.assume_multiple %add3A_1370, 128 : i32
    %get3A_1372 = arith.constant 0 : index
    %get3A_1373 = arith.index_cast %multiple_of3A_1371 : i32 to index
    %get3A_1374 = vector.load %arg2[%get3A_1372, %get3A_1373] : memref<32x4096xf32, #tpu.memory_space<vmem>>, vector<32x1152xf32>
    %roll3A_1375 = arith.constant 1082 : i32
    %roll3A_1376 = tpu.dynamic_rotate %get3A_1374 by %roll3A_1375 dim 1 : vector<32x1152xf32>, i32 -> vector<32x1152xf32>
    %slice3A_1377 = vector.extract_strided_slice %roll3A_1376 {offsets = [0, 0], sizes = [32, 1024], strides = [1, 1]} : vector<32x1152xf32> to vector<32x1024xf32>
    %swap3A_1378 = arith.constant 57 : index
    %swap3A_1379 = arith.constant 0 : index
    %swap3A_1380 = arith.constant 0 : index
    %swap3A_1381 = vector.load %arg3[%swap3A_1378, %swap3A_1379, %swap3A_1380] : memref<128x32x1024xf32, #tpu.memory_space<vmem>>, vector<1x32x1024xf32>
    %swap3A_1382 = vector.shape_cast %swap3A_1381 : vector<1x32x1024xf32> to vector<32x1024xf32>
    %swap3A_1383 = vector.shape_cast %slice3A_1377 : vector<32x1024xf32> to vector<1x32x1024xf32>
    tpu.vector_store %arg3[%swap3A_1378, %swap3A_1379, %swap3A_1380], %swap3A_1383 {strides = array<i32>} : memref<128x32x1024xf32, #tpu.memory_space<vmem>>, vector<1x32x1024xf32>,
    %mul3A_1384 = arith.constant 128 : i32
    %mul3A_1385 = arith.muli %arg0, %mul3A_1384 : i32
    %add3A_1386 = arith.constant 58 : i32
    %add3A_1387 = arith.addi %mul3A_1385, %add3A_1386 : i32
    %sub3A_1388 = arith.constant 2047 : i32
    %sub3A_1389 = arith.subi %sub3A_1388, %add3A_1387 : i32
    %sub3A_1390 = arith.constant 69 : i32
    %sub3A_1391 = arith.subi %sub3A_1389, %sub3A_1390 : i32
    %mul3A_1392 = arith.constant 1024 : i32
    %mul3A_1393 = arith.muli %arg1, %mul3A_1392 : i32
    %add3A_1394 = arith.addi %sub3A_1391, %mul3A_1393 : i32
    %multiple_of3A_1395 = tpu.assume_multiple %add3A_1394, 128 : i32
    %get3A_1396 = arith.constant 0 : index
    %get3A_1397 = arith.index_cast %multiple_of3A_1395 : i32 to index
    %get3A_1398 = vector.load %arg2[%get3A_1396, %get3A_1397] : memref<32x4096xf32, #tpu.memory_space<vmem>>, vector<32x1152xf32>
    %roll3A_1399 = arith.constant 1083 : i32
    %roll3A_1400 = tpu.dynamic_rotate %get3A_1398 by %roll3A_1399 dim 1 : vector<32x1152xf32>, i32 -> vector<32x1152xf32>
    %slice3A_1401 = vector.extract_strided_slice %roll3A_1400 {offsets = [0, 0], sizes = [32, 1024], strides = [1, 1]} : vector<32x1152xf32> to vector<32x1024xf32>
    %swap3A_1402 = arith.constant 58 : index
    %swap3A_1403 = arith.constant 0 : index
    %swap3A_1404 = arith.constant 0 : index
    %swap3A_1405 = vector.load %arg3[%swap3A_1402, %swap3A_1403, %swap3A_1404] : memref<128x32x1024xf32, #tpu.memory_space<vmem>>, vector<1x32x1024xf32>
    %swap3A_1406 = vector.shape_cast %swap3A_1405 : vector<1x32x1024xf32> to vector<32x1024xf32>
    %swap3A_1407 = vector.shape_cast %slice3A_1401 : vector<32x1024xf32> to vector<1x32x1024xf32>
    tpu.vector_store %arg3[%swap3A_1402, %swap3A_1403, %swap3A_1404], %swap3A_1407 {strides = array<i32>} : memref<128x32x1024xf32, #tpu.memory_space<vmem>>, vector<1x32x1024xf32>,
    %mul3A_1408 = arith.constant 128 : i32
    %mul3A_1409 = arith.muli %arg0, %mul3A_1408 : i32
    %add3A_1410 = arith.constant 59 : i32
    %add3A_1411 = arith.addi %mul3A_1409, %add3A_1410 : i32
    %sub3A_1412 = arith.constant 2047 : i32
    %sub3A_1413 = arith.subi %sub3A_1412, %add3A_1411 : i32
    %sub3A_1414 = arith.constant 68 : i32
    %sub3A_1415 = arith.subi %sub3A_1413, %sub3A_1414 : i32
    %mul3A_1416 = arith.constant 1024 : i32
    %mul3A_1417 = arith.muli %arg1, %mul3A_1416 : i32
    %add3A_1418 = arith.addi %sub3A_1415, %mul3A_1417 : i32
    %multiple_of3A_1419 = tpu.assume_multiple %add3A_1418, 128 : i32
    %get3A_1420 = arith.constant 0 : index
    %get3A_1421 = arith.index_cast %multiple_of3A_1419 : i32 to index
    %get3A_1422 = vector.load %arg2[%get3A_1420, %get3A_1421] : memref<32x4096xf32, #tpu.memory_space<vmem>>, vector<32x1152xf32>
    %roll3A_1423 = arith.constant 1084 : i32
    %roll3A_1424 = tpu.dynamic_rotate %get3A_1422 by %roll3A_1423 dim 1 : vector<32x1152xf32>, i32 -> vector<32x1152xf32>
    %slice3A_1425 = vector.extract_strided_slice %roll3A_1424 {offsets = [0, 0], sizes = [32, 1024], strides = [1, 1]} : vector<32x1152xf32> to vector<32x1024xf32>
    %swap3A_1426 = arith.constant 59 : index
    %swap3A_1427 = arith.constant 0 : index
    %swap3A_1428 = arith.constant 0 : index
    %swap3A_1429 = vector.load %arg3[%swap3A_1426, %swap3A_1427, %swap3A_1428] : memref<128x32x1024xf32, #tpu.memory_space<vmem>>, vector<1x32x1024xf32>
    %swap3A_1430 = vector.shape_cast %swap3A_1429 : vector<1x32x1024xf32> to vector<32x1024xf32>
    %swap3A_1431 = vector.shape_cast %slice3A_1425 : vector<32x1024xf32> to vector<1x32x1024xf32>
    tpu.vector_store %arg3[%swap3A_1426, %swap3A_1427, %swap3A_1428], %swap3A_1431 {strides = array<i32>} : memref<128x32x1024xf32, #tpu.memory_space<vmem>>, vector<1x32x1024xf32>,
    %mul3A_1432 = arith.constant 128 : i32
    %mul3A_1433 = arith.muli %arg0, %mul3A_1432 : i32
    %add3A_1434 = arith.constant 60 : i32
    %add3A_1435 = arith.addi %mul3A_1433, %add3A_1434 : i32
    %sub3A_1436 = arith.constant 2047 : i32
    %sub3A_1437 = arith.subi %sub3A_1436, %add3A_1435 : i32
    %sub3A_1438 = arith.constant 67 : i32
    %sub3A_1439 = arith.subi %sub3A_1437, %sub3A_1438 : i32
    %mul3A_1440 = arith.constant 1024 : i32
    %mul3A_1441 = arith.muli %arg1, %mul3A_1440 : i32
    %add3A_1442 = arith.addi %sub3A_1439, %mul3A_1441 : i32
    %multiple_of3A_1443 = tpu.assume_multiple %add3A_1442, 128 : i32
    %get3A_1444 = arith.constant 0 : index
    %get3A_1445 = arith.index_cast %multiple_of3A_1443 : i32 to index
    %get3A_1446 = vector.load %arg2[%get3A_1444, %get3A_1445] : memref<32x4096xf32, #tpu.memory_space<vmem>>, vector<32x1152xf32>
    %roll3A_1447 = arith.constant 1085 : i32
    %roll3A_1448 = tpu.dynamic_rotate %get3A_1446 by %roll3A_1447 dim 1 : vector<32x1152xf32>, i32 -> vector<32x1152xf32>
    %slice3A_1449 = vector.extract_strided_slice %roll3A_1448 {offsets = [0, 0], sizes = [32, 1024], strides = [1, 1]} : vector<32x1152xf32> to vector<32x1024xf32>
    %swap3A_1450 = arith.constant 60 : index
    %swap3A_1451 = arith.constant 0 : index
    %swap3A_1452 = arith.constant 0 : index
    %swap3A_1453 = vector.load %arg3[%swap3A_1450, %swap3A_1451, %swap3A_1452] : memref<128x32x1024xf32, #tpu.memory_space<vmem>>, vector<1x32x1024xf32>
    %swap3A_1454 = vector.shape_cast %swap3A_1453 : vector<1x32x1024xf32> to vector<32x1024xf32>
    %swap3A_1455 = vector.shape_cast %slice3A_1449 : vector<32x1024xf32> to vector<1x32x1024xf32>
    tpu.vector_store %arg3[%swap3A_1450, %swap3A_1451, %swap3A_1452], %swap3A_1455 {strides = array<i32>} : memref<128x32x1024xf32, #tpu.memory_space<vmem>>, vector<1x32x1024xf32>,
    %mul3A_1456 = arith.constant 128 : i32
    %mul3A_1457 = arith.muli %arg0, %mul3A_1456 : i32
    %add3A_1458 = arith.constant 61 : i32
    %add3A_1459 = arith.addi %mul3A_1457, %add3A_1458 : i32
    %sub3A_1460 = arith.constant 2047 : i32
    %sub3A_1461 = arith.subi %sub3A_1460, %add3A_1459 : i32
    %sub3A_1462 = arith.constant 66 : i32
    %sub3A_1463 = arith.subi %sub3A_1461, %sub3A_1462 : i32
    %mul3A_1464 = arith.constant 1024 : i32
    %mul3A_1465 = arith.muli %arg1, %mul3A_1464 : i32
    %add3A_1466 = arith.addi %sub3A_1463, %mul3A_1465 : i32
    %multiple_of3A_1467 = tpu.assume_multiple %add3A_1466, 128 : i32
    %get3A_1468 = arith.constant 0 : index
    %get3A_1469 = arith.index_cast %multiple_of3A_1467 : i32 to index
    %get3A_1470 = vector.load %arg2[%get3A_1468, %get3A_1469] : memref<32x4096xf32, #tpu.memory_space<vmem>>, vector<32x1152xf32>
    %roll3A_1471 = arith.constant 1086 : i32
    %roll3A_1472 = tpu.dynamic_rotate %get3A_1470 by %roll3A_1471 dim 1 : vector<32x1152xf32>, i32 -> vector<32x1152xf32>
    %slice3A_1473 = vector.extract_strided_slice %roll3A_1472 {offsets = [0, 0], sizes = [32, 1024], strides = [1, 1]} : vector<32x1152xf32> to vector<32x1024xf32>
    %swap3A_1474 = arith.constant 61 : index
    %swap3A_1475 = arith.constant 0 : index
    %swap3A_1476 = arith.constant 0 : index
    %swap3A_1477 = vector.load %arg3[%swap3A_1474, %swap3A_1475, %swap3A_1476] : memref<128x32x1024xf32, #tpu.memory_space<vmem>>, vector<1x32x1024xf32>
    %swap3A_1478 = vector.shape_cast %swap3A_1477 : vector<1x32x1024xf32> to vector<32x1024xf32>
    %swap3A_1479 = vector.shape_cast %slice3A_1473 : vector<32x1024xf32> to vector<1x32x1024xf32>
    tpu.vector_store %arg3[%swap3A_1474, %swap3A_1475, %swap3A_1476], %swap3A_1479 {strides = array<i32>} : memref<128x32x1024xf32, #tpu.memory_space<vmem>>, vector<1x32x1024xf32>,
    %mul3A_1480 = arith.constant 128 : i32
    %mul3A_1481 = arith.muli %arg0, %mul3A_1480 : i32
    %add3A_1482 = arith.constant 62 : i32
    %add3A_1483 = arith.addi %mul3A_1481, %add3A_1482 : i32
    %sub3A_1484 = arith.constant 2047 : i32
    %sub3A_1485 = arith.subi %sub3A_1484, %add3A_1483 : i32
    %sub3A_1486 = arith.constant 65 : i32
    %sub3A_1487 = arith.subi %sub3A_1485, %sub3A_1486 : i32
    %mul3A_1488 = arith.constant 1024 : i32
    %mul3A_1489 = arith.muli %arg1, %mul3A_1488 : i32
    %add3A_1490 = arith.addi %sub3A_1487, %mul3A_1489 : i32
    %multiple_of3A_1491 = tpu.assume_multiple %add3A_1490, 128 : i32
    %get3A_1492 = arith.constant 0 : index
    %get3A_1493 = arith.index_cast %multiple_of3A_1491 : i32 to index
    %get3A_1494 = vector.load %arg2[%get3A_1492, %get3A_1493] : memref<32x4096xf32, #tpu.memory_space<vmem>>, vector<32x1152xf32>
    %roll3A_1495 = arith.constant 1087 : i32
    %roll3A_1496 = tpu.dynamic_rotate %get3A_1494 by %roll3A_1495 dim 1 : vector<32x1152xf32>, i32 -> vector<32x1152xf32>
    %slice3A_1497 = vector.extract_strided_slice %roll3A_1496 {offsets = [0, 0], sizes = [32, 1024], strides = [1, 1]} : vector<32x1152xf32> to vector<32x1024xf32>
    %swap3A_1498 = arith.constant 62 : index
    %swap3A_1499 = arith.constant 0 : index
    %swap3A_1500 = arith.constant 0 : index
    %swap3A_1501 = vector.load %arg3[%swap3A_1498, %swap3A_1499, %swap3A_1500] : memref<128x32x1024xf32, #tpu.memory_space<vmem>>, vector<1x32x1024xf32>
    %swap3A_1502 = vector.shape_cast %swap3A_1501 : vector<1x32x1024xf32> to vector<32x1024xf32>
    %swap3A_1503 = vector.shape_cast %slice3A_1497 : vector<32x1024xf32> to vector<1x32x1024xf32>
    tpu.vector_store %arg3[%swap3A_1498, %swap3A_1499, %swap3A_1500], %swap3A_1503 {strides = array<i32>} : memref<128x32x1024xf32, #tpu.memory_space<vmem>>, vector<1x32x1024xf32>,
    %mul3A_1504 = arith.constant 128 : i32
    %mul3A_1505 = arith.muli %arg0, %mul3A_1504 : i32
    %add3A_1506 = arith.constant 63 : i32
    %add3A_1507 = arith.addi %mul3A_1505, %add3A_1506 : i32
    %sub3A_1508 = arith.constant 2047 : i32
    %sub3A_1509 = arith.subi %sub3A_1508, %add3A_1507 : i32
    %sub3A_1510 = arith.constant 64 : i32
    %sub3A_1511 = arith.subi %sub3A_1509, %sub3A_1510 : i32
    %mul3A_1512 = arith.constant 1024 : i32
    %mul3A_1513 = arith.muli %arg1, %mul3A_1512 : i32
    %add3A_1514 = arith.addi %sub3A_1511, %mul3A_1513 : i32
    %multiple_of3A_1515 = tpu.assume_multiple %add3A_1514, 128 : i32
    %get3A_1516 = arith.constant 0 : index
    %get3A_1517 = arith.index_cast %multiple_of3A_1515 : i32 to index
    %get3A_1518 = vector.load %arg2[%get3A_1516, %get3A_1517] : memref<32x4096xf32, #tpu.memory_space<vmem>>, vector<32x1152xf32>
    %roll3A_1519 = arith.constant 1088 : i32
    %roll3A_1520 = tpu.dynamic_rotate %get3A_1518 by %roll3A_1519 dim 1 : vector<32x1152xf32>, i32 -> vector<32x1152xf32>
    %slice3A_1521 = vector.extract_strided_slice %roll3A_1520 {offsets = [0, 0], sizes = [32, 1024], strides = [1, 1]} : vector<32x1152xf32> to vector<32x1024xf32>
    %swap3A_1522 = arith.constant 63 : index
    %swap3A_1523 = arith.constant 0 : index
    %swap3A_1524 = arith.constant 0 : index
    %swap3A_1525 = vector.load %arg3[%swap3A_1522, %swap3A_1523, %swap3A_1524] : memref<128x32x1024xf32, #tpu.memory_space<vmem>>, vector<1x32x1024xf32>
    %swap3A_1526 = vector.shape_cast %swap3A_1525 : vector<1x32x1024xf32> to vector<32x1024xf32>
    %swap3A_1527 = vector.shape_cast %slice3A_1521 : vector<32x1024xf32> to vector<1x32x1024xf32>
    tpu.vector_store %arg3[%swap3A_1522, %swap3A_1523, %swap3A_1524], %swap3A_1527 {strides = array<i32>} : memref<128x32x1024xf32, #tpu.memory_space<vmem>>, vector<1x32x1024xf32>,
    %mul3A_1528 = arith.constant 128 : i32
    %mul3A_1529 = arith.muli %arg0, %mul3A_1528 : i32
    %add3A_1530 = arith.constant 64 : i32
    %add3A_1531 = arith.addi %mul3A_1529, %add3A_1530 : i32
    %sub3A_1532 = arith.constant 2047 : i32
    %sub3A_1533 = arith.subi %sub3A_1532, %add3A_1531 : i32
    %sub3A_1534 = arith.constant 63 : i32
    %sub3A_1535 = arith.subi %sub3A_1533, %sub3A_1534 : i32
    %mul3A_1536 = arith.constant 1024 : i32
    %mul3A_1537 = arith.muli %arg1, %mul3A_1536 : i32
    %add3A_1538 = arith.addi %sub3A_1535, %mul3A_1537 : i32
    %multiple_of3A_1539 = tpu.assume_multiple %add3A_1538, 128 : i32
    %get3A_1540 = arith.constant 0 : index
    %get3A_1541 = arith.index_cast %multiple_of3A_1539 : i32 to index
    %get3A_1542 = vector.load %arg2[%get3A_1540, %get3A_1541] : memref<32x4096xf32, #tpu.memory_space<vmem>>, vector<32x1152xf32>
    %roll3A_1543 = arith.constant 1089 : i32
    %roll3A_1544 = tpu.dynamic_rotate %get3A_1542 by %roll3A_1543 dim 1 : vector<32x1152xf32>, i32 -> vector<32x1152xf32>
    %slice3A_1545 = vector.extract_strided_slice %roll3A_1544 {offsets = [0, 0], sizes = [32, 1024], strides = [1, 1]} : vector<32x1152xf32> to vector<32x1024xf32>
    %swap3A_1546 = arith.constant 64 : index
    %swap3A_1547 = arith.constant 0 : index
    %swap3A_1548 = arith.constant 0 : index
    %swap3A_1549 = vector.load %arg3[%swap3A_1546, %swap3A_1547, %swap3A_1548] : memref<128x32x1024xf32, #tpu.memory_space<vmem>>, vector<1x32x1024xf32>
    %swap3A_1550 = vector.shape_cast %swap3A_1549 : vector<1x32x1024xf32> to vector<32x1024xf32>
    %swap3A_1551 = vector.shape_cast %slice3A_1545 : vector<32x1024xf32> to vector<1x32x1024xf32>
    tpu.vector_store %arg3[%swap3A_1546, %swap3A_1547, %swap3A_1548], %swap3A_1551 {strides = array<i32>} : memref<128x32x1024xf32, #tpu.memory_space<vmem>>, vector<1x32x1024xf32>,
    %mul3A_1552 = arith.constant 128 : i32
    %mul3A_1553 = arith.muli %arg0, %mul3A_1552 : i32
    %add3A_1554 = arith.constant 65 : i32
    %add3A_1555 = arith.addi %mul3A_1553, %add3A_1554 : i32
    %sub3A_1556 = arith.constant 2047 : i32
    %sub3A_1557 = arith.subi %sub3A_1556, %add3A_1555 : i32
    %sub3A_1558 = arith.constant 62 : i32
    %sub3A_1559 = arith.subi %sub3A_1557, %sub3A_1558 : i32
    %mul3A_1560 = arith.constant 1024 : i32
    %mul3A_1561 = arith.muli %arg1, %mul3A_1560 : i32
    %add3A_1562 = arith.addi %sub3A_1559, %mul3A_1561 : i32
    %multiple_of3A_1563 = tpu.assume_multiple %add3A_1562, 128 : i32
    %get3A_1564 = arith.constant 0 : index
    %get3A_1565 = arith.index_cast %multiple_of3A_1563 : i32 to index
    %get3A_1566 = vector.load %arg2[%get3A_1564, %get3A_1565] : memref<32x4096xf32, #tpu.memory_space<vmem>>, vector<32x1152xf32>
    %roll3A_1567 = arith.constant 1090 : i32
    %roll3A_1568 = tpu.dynamic_rotate %get3A_1566 by %roll3A_1567 dim 1 : vector<32x1152xf32>, i32 -> vector<32x1152xf32>
    %slice3A_1569 = vector.extract_strided_slice %roll3A_1568 {offsets = [0, 0], sizes = [32, 1024], strides = [1, 1]} : vector<32x1152xf32> to vector<32x1024xf32>
    %swap3A_1570 = arith.constant 65 : index
    %swap3A_1571 = arith.constant 0 : index
    %swap3A_1572 = arith.constant 0 : index
    %swap3A_1573 = vector.load %arg3[%swap3A_1570, %swap3A_1571, %swap3A_1572] : memref<128x32x1024xf32, #tpu.memory_space<vmem>>, vector<1x32x1024xf32>
    %swap3A_1574 = vector.shape_cast %swap3A_1573 : vector<1x32x1024xf32> to vector<32x1024xf32>
    %swap3A_1575 = vector.shape_cast %slice3A_1569 : vector<32x1024xf32> to vector<1x32x1024xf32>
    tpu.vector_store %arg3[%swap3A_1570, %swap3A_1571, %swap3A_1572], %swap3A_1575 {strides = array<i32>} : memref<128x32x1024xf32, #tpu.memory_space<vmem>>, vector<1x32x1024xf32>,
    %mul3A_1576 = arith.constant 128 : i32
    %mul3A_1577 = arith.muli %arg0, %mul3A_1576 : i32
    %add3A_1578 = arith.constant 66 : i32
    %add3A_1579 = arith.addi %mul3A_1577, %add3A_1578 : i32
    %sub3A_1580 = arith.constant 2047 : i32
    %sub3A_1581 = arith.subi %sub3A_1580, %add3A_1579 : i32
    %sub3A_1582 = arith.constant 61 : i32
    %sub3A_1583 = arith.subi %sub3A_1581, %sub3A_1582 : i32
    %mul3A_1584 = arith.constant 1024 : i32
    %mul3A_1585 = arith.muli %arg1, %mul3A_1584 : i32
    %add3A_1586 = arith.addi %sub3A_1583, %mul3A_1585 : i32
    %multiple_of3A_1587 = tpu.assume_multiple %add3A_1586, 128 : i32
    %get3A_1588 = arith.constant 0 : index
    %get3A_1589 = arith.index_cast %multiple_of3A_1587 : i32 to index
    %get3A_1590 = vector.load %arg2[%get3A_1588, %get3A_1589] : memref<32x4096xf32, #tpu.memory_space<vmem>>, vector<32x1152xf32>
    %roll3A_1591 = arith.constant 1091 : i32
    %roll3A_1592 = tpu.dynamic_rotate %get3A_1590 by %roll3A_1591 dim 1 : vector<32x1152xf32>, i32 -> vector<32x1152xf32>
    %slice3A_1593 = vector.extract_strided_slice %roll3A_1592 {offsets = [0, 0], sizes = [32, 1024], strides = [1, 1]} : vector<32x1152xf32> to vector<32x1024xf32>
    %swap3A_1594 = arith.constant 66 : index
    %swap3A_1595 = arith.constant 0 : index
    %swap3A_1596 = arith.constant 0 : index
    %swap3A_1597 = vector.load %arg3[%swap3A_1594, %swap3A_1595, %swap3A_1596] : memref<128x32x1024xf32, #tpu.memory_space<vmem>>, vector<1x32x1024xf32>
    %swap3A_1598 = vector.shape_cast %swap3A_1597 : vector<1x32x1024xf32> to vector<32x1024xf32>
    %swap3A_1599 = vector.shape_cast %slice3A_1593 : vector<32x1024xf32> to vector<1x32x1024xf32>
    tpu.vector_store %arg3[%swap3A_1594, %swap3A_1595, %swap3A_1596], %swap3A_1599 {strides = array<i32>} : memref<128x32x1024xf32, #tpu.memory_space<vmem>>, vector<1x32x1024xf32>,
    %mul3A_1600 = arith.constant 128 : i32
    %mul3A_1601 = arith.muli %arg0, %mul3A_1600 : i32
    %add3A_1602 = arith.constant 67 : i32
    %add3A_1603 = arith.addi %mul3A_1601, %add3A_1602 : i32
    %sub3A_1604 = arith.constant 2047 : i32
    %sub3A_1605 = arith.subi %sub3A_1604, %add3A_1603 : i32
    %sub3A_1606 = arith.constant 60 : i32
    %sub3A_1607 = arith.subi %sub3A_1605, %sub3A_1606 : i32
    %mul3A_1608 = arith.constant 1024 : i32
    %mul3A_1609 = arith.muli %arg1, %mul3A_1608 : i32
    %add3A_1610 = arith.addi %sub3A_1607, %mul3A_1609 : i32
    %multiple_of3A_1611 = tpu.assume_multiple %add3A_1610, 128 : i32
    %get3A_1612 = arith.constant 0 : index
    %get3A_1613 = arith.index_cast %multiple_of3A_1611 : i32 to index
    %get3A_1614 = vector.load %arg2[%get3A_1612, %get3A_1613] : memref<32x4096xf32, #tpu.memory_space<vmem>>, vector<32x1152xf32>
    %roll3A_1615 = arith.constant 1092 : i32
    %roll3A_1616 = tpu.dynamic_rotate %get3A_1614 by %roll3A_1615 dim 1 : vector<32x1152xf32>, i32 -> vector<32x1152xf32>
    %slice3A_1617 = vector.extract_strided_slice %roll3A_1616 {offsets = [0, 0], sizes = [32, 1024], strides = [1, 1]} : vector<32x1152xf32> to vector<32x1024xf32>
    %swap3A_1618 = arith.constant 67 : index
    %swap3A_1619 = arith.constant 0 : index
    %swap3A_1620 = arith.constant 0 : index
    %swap3A_1621 = vector.load %arg3[%swap3A_1618, %swap3A_1619, %swap3A_1620] : memref<128x32x1024xf32, #tpu.memory_space<vmem>>, vector<1x32x1024xf32>
    %swap3A_1622 = vector.shape_cast %swap3A_1621 : vector<1x32x1024xf32> to vector<32x1024xf32>
    %swap3A_1623 = vector.shape_cast %slice3A_1617 : vector<32x1024xf32> to vector<1x32x1024xf32>
    tpu.vector_store %arg3[%swap3A_1618, %swap3A_1619, %swap3A_1620], %swap3A_1623 {strides = array<i32>} : memref<128x32x1024xf32, #tpu.memory_space<vmem>>, vector<1x32x1024xf32>,
    %mul3A_1624 = arith.constant 128 : i32
    %mul3A_1625 = arith.muli %arg0, %mul3A_1624 : i32
    %add3A_1626 = arith.constant 68 : i32
    %add3A_1627 = arith.addi %mul3A_1625, %add3A_1626 : i32
    %sub3A_1628 = arith.constant 2047 : i32
    %sub3A_1629 = arith.subi %sub3A_1628, %add3A_1627 : i32
    %sub3A_1630 = arith.constant 59 : i32
    %sub3A_1631 = arith.subi %sub3A_1629, %sub3A_1630 : i32
    %mul3A_1632 = arith.constant 1024 : i32
    %mul3A_1633 = arith.muli %arg1, %mul3A_1632 : i32
    %add3A_1634 = arith.addi %sub3A_1631, %mul3A_1633 : i32
    %multiple_of3A_1635 = tpu.assume_multiple %add3A_1634, 128 : i32
    %get3A_1636 = arith.constant 0 : index
    %get3A_1637 = arith.index_cast %multiple_of3A_1635 : i32 to index
    %get3A_1638 = vector.load %arg2[%get3A_1636, %get3A_1637] : memref<32x4096xf32, #tpu.memory_space<vmem>>, vector<32x1152xf32>
    %roll3A_1639 = arith.constant 1093 : i32
    %roll3A_1640 = tpu.dynamic_rotate %get3A_1638 by %roll3A_1639 dim 1 : vector<32x1152xf32>, i32 -> vector<32x1152xf32>
    %slice3A_1641 = vector.extract_strided_slice %roll3A_1640 {offsets = [0, 0], sizes = [32, 1024], strides = [1, 1]} : vector<32x1152xf32> to vector<32x1024xf32>
    %swap3A_1642 = arith.constant 68 : index
    %swap3A_1643 = arith.constant 0 : index
    %swap3A_1644 = arith.constant 0 : index
    %swap3A_1645 = vector.load %arg3[%swap3A_1642, %swap3A_1643, %swap3A_1644] : memref<128x32x1024xf32, #tpu.memory_space<vmem>>, vector<1x32x1024xf32>
    %swap3A_1646 = vector.shape_cast %swap3A_1645 : vector<1x32x1024xf32> to vector<32x1024xf32>
    %swap3A_1647 = vector.shape_cast %slice3A_1641 : vector<32x1024xf32> to vector<1x32x1024xf32>
    tpu.vector_store %arg3[%swap3A_1642, %swap3A_1643, %swap3A_1644], %swap3A_1647 {strides = array<i32>} : memref<128x32x1024xf32, #tpu.memory_space<vmem>>, vector<1x32x1024xf32>,
    %mul3A_1648 = arith.constant 128 : i32
    %mul3A_1649 = arith.muli %arg0, %mul3A_1648 : i32
    %add3A_1650 = arith.constant 69 : i32
    %add3A_1651 = arith.addi %mul3A_1649, %add3A_1650 : i32
    %sub3A_1652 = arith.constant 2047 : i32
    %sub3A_1653 = arith.subi %sub3A_1652, %add3A_1651 : i32
    %sub3A_1654 = arith.constant 58 : i32
    %sub3A_1655 = arith.subi %sub3A_1653, %sub3A_1654 : i32
    %mul3A_1656 = arith.constant 1024 : i32
    %mul3A_1657 = arith.muli %arg1, %mul3A_1656 : i32
    %add3A_1658 = arith.addi %sub3A_1655, %mul3A_1657 : i32
    %multiple_of3A_1659 = tpu.assume_multiple %add3A_1658, 128 : i32
    %get3A_1660 = arith.constant 0 : index
    %get3A_1661 = arith.index_cast %multiple_of3A_1659 : i32 to index
    %get3A_1662 = vector.load %arg2[%get3A_1660, %get3A_1661] : memref<32x4096xf32, #tpu.memory_space<vmem>>, vector<32x1152xf32>
    %roll3A_1663 = arith.constant 1094 : i32
    %roll3A_1664 = tpu.dynamic_rotate %get3A_1662 by %roll3A_1663 dim 1 : vector<32x1152xf32>, i32 -> vector<32x1152xf32>
    %slice3A_1665 = vector.extract_strided_slice %roll3A_1664 {offsets = [0, 0], sizes = [32, 1024], strides = [1, 1]} : vector<32x1152xf32> to vector<32x1024xf32>
    %swap3A_1666 = arith.constant 69 : index
    %swap3A_1667 = arith.constant 0 : index
    %swap3A_1668 = arith.constant 0 : index
    %swap3A_1669 = vector.load %arg3[%swap3A_1666, %swap3A_1667, %swap3A_1668] : memref<128x32x1024xf32, #tpu.memory_space<vmem>>, vector<1x32x1024xf32>
    %swap3A_1670 = vector.shape_cast %swap3A_1669 : vector<1x32x1024xf32> to vector<32x1024xf32>
    %swap3A_1671 = vector.shape_cast %slice3A_1665 : vector<32x1024xf32> to vector<1x32x1024xf32>
    tpu.vector_store %arg3[%swap3A_1666, %swap3A_1667, %swap3A_1668], %swap3A_1671 {strides = array<i32>} : memref<128x32x1024xf32, #tpu.memory_space<vmem>>, vector<1x32x1024xf32>,
    %mul3A_1672 = arith.constant 128 : i32
    %mul3A_1673 = arith.muli %arg0, %mul3A_1672 : i32
    %add3A_1674 = arith.constant 70 : i32
    %add3A_1675 = arith.addi %mul3A_1673, %add3A_1674 : i32
    %sub3A_1676 = arith.constant 2047 : i32
    %sub3A_1677 = arith.subi %sub3A_1676, %add3A_1675 : i32
    %sub3A_1678 = arith.constant 57 : i32
    %sub3A_1679 = arith.subi %sub3A_1677, %sub3A_1678 : i32
    %mul3A_1680 = arith.constant 1024 : i32
    %mul3A_1681 = arith.muli %arg1, %mul3A_1680 : i32
    %add3A_1682 = arith.addi %sub3A_1679, %mul3A_1681 : i32
    %multiple_of3A_1683 = tpu.assume_multiple %add3A_1682, 128 : i32
    %get3A_1684 = arith.constant 0 : index
    %get3A_1685 = arith.index_cast %multiple_of3A_1683 : i32 to index
    %get3A_1686 = vector.load %arg2[%get3A_1684, %get3A_1685] : memref<32x4096xf32, #tpu.memory_space<vmem>>, vector<32x1152xf32>
    %roll3A_1687 = arith.constant 1095 : i32
    %roll3A_1688 = tpu.dynamic_rotate %get3A_1686 by %roll3A_1687 dim 1 : vector<32x1152xf32>, i32 -> vector<32x1152xf32>
    %slice3A_1689 = vector.extract_strided_slice %roll3A_1688 {offsets = [0, 0], sizes = [32, 1024], strides = [1, 1]} : vector<32x1152xf32> to vector<32x1024xf32>
    %swap3A_1690 = arith.constant 70 : index
    %swap3A_1691 = arith.constant 0 : index
    %swap3A_1692 = arith.constant 0 : index
    %swap3A_1693 = vector.load %arg3[%swap3A_1690, %swap3A_1691, %swap3A_1692] : memref<128x32x1024xf32, #tpu.memory_space<vmem>>, vector<1x32x1024xf32>
    %swap3A_1694 = vector.shape_cast %swap3A_1693 : vector<1x32x1024xf32> to vector<32x1024xf32>
    %swap3A_1695 = vector.shape_cast %slice3A_1689 : vector<32x1024xf32> to vector<1x32x1024xf32>
    tpu.vector_store %arg3[%swap3A_1690, %swap3A_1691, %swap3A_1692], %swap3A_1695 {strides = array<i32>} : memref<128x32x1024xf32, #tpu.memory_space<vmem>>, vector<1x32x1024xf32>,
    %mul3A_1696 = arith.constant 128 : i32
    %mul3A_1697 = arith.muli %arg0, %mul3A_1696 : i32
    %add3A_1698 = arith.constant 71 : i32
    %add3A_1699 = arith.addi %mul3A_1697, %add3A_1698 : i32
    %sub3A_1700 = arith.constant 2047 : i32
    %sub3A_1701 = arith.subi %sub3A_1700, %add3A_1699 : i32
    %sub3A_1702 = arith.constant 56 : i32
    %sub3A_1703 = arith.subi %sub3A_1701, %sub3A_1702 : i32
    %mul3A_1704 = arith.constant 1024 : i32
    %mul3A_1705 = arith.muli %arg1, %mul3A_1704 : i32
    %add3A_1706 = arith.addi %sub3A_1703, %mul3A_1705 : i32
    %multiple_of3A_1707 = tpu.assume_multiple %add3A_1706, 128 : i32
    %get3A_1708 = arith.constant 0 : index
    %get3A_1709 = arith.index_cast %multiple_of3A_1707 : i32 to index
    %get3A_1710 = vector.load %arg2[%get3A_1708, %get3A_1709] : memref<32x4096xf32, #tpu.memory_space<vmem>>, vector<32x1152xf32>
    %roll3A_1711 = arith.constant 1096 : i32
    %roll3A_1712 = tpu.dynamic_rotate %get3A_1710 by %roll3A_1711 dim 1 : vector<32x1152xf32>, i32 -> vector<32x1152xf32>
    %slice3A_1713 = vector.extract_strided_slice %roll3A_1712 {offsets = [0, 0], sizes = [32, 1024], strides = [1, 1]} : vector<32x1152xf32> to vector<32x1024xf32>
    %swap3A_1714 = arith.constant 71 : index
    %swap3A_1715 = arith.constant 0 : index
    %swap3A_1716 = arith.constant 0 : index
    %swap3A_1717 = vector.load %arg3[%swap3A_1714, %swap3A_1715, %swap3A_1716] : memref<128x32x1024xf32, #tpu.memory_space<vmem>>, vector<1x32x1024xf32>
    %swap3A_1718 = vector.shape_cast %swap3A_1717 : vector<1x32x1024xf32> to vector<32x1024xf32>
    %swap3A_1719 = vector.shape_cast %slice3A_1713 : vector<32x1024xf32> to vector<1x32x1024xf32>
    tpu.vector_store %arg3[%swap3A_1714, %swap3A_1715, %swap3A_1716], %swap3A_1719 {strides = array<i32>} : memref<128x32x1024xf32, #tpu.memory_space<vmem>>, vector<1x32x1024xf32>,
    %mul3A_1720 = arith.constant 128 : i32
    %mul3A_1721 = arith.muli %arg0, %mul3A_1720 : i32
    %add3A_1722 = arith.constant 72 : i32
    %add3A_1723 = arith.addi %mul3A_1721, %add3A_1722 : i32
    %sub3A_1724 = arith.constant 2047 : i32
    %sub3A_1725 = arith.subi %sub3A_1724, %add3A_1723 : i32
    %sub3A_1726 = arith.constant 55 : i32
    %sub3A_1727 = arith.subi %sub3A_1725, %sub3A_1726 : i32
    %mul3A_1728 = arith.constant 1024 : i32
    %mul3A_1729 = arith.muli %arg1, %mul3A_1728 : i32
    %add3A_1730 = arith.addi %sub3A_1727, %mul3A_1729 : i32
    %multiple_of3A_1731 = tpu.assume_multiple %add3A_1730, 128 : i32
    %get3A_1732 = arith.constant 0 : index
    %get3A_1733 = arith.index_cast %multiple_of3A_1731 : i32 to index
    %get3A_1734 = vector.load %arg2[%get3A_1732, %get3A_1733] : memref<32x4096xf32, #tpu.memory_space<vmem>>, vector<32x1152xf32>
    %roll3A_1735 = arith.constant 1097 : i32
    %roll3A_1736 = tpu.dynamic_rotate %get3A_1734 by %roll3A_1735 dim 1 : vector<32x1152xf32>, i32 -> vector<32x1152xf32>
    %slice3A_1737 = vector.extract_strided_slice %roll3A_1736 {offsets = [0, 0], sizes = [32, 1024], strides = [1, 1]} : vector<32x1152xf32> to vector<32x1024xf32>
    %swap3A_1738 = arith.constant 72 : index
    %swap3A_1739 = arith.constant 0 : index
    %swap3A_1740 = arith.constant 0 : index
    %swap3A_1741 = vector.load %arg3[%swap3A_1738, %swap3A_1739, %swap3A_1740] : memref<128x32x1024xf32, #tpu.memory_space<vmem>>, vector<1x32x1024xf32>
    %swap3A_1742 = vector.shape_cast %swap3A_1741 : vector<1x32x1024xf32> to vector<32x1024xf32>
    %swap3A_1743 = vector.shape_cast %slice3A_1737 : vector<32x1024xf32> to vector<1x32x1024xf32>
    tpu.vector_store %arg3[%swap3A_1738, %swap3A_1739, %swap3A_1740], %swap3A_1743 {strides = array<i32>} : memref<128x32x1024xf32, #tpu.memory_space<vmem>>, vector<1x32x1024xf32>,
    %mul3A_1744 = arith.constant 128 : i32
    %mul3A_1745 = arith.muli %arg0, %mul3A_1744 : i32
    %add3A_1746 = arith.constant 73 : i32
    %add3A_1747 = arith.addi %mul3A_1745, %add3A_1746 : i32
    %sub3A_1748 = arith.constant 2047 : i32
    %sub3A_1749 = arith.subi %sub3A_1748, %add3A_1747 : i32
    %sub3A_1750 = arith.constant 54 : i32
    %sub3A_1751 = arith.subi %sub3A_1749, %sub3A_1750 : i32
    %mul3A_1752 = arith.constant 1024 : i32
    %mul3A_1753 = arith.muli %arg1, %mul3A_1752 : i32
    %add3A_1754 = arith.addi %sub3A_1751, %mul3A_1753 : i32
    %multiple_of3A_1755 = tpu.assume_multiple %add3A_1754, 128 : i32
    %get3A_1756 = arith.constant 0 : index
    %get3A_1757 = arith.index_cast %multiple_of3A_1755 : i32 to index
    %get3A_1758 = vector.load %arg2[%get3A_1756, %get3A_1757] : memref<32x4096xf32, #tpu.memory_space<vmem>>, vector<32x1152xf32>
    %roll3A_1759 = arith.constant 1098 : i32
    %roll3A_1760 = tpu.dynamic_rotate %get3A_1758 by %roll3A_1759 dim 1 : vector<32x1152xf32>, i32 -> vector<32x1152xf32>
    %slice3A_1761 = vector.extract_strided_slice %roll3A_1760 {offsets = [0, 0], sizes = [32, 1024], strides = [1, 1]} : vector<32x1152xf32> to vector<32x1024xf32>
    %swap3A_1762 = arith.constant 73 : index
    %swap3A_1763 = arith.constant 0 : index
    %swap3A_1764 = arith.constant 0 : index
    %swap3A_1765 = vector.load %arg3[%swap3A_1762, %swap3A_1763, %swap3A_1764] : memref<128x32x1024xf32, #tpu.memory_space<vmem>>, vector<1x32x1024xf32>
    %swap3A_1766 = vector.shape_cast %swap3A_1765 : vector<1x32x1024xf32> to vector<32x1024xf32>
    %swap3A_1767 = vector.shape_cast %slice3A_1761 : vector<32x1024xf32> to vector<1x32x1024xf32>
    tpu.vector_store %arg3[%swap3A_1762, %swap3A_1763, %swap3A_1764], %swap3A_1767 {strides = array<i32>} : memref<128x32x1024xf32, #tpu.memory_space<vmem>>, vector<1x32x1024xf32>,
    %mul3A_1768 = arith.constant 128 : i32
    %mul3A_1769 = arith.muli %arg0, %mul3A_1768 : i32
    %add3A_1770 = arith.constant 74 : i32
    %add3A_1771 = arith.addi %mul3A_1769, %add3A_1770 : i32
    %sub3A_1772 = arith.constant 2047 : i32
    %sub3A_1773 = arith.subi %sub3A_1772, %add3A_1771 : i32
    %sub3A_1774 = arith.constant 53 : i32
    %sub3A_1775 = arith.subi %sub3A_1773, %sub3A_1774 : i32
    %mul3A_1776 = arith.constant 1024 : i32
    %mul3A_1777 = arith.muli %arg1, %mul3A_1776 : i32
    %add3A_1778 = arith.addi %sub3A_1775, %mul3A_1777 : i32
    %multiple_of3A_1779 = tpu.assume_multiple %add3A_1778, 128 : i32
    %get3A_1780 = arith.constant 0 : index
    %get3A_1781 = arith.index_cast %multiple_of3A_1779 : i32 to index
    %get3A_1782 = vector.load %arg2[%get3A_1780, %get3A_1781] : memref<32x4096xf32, #tpu.memory_space<vmem>>, vector<32x1152xf32>
    %roll3A_1783 = arith.constant 1099 : i32
    %roll3A_1784 = tpu.dynamic_rotate %get3A_1782 by %roll3A_1783 dim 1 : vector<32x1152xf32>, i32 -> vector<32x1152xf32>
    %slice3A_1785 = vector.extract_strided_slice %roll3A_1784 {offsets = [0, 0], sizes = [32, 1024], strides = [1, 1]} : vector<32x1152xf32> to vector<32x1024xf32>
    %swap3A_1786 = arith.constant 74 : index
    %swap3A_1787 = arith.constant 0 : index
    %swap3A_1788 = arith.constant 0 : index
    %swap3A_1789 = vector.load %arg3[%swap3A_1786, %swap3A_1787, %swap3A_1788] : memref<128x32x1024xf32, #tpu.memory_space<vmem>>, vector<1x32x1024xf32>
    %swap3A_1790 = vector.shape_cast %swap3A_1789 : vector<1x32x1024xf32> to vector<32x1024xf32>
    %swap3A_1791 = vector.shape_cast %slice3A_1785 : vector<32x1024xf32> to vector<1x32x1024xf32>
    tpu.vector_store %arg3[%swap3A_1786, %swap3A_1787, %swap3A_1788], %swap3A_1791 {strides = array<i32>} : memref<128x32x1024xf32, #tpu.memory_space<vmem>>, vector<1x32x1024xf32>,
    %mul3A_1792 = arith.constant 128 : i32
    %mul3A_1793 = arith.muli %arg0, %mul3A_1792 : i32
    %add3A_1794 = arith.constant 75 : i32
    %add3A_1795 = arith.addi %mul3A_1793, %add3A_1794 : i32
    %sub3A_1796 = arith.constant 2047 : i32
    %sub3A_1797 = arith.subi %sub3A_1796, %add3A_1795 : i32
    %sub3A_1798 = arith.constant 52 : i32
    %sub3A_1799 = arith.subi %sub3A_1797, %sub3A_1798 : i32
    %mul3A_1800 = arith.constant 1024 : i32
    %mul3A_1801 = arith.muli %arg1, %mul3A_1800 : i32
    %add3A_1802 = arith.addi %sub3A_1799, %mul3A_1801 : i32
    %multiple_of3A_1803 = tpu.assume_multiple %add3A_1802, 128 : i32
    %get3A_1804 = arith.constant 0 : index
    %get3A_1805 = arith.index_cast %multiple_of3A_1803 : i32 to index
    %get3A_1806 = vector.load %arg2[%get3A_1804, %get3A_1805] : memref<32x4096xf32, #tpu.memory_space<vmem>>, vector<32x1152xf32>
    %roll3A_1807 = arith.constant 1100 : i32
    %roll3A_1808 = tpu.dynamic_rotate %get3A_1806 by %roll3A_1807 dim 1 : vector<32x1152xf32>, i32 -> vector<32x1152xf32>
    %slice3A_1809 = vector.extract_strided_slice %roll3A_1808 {offsets = [0, 0], sizes = [32, 1024], strides = [1, 1]} : vector<32x1152xf32> to vector<32x1024xf32>
    %swap3A_1810 = arith.constant 75 : index
    %swap3A_1811 = arith.constant 0 : index
    %swap3A_1812 = arith.constant 0 : index
    %swap3A_1813 = vector.load %arg3[%swap3A_1810, %swap3A_1811, %swap3A_1812] : memref<128x32x1024xf32, #tpu.memory_space<vmem>>, vector<1x32x1024xf32>
    %swap3A_1814 = vector.shape_cast %swap3A_1813 : vector<1x32x1024xf32> to vector<32x1024xf32>
    %swap3A_1815 = vector.shape_cast %slice3A_1809 : vector<32x1024xf32> to vector<1x32x1024xf32>
    tpu.vector_store %arg3[%swap3A_1810, %swap3A_1811, %swap3A_1812], %swap3A_1815 {strides = array<i32>} : memref<128x32x1024xf32, #tpu.memory_space<vmem>>, vector<1x32x1024xf32>,
    %mul3A_1816 = arith.constant 128 : i32
    %mul3A_1817 = arith.muli %arg0, %mul3A_1816 : i32
    %add3A_1818 = arith.constant 76 : i32
    %add3A_1819 = arith.addi %mul3A_1817, %add3A_1818 : i32
    %sub3A_1820 = arith.constant 2047 : i32
    %sub3A_1821 = arith.subi %sub3A_1820, %add3A_1819 : i32
    %sub3A_1822 = arith.constant 51 : i32
    %sub3A_1823 = arith.subi %sub3A_1821, %sub3A_1822 : i32
    %mul3A_1824 = arith.constant 1024 : i32
    %mul3A_1825 = arith.muli %arg1, %mul3A_1824 : i32
    %add3A_1826 = arith.addi %sub3A_1823, %mul3A_1825 : i32
    %multiple_of3A_1827 = tpu.assume_multiple %add3A_1826, 128 : i32
    %get3A_1828 = arith.constant 0 : index
    %get3A_1829 = arith.index_cast %multiple_of3A_1827 : i32 to index
    %get3A_1830 = vector.load %arg2[%get3A_1828, %get3A_1829] : memref<32x4096xf32, #tpu.memory_space<vmem>>, vector<32x1152xf32>
    %roll3A_1831 = arith.constant 1101 : i32
    %roll3A_1832 = tpu.dynamic_rotate %get3A_1830 by %roll3A_1831 dim 1 : vector<32x1152xf32>, i32 -> vector<32x1152xf32>
    %slice3A_1833 = vector.extract_strided_slice %roll3A_1832 {offsets = [0, 0], sizes = [32, 1024], strides = [1, 1]} : vector<32x1152xf32> to vector<32x1024xf32>
    %swap3A_1834 = arith.constant 76 : index
    %swap3A_1835 = arith.constant 0 : index
    %swap3A_1836 = arith.constant 0 : index
    %swap3A_1837 = vector.load %arg3[%swap3A_1834, %swap3A_1835, %swap3A_1836] : memref<128x32x1024xf32, #tpu.memory_space<vmem>>, vector<1x32x1024xf32>
    %swap3A_1838 = vector.shape_cast %swap3A_1837 : vector<1x32x1024xf32> to vector<32x1024xf32>
    %swap3A_1839 = vector.shape_cast %slice3A_1833 : vector<32x1024xf32> to vector<1x32x1024xf32>
    tpu.vector_store %arg3[%swap3A_1834, %swap3A_1835, %swap3A_1836], %swap3A_1839 {strides = array<i32>} : memref<128x32x1024xf32, #tpu.memory_space<vmem>>, vector<1x32x1024xf32>,
    %mul3A_1840 = arith.constant 128 : i32
    %mul3A_1841 = arith.muli %arg0, %mul3A_1840 : i32
    %add3A_1842 = arith.constant 77 : i32
    %add3A_1843 = arith.addi %mul3A_1841, %add3A_1842 : i32
    %sub3A_1844 = arith.constant 2047 : i32
    %sub3A_1845 = arith.subi %sub3A_1844, %add3A_1843 : i32
    %sub3A_1846 = arith.constant 50 : i32
    %sub3A_1847 = arith.subi %sub3A_1845, %sub3A_1846 : i32
    %mul3A_1848 = arith.constant 1024 : i32
    %mul3A_1849 = arith.muli %arg1, %mul3A_1848 : i32
    %add3A_1850 = arith.addi %sub3A_1847, %mul3A_1849 : i32
    %multiple_of3A_1851 = tpu.assume_multiple %add3A_1850, 128 : i32
    %get3A_1852 = arith.constant 0 : index
    %get3A_1853 = arith.index_cast %multiple_of3A_1851 : i32 to index
    %get3A_1854 = vector.load %arg2[%get3A_1852, %get3A_1853] : memref<32x4096xf32, #tpu.memory_space<vmem>>, vector<32x1152xf32>
    %roll3A_1855 = arith.constant 1102 : i32
    %roll3A_1856 = tpu.dynamic_rotate %get3A_1854 by %roll3A_1855 dim 1 : vector<32x1152xf32>, i32 -> vector<32x1152xf32>
    %slice3A_1857 = vector.extract_strided_slice %roll3A_1856 {offsets = [0, 0], sizes = [32, 1024], strides = [1, 1]} : vector<32x1152xf32> to vector<32x1024xf32>
    %swap3A_1858 = arith.constant 77 : index
    %swap3A_1859 = arith.constant 0 : index
    %swap3A_1860 = arith.constant 0 : index
    %swap3A_1861 = vector.load %arg3[%swap3A_1858, %swap3A_1859, %swap3A_1860] : memref<128x32x1024xf32, #tpu.memory_space<vmem>>, vector<1x32x1024xf32>
    %swap3A_1862 = vector.shape_cast %swap3A_1861 : vector<1x32x1024xf32> to vector<32x1024xf32>
    %swap3A_1863 = vector.shape_cast %slice3A_1857 : vector<32x1024xf32> to vector<1x32x1024xf32>
    tpu.vector_store %arg3[%swap3A_1858, %swap3A_1859, %swap3A_1860], %swap3A_1863 {strides = array<i32>} : memref<128x32x1024xf32, #tpu.memory_space<vmem>>, vector<1x32x1024xf32>,
    %mul3A_1864 = arith.constant 128 : i32
    %mul3A_1865 = arith.muli %arg0, %mul3A_1864 : i32
    %add3A_1866 = arith.constant 78 : i32
    %add3A_1867 = arith.addi %mul3A_1865, %add3A_1866 : i32
    %sub3A_1868 = arith.constant 2047 : i32
    %sub3A_1869 = arith.subi %sub3A_1868, %add3A_1867 : i32
    %sub3A_1870 = arith.constant 49 : i32
    %sub3A_1871 = arith.subi %sub3A_1869, %sub3A_1870 : i32
    %mul3A_1872 = arith.constant 1024 : i32
    %mul3A_1873 = arith.muli %arg1, %mul3A_1872 : i32
    %add3A_1874 = arith.addi %sub3A_1871, %mul3A_1873 : i32
    %multiple_of3A_1875 = tpu.assume_multiple %add3A_1874, 128 : i32
    %get3A_1876 = arith.constant 0 : index
    %get3A_1877 = arith.index_cast %multiple_of3A_1875 : i32 to index
    %get3A_1878 = vector.load %arg2[%get3A_1876, %get3A_1877] : memref<32x4096xf32, #tpu.memory_space<vmem>>, vector<32x1152xf32>
    %roll3A_1879 = arith.constant 1103 : i32
    %roll3A_1880 = tpu.dynamic_rotate %get3A_1878 by %roll3A_1879 dim 1 : vector<32x1152xf32>, i32 -> vector<32x1152xf32>
    %slice3A_1881 = vector.extract_strided_slice %roll3A_1880 {offsets = [0, 0], sizes = [32, 1024], strides = [1, 1]} : vector<32x1152xf32> to vector<32x1024xf32>
    %swap3A_1882 = arith.constant 78 : index
    %swap3A_1883 = arith.constant 0 : index
    %swap3A_1884 = arith.constant 0 : index
    %swap3A_1885 = vector.load %arg3[%swap3A_1882, %swap3A_1883, %swap3A_1884] : memref<128x32x1024xf32, #tpu.memory_space<vmem>>, vector<1x32x1024xf32>
    %swap3A_1886 = vector.shape_cast %swap3A_1885 : vector<1x32x1024xf32> to vector<32x1024xf32>
    %swap3A_1887 = vector.shape_cast %slice3A_1881 : vector<32x1024xf32> to vector<1x32x1024xf32>
    tpu.vector_store %arg3[%swap3A_1882, %swap3A_1883, %swap3A_1884], %swap3A_1887 {strides = array<i32>} : memref<128x32x1024xf32, #tpu.memory_space<vmem>>, vector<1x32x1024xf32>,
    %mul3A_1888 = arith.constant 128 : i32
    %mul3A_1889 = arith.muli %arg0, %mul3A_1888 : i32
    %add3A_1890 = arith.constant 79 : i32
    %add3A_1891 = arith.addi %mul3A_1889, %add3A_1890 : i32
    %sub3A_1892 = arith.constant 2047 : i32
    %sub3A_1893 = arith.subi %sub3A_1892, %add3A_1891 : i32
    %sub3A_1894 = arith.constant 48 : i32
    %sub3A_1895 = arith.subi %sub3A_1893, %sub3A_1894 : i32
    %mul3A_1896 = arith.constant 1024 : i32
    %mul3A_1897 = arith.muli %arg1, %mul3A_1896 : i32
    %add3A_1898 = arith.addi %sub3A_1895, %mul3A_1897 : i32
    %multiple_of3A_1899 = tpu.assume_multiple %add3A_1898, 128 : i32
    %get3A_1900 = arith.constant 0 : index
    %get3A_1901 = arith.index_cast %multiple_of3A_1899 : i32 to index
    %get3A_1902 = vector.load %arg2[%get3A_1900, %get3A_1901] : memref<32x4096xf32, #tpu.memory_space<vmem>>, vector<32x1152xf32>
    %roll3A_1903 = arith.constant 1104 : i32
    %roll3A_1904 = tpu.dynamic_rotate %get3A_1902 by %roll3A_1903 dim 1 : vector<32x1152xf32>, i32 -> vector<32x1152xf32>
    %slice3A_1905 = vector.extract_strided_slice %roll3A_1904 {offsets = [0, 0], sizes = [32, 1024], strides = [1, 1]} : vector<32x1152xf32> to vector<32x1024xf32>
    %swap3A_1906 = arith.constant 79 : index
    %swap3A_1907 = arith.constant 0 : index
    %swap3A_1908 = arith.constant 0 : index
    %swap3A_1909 = vector.load %arg3[%swap3A_1906, %swap3A_1907, %swap3A_1908] : memref<128x32x1024xf32, #tpu.memory_space<vmem>>, vector<1x32x1024xf32>
    %swap3A_1910 = vector.shape_cast %swap3A_1909 : vector<1x32x1024xf32> to vector<32x1024xf32>
    %swap3A_1911 = vector.shape_cast %slice3A_1905 : vector<32x1024xf32> to vector<1x32x1024xf32>
    tpu.vector_store %arg3[%swap3A_1906, %swap3A_1907, %swap3A_1908], %swap3A_1911 {strides = array<i32>} : memref<128x32x1024xf32, #tpu.memory_space<vmem>>, vector<1x32x1024xf32>,
    %mul3A_1912 = arith.constant 128 : i32
    %mul3A_1913 = arith.muli %arg0, %mul3A_1912 : i32
    %add3A_1914 = arith.constant 80 : i32
    %add3A_1915 = arith.addi %mul3A_1913, %add3A_1914 : i32
    %sub3A_1916 = arith.constant 2047 : i32
    %sub3A_1917 = arith.subi %sub3A_1916, %add3A_1915 : i32
    %sub3A_1918 = arith.constant 47 : i32
    %sub3A_1919 = arith.subi %sub3A_1917, %sub3A_1918 : i32
    %mul3A_1920 = arith.constant 1024 : i32
    %mul3A_1921 = arith.muli %arg1, %mul3A_1920 : i32
    %add3A_1922 = arith.addi %sub3A_1919, %mul3A_1921 : i32
    %multiple_of3A_1923 = tpu.assume_multiple %add3A_1922, 128 : i32
    %get3A_1924 = arith.constant 0 : index
    %get3A_1925 = arith.index_cast %multiple_of3A_1923 : i32 to index
    %get3A_1926 = vector.load %arg2[%get3A_1924, %get3A_1925] : memref<32x4096xf32, #tpu.memory_space<vmem>>, vector<32x1152xf32>
    %roll3A_1927 = arith.constant 1105 : i32
    %roll3A_1928 = tpu.dynamic_rotate %get3A_1926 by %roll3A_1927 dim 1 : vector<32x1152xf32>, i32 -> vector<32x1152xf32>
    %slice3A_1929 = vector.extract_strided_slice %roll3A_1928 {offsets = [0, 0], sizes = [32, 1024], strides = [1, 1]} : vector<32x1152xf32> to vector<32x1024xf32>
    %swap3A_1930 = arith.constant 80 : index
    %swap3A_1931 = arith.constant 0 : index
    %swap3A_1932 = arith.constant 0 : index
    %swap3A_1933 = vector.load %arg3[%swap3A_1930, %swap3A_1931, %swap3A_1932] : memref<128x32x1024xf32, #tpu.memory_space<vmem>>, vector<1x32x1024xf32>
    %swap3A_1934 = vector.shape_cast %swap3A_1933 : vector<1x32x1024xf32> to vector<32x1024xf32>
    %swap3A_1935 = vector.shape_cast %slice3A_1929 : vector<32x1024xf32> to vector<1x32x1024xf32>
    tpu.vector_store %arg3[%swap3A_1930, %swap3A_1931, %swap3A_1932], %swap3A_1935 {strides = array<i32>} : memref<128x32x1024xf32, #tpu.memory_space<vmem>>, vector<1x32x1024xf32>,
    %mul3A_1936 = arith.constant 128 : i32
    %mul3A_1937 = arith.muli %arg0, %mul3A_1936 : i32
    %add3A_1938 = arith.constant 81 : i32
    %add3A_1939 = arith.addi %mul3A_1937, %add3A_1938 : i32
    %sub3A_1940 = arith.constant 2047 : i32
    %sub3A_1941 = arith.subi %sub3A_1940, %add3A_1939 : i32
    %sub3A_1942 = arith.constant 46 : i32
    %sub3A_1943 = arith.subi %sub3A_1941, %sub3A_1942 : i32
    %mul3A_1944 = arith.constant 1024 : i32
    %mul3A_1945 = arith.muli %arg1, %mul3A_1944 : i32
    %add3A_1946 = arith.addi %sub3A_1943, %mul3A_1945 : i32
    %multiple_of3A_1947 = tpu.assume_multiple %add3A_1946, 128 : i32
    %get3A_1948 = arith.constant 0 : index
    %get3A_1949 = arith.index_cast %multiple_of3A_1947 : i32 to index
    %get3A_1950 = vector.load %arg2[%get3A_1948, %get3A_1949] : memref<32x4096xf32, #tpu.memory_space<vmem>>, vector<32x1152xf32>
    %roll3A_1951 = arith.constant 1106 : i32
    %roll3A_1952 = tpu.dynamic_rotate %get3A_1950 by %roll3A_1951 dim 1 : vector<32x1152xf32>, i32 -> vector<32x1152xf32>
    %slice3A_1953 = vector.extract_strided_slice %roll3A_1952 {offsets = [0, 0], sizes = [32, 1024], strides = [1, 1]} : vector<32x1152xf32> to vector<32x1024xf32>
    %swap3A_1954 = arith.constant 81 : index
    %swap3A_1955 = arith.constant 0 : index
    %swap3A_1956 = arith.constant 0 : index
    %swap3A_1957 = vector.load %arg3[%swap3A_1954, %swap3A_1955, %swap3A_1956] : memref<128x32x1024xf32, #tpu.memory_space<vmem>>, vector<1x32x1024xf32>
    %swap3A_1958 = vector.shape_cast %swap3A_1957 : vector<1x32x1024xf32> to vector<32x1024xf32>
    %swap3A_1959 = vector.shape_cast %slice3A_1953 : vector<32x1024xf32> to vector<1x32x1024xf32>
    tpu.vector_store %arg3[%swap3A_1954, %swap3A_1955, %swap3A_1956], %swap3A_1959 {strides = array<i32>} : memref<128x32x1024xf32, #tpu.memory_space<vmem>>, vector<1x32x1024xf32>,
    %mul3A_1960 = arith.constant 128 : i32
    %mul3A_1961 = arith.muli %arg0, %mul3A_1960 : i32
    %add3A_1962 = arith.constant 82 : i32
    %add3A_1963 = arith.addi %mul3A_1961, %add3A_1962 : i32
    %sub3A_1964 = arith.constant 2047 : i32
    %sub3A_1965 = arith.subi %sub3A_1964, %add3A_1963 : i32
    %sub3A_1966 = arith.constant 45 : i32
    %sub3A_1967 = arith.subi %sub3A_1965, %sub3A_1966 : i32
    %mul3A_1968 = arith.constant 1024 : i32
    %mul3A_1969 = arith.muli %arg1, %mul3A_1968 : i32
    %add3A_1970 = arith.addi %sub3A_1967, %mul3A_1969 : i32
    %multiple_of3A_1971 = tpu.assume_multiple %add3A_1970, 128 : i32
    %get3A_1972 = arith.constant 0 : index
    %get3A_1973 = arith.index_cast %multiple_of3A_1971 : i32 to index
    %get3A_1974 = vector.load %arg2[%get3A_1972, %get3A_1973] : memref<32x4096xf32, #tpu.memory_space<vmem>>, vector<32x1152xf32>
    %roll3A_1975 = arith.constant 1107 : i32
    %roll3A_1976 = tpu.dynamic_rotate %get3A_1974 by %roll3A_1975 dim 1 : vector<32x1152xf32>, i32 -> vector<32x1152xf32>
    %slice3A_1977 = vector.extract_strided_slice %roll3A_1976 {offsets = [0, 0], sizes = [32, 1024], strides = [1, 1]} : vector<32x1152xf32> to vector<32x1024xf32>
    %swap3A_1978 = arith.constant 82 : index
    %swap3A_1979 = arith.constant 0 : index
    %swap3A_1980 = arith.constant 0 : index
    %swap3A_1981 = vector.load %arg3[%swap3A_1978, %swap3A_1979, %swap3A_1980] : memref<128x32x1024xf32, #tpu.memory_space<vmem>>, vector<1x32x1024xf32>
    %swap3A_1982 = vector.shape_cast %swap3A_1981 : vector<1x32x1024xf32> to vector<32x1024xf32>
    %swap3A_1983 = vector.shape_cast %slice3A_1977 : vector<32x1024xf32> to vector<1x32x1024xf32>
    tpu.vector_store %arg3[%swap3A_1978, %swap3A_1979, %swap3A_1980], %swap3A_1983 {strides = array<i32>} : memref<128x32x1024xf32, #tpu.memory_space<vmem>>, vector<1x32x1024xf32>,
    %mul3A_1984 = arith.constant 128 : i32
    %mul3A_1985 = arith.muli %arg0, %mul3A_1984 : i32
    %add3A_1986 = arith.constant 83 : i32
    %add3A_1987 = arith.addi %mul3A_1985, %add3A_1986 : i32
    %sub3A_1988 = arith.constant 2047 : i32
    %sub3A_1989 = arith.subi %sub3A_1988, %add3A_1987 : i32
    %sub3A_1990 = arith.constant 44 : i32
    %sub3A_1991 = arith.subi %sub3A_1989, %sub3A_1990 : i32
    %mul3A_1992 = arith.constant 1024 : i32
    %mul3A_1993 = arith.muli %arg1, %mul3A_1992 : i32
    %add3A_1994 = arith.addi %sub3A_1991, %mul3A_1993 : i32
    %multiple_of3A_1995 = tpu.assume_multiple %add3A_1994, 128 : i32
    %get3A_1996 = arith.constant 0 : index
    %get3A_1997 = arith.index_cast %multiple_of3A_1995 : i32 to index
    %get3A_1998 = vector.load %arg2[%get3A_1996, %get3A_1997] : memref<32x4096xf32, #tpu.memory_space<vmem>>, vector<32x1152xf32>
    %roll3A_1999 = arith.constant 1108 : i32
    %roll3A_2000 = tpu.dynamic_rotate %get3A_1998 by %roll3A_1999 dim 1 : vector<32x1152xf32>, i32 -> vector<32x1152xf32>
    %slice3A_2001 = vector.extract_strided_slice %roll3A_2000 {offsets = [0, 0], sizes = [32, 1024], strides = [1, 1]} : vector<32x1152xf32> to vector<32x1024xf32>
    %swap3A_2002 = arith.constant 83 : index
    %swap3A_2003 = arith.constant 0 : index
    %swap3A_2004 = arith.constant 0 : index
    %swap3A_2005 = vector.load %arg3[%swap3A_2002, %swap3A_2003, %swap3A_2004] : memref<128x32x1024xf32, #tpu.memory_space<vmem>>, vector<1x32x1024xf32>
    %swap3A_2006 = vector.shape_cast %swap3A_2005 : vector<1x32x1024xf32> to vector<32x1024xf32>
    %swap3A_2007 = vector.shape_cast %slice3A_2001 : vector<32x1024xf32> to vector<1x32x1024xf32>
    tpu.vector_store %arg3[%swap3A_2002, %swap3A_2003, %swap3A_2004], %swap3A_2007 {strides = array<i32>} : memref<128x32x1024xf32, #tpu.memory_space<vmem>>, vector<1x32x1024xf32>,
    %mul3A_2008 = arith.constant 128 : i32
    %mul3A_2009 = arith.muli %arg0, %mul3A_2008 : i32
    %add3A_2010 = arith.constant 84 : i32
    %add3A_2011 = arith.addi %mul3A_2009, %add3A_2010 : i32
    %sub3A_2012 = arith.constant 2047 : i32
    %sub3A_2013 = arith.subi %sub3A_2012, %add3A_2011 : i32
    %sub3A_2014 = arith.constant 43 : i32
    %sub3A_2015 = arith.subi %sub3A_2013, %sub3A_2014 : i32
    %mul3A_2016 = arith.constant 1024 : i32
    %mul3A_2017 = arith.muli %arg1, %mul3A_2016 : i32
    %add3A_2018 = arith.addi %sub3A_2015, %mul3A_2017 : i32
    %multiple_of3A_2019 = tpu.assume_multiple %add3A_2018, 128 : i32
    %get3A_2020 = arith.constant 0 : index
    %get3A_2021 = arith.index_cast %multiple_of3A_2019 : i32 to index
    %get3A_2022 = vector.load %arg2[%get3A_2020, %get3A_2021] : memref<32x4096xf32, #tpu.memory_space<vmem>>, vector<32x1152xf32>
    %roll3A_2023 = arith.constant 1109 : i32
    %roll3A_2024 = tpu.dynamic_rotate %get3A_2022 by %roll3A_2023 dim 1 : vector<32x1152xf32>, i32 -> vector<32x1152xf32>
    %slice3A_2025 = vector.extract_strided_slice %roll3A_2024 {offsets = [0, 0], sizes = [32, 1024], strides = [1, 1]} : vector<32x1152xf32> to vector<32x1024xf32>
    %swap3A_2026 = arith.constant 84 : index
    %swap3A_2027 = arith.constant 0 : index
    %swap3A_2028 = arith.constant 0 : index
    %swap3A_2029 = vector.load %arg3[%swap3A_2026, %swap3A_2027, %swap3A_2028] : memref<128x32x1024xf32, #tpu.memory_space<vmem>>, vector<1x32x1024xf32>
    %swap3A_2030 = vector.shape_cast %swap3A_2029 : vector<1x32x1024xf32> to vector<32x1024xf32>
    %swap3A_2031 = vector.shape_cast %slice3A_2025 : vector<32x1024xf32> to vector<1x32x1024xf32>
    tpu.vector_store %arg3[%swap3A_2026, %swap3A_2027, %swap3A_2028], %swap3A_2031 {strides = array<i32>} : memref<128x32x1024xf32, #tpu.memory_space<vmem>>, vector<1x32x1024xf32>,
    %mul3A_2032 = arith.constant 128 : i32
    %mul3A_2033 = arith.muli %arg0, %mul3A_2032 : i32
    %add3A_2034 = arith.constant 85 : i32
    %add3A_2035 = arith.addi %mul3A_2033, %add3A_2034 : i32
    %sub3A_2036 = arith.constant 2047 : i32
    %sub3A_2037 = arith.subi %sub3A_2036, %add3A_2035 : i32
    %sub3A_2038 = arith.constant 42 : i32
    %sub3A_2039 = arith.subi %sub3A_2037, %sub3A_2038 : i32
    %mul3A_2040 = arith.constant 1024 : i32
    %mul3A_2041 = arith.muli %arg1, %mul3A_2040 : i32
    %add3A_2042 = arith.addi %sub3A_2039, %mul3A_2041 : i32
    %multiple_of3A_2043 = tpu.assume_multiple %add3A_2042, 128 : i32
    %get3A_2044 = arith.constant 0 : index
    %get3A_2045 = arith.index_cast %multiple_of3A_2043 : i32 to index
    %get3A_2046 = vector.load %arg2[%get3A_2044, %get3A_2045] : memref<32x4096xf32, #tpu.memory_space<vmem>>, vector<32x1152xf32>
    %roll3A_2047 = arith.constant 1110 : i32
    %roll3A_2048 = tpu.dynamic_rotate %get3A_2046 by %roll3A_2047 dim 1 : vector<32x1152xf32>, i32 -> vector<32x1152xf32>
    %slice3A_2049 = vector.extract_strided_slice %roll3A_2048 {offsets = [0, 0], sizes = [32, 1024], strides = [1, 1]} : vector<32x1152xf32> to vector<32x1024xf32>
    %swap3A_2050 = arith.constant 85 : index
    %swap3A_2051 = arith.constant 0 : index
    %swap3A_2052 = arith.constant 0 : index
    %swap3A_2053 = vector.load %arg3[%swap3A_2050, %swap3A_2051, %swap3A_2052] : memref<128x32x1024xf32, #tpu.memory_space<vmem>>, vector<1x32x1024xf32>
    %swap3A_2054 = vector.shape_cast %swap3A_2053 : vector<1x32x1024xf32> to vector<32x1024xf32>
    %swap3A_2055 = vector.shape_cast %slice3A_2049 : vector<32x1024xf32> to vector<1x32x1024xf32>
    tpu.vector_store %arg3[%swap3A_2050, %swap3A_2051, %swap3A_2052], %swap3A_2055 {strides = array<i32>} : memref<128x32x1024xf32, #tpu.memory_space<vmem>>, vector<1x32x1024xf32>,
    %mul3A_2056 = arith.constant 128 : i32
    %mul3A_2057 = arith.muli %arg0, %mul3A_2056 : i32
    %add3A_2058 = arith.constant 86 : i32
    %add3A_2059 = arith.addi %mul3A_2057, %add3A_2058 : i32
    %sub3A_2060 = arith.constant 2047 : i32
    %sub3A_2061 = arith.subi %sub3A_2060, %add3A_2059 : i32
    %sub3A_2062 = arith.constant 41 : i32
    %sub3A_2063 = arith.subi %sub3A_2061, %sub3A_2062 : i32
    %mul3A_2064 = arith.constant 1024 : i32
    %mul3A_2065 = arith.muli %arg1, %mul3A_2064 : i32
    %add3A_2066 = arith.addi %sub3A_2063, %mul3A_2065 : i32
    %multiple_of3A_2067 = tpu.assume_multiple %add3A_2066, 128 : i32
    %get3A_2068 = arith.constant 0 : index
    %get3A_2069 = arith.index_cast %multiple_of3A_2067 : i32 to index
    %get3A_2070 = vector.load %arg2[%get3A_2068, %get3A_2069] : memref<32x4096xf32, #tpu.memory_space<vmem>>, vector<32x1152xf32>
    %roll3A_2071 = arith.constant 1111 : i32
    %roll3A_2072 = tpu.dynamic_rotate %get3A_2070 by %roll3A_2071 dim 1 : vector<32x1152xf32>, i32 -> vector<32x1152xf32>
    %slice3A_2073 = vector.extract_strided_slice %roll3A_2072 {offsets = [0, 0], sizes = [32, 1024], strides = [1, 1]} : vector<32x1152xf32> to vector<32x1024xf32>
    %swap3A_2074 = arith.constant 86 : index
    %swap3A_2075 = arith.constant 0 : index
    %swap3A_2076 = arith.constant 0 : index
    %swap3A_2077 = vector.load %arg3[%swap3A_2074, %swap3A_2075, %swap3A_2076] : memref<128x32x1024xf32, #tpu.memory_space<vmem>>, vector<1x32x1024xf32>
    %swap3A_2078 = vector.shape_cast %swap3A_2077 : vector<1x32x1024xf32> to vector<32x1024xf32>
    %swap3A_2079 = vector.shape_cast %slice3A_2073 : vector<32x1024xf32> to vector<1x32x1024xf32>
    tpu.vector_store %arg3[%swap3A_2074, %swap3A_2075, %swap3A_2076], %swap3A_2079 {strides = array<i32>} : memref<128x32x1024xf32, #tpu.memory_space<vmem>>, vector<1x32x1024xf32>,
    %mul3A_2080 = arith.constant 128 : i32
    %mul3A_2081 = arith.muli %arg0, %mul3A_2080 : i32
    %add3A_2082 = arith.constant 87 : i32
    %add3A_2083 = arith.addi %mul3A_2081, %add3A_2082 : i32
    %sub3A_2084 = arith.constant 2047 : i32
    %sub3A_2085 = arith.subi %sub3A_2084, %add3A_2083 : i32
    %sub3A_2086 = arith.constant 40 : i32
    %sub3A_2087 = arith.subi %sub3A_2085, %sub3A_2086 : i32
    %mul3A_2088 = arith.constant 1024 : i32
    %mul3A_2089 = arith.muli %arg1, %mul3A_2088 : i32
    %add3A_2090 = arith.addi %sub3A_2087, %mul3A_2089 : i32
    %multiple_of3A_2091 = tpu.assume_multiple %add3A_2090, 128 : i32
    %get3A_2092 = arith.constant 0 : index
    %get3A_2093 = arith.index_cast %multiple_of3A_2091 : i32 to index
    %get3A_2094 = vector.load %arg2[%get3A_2092, %get3A_2093] : memref<32x4096xf32, #tpu.memory_space<vmem>>, vector<32x1152xf32>
    %roll3A_2095 = arith.constant 1112 : i32
    %roll3A_2096 = tpu.dynamic_rotate %get3A_2094 by %roll3A_2095 dim 1 : vector<32x1152xf32>, i32 -> vector<32x1152xf32>
    %slice3A_2097 = vector.extract_strided_slice %roll3A_2096 {offsets = [0, 0], sizes = [32, 1024], strides = [1, 1]} : vector<32x1152xf32> to vector<32x1024xf32>
    %swap3A_2098 = arith.constant 87 : index
    %swap3A_2099 = arith.constant 0 : index
    %swap3A_2100 = arith.constant 0 : index
    %swap3A_2101 = vector.load %arg3[%swap3A_2098, %swap3A_2099, %swap3A_2100] : memref<128x32x1024xf32, #tpu.memory_space<vmem>>, vector<1x32x1024xf32>
    %swap3A_2102 = vector.shape_cast %swap3A_2101 : vector<1x32x1024xf32> to vector<32x1024xf32>
    %swap3A_2103 = vector.shape_cast %slice3A_2097 : vector<32x1024xf32> to vector<1x32x1024xf32>
    tpu.vector_store %arg3[%swap3A_2098, %swap3A_2099, %swap3A_2100], %swap3A_2103 {strides = array<i32>} : memref<128x32x1024xf32, #tpu.memory_space<vmem>>, vector<1x32x1024xf32>,
    %mul3A_2104 = arith.constant 128 : i32
    %mul3A_2105 = arith.muli %arg0, %mul3A_2104 : i32
    %add3A_2106 = arith.constant 88 : i32
    %add3A_2107 = arith.addi %mul3A_2105, %add3A_2106 : i32
    %sub3A_2108 = arith.constant 2047 : i32
    %sub3A_2109 = arith.subi %sub3A_2108, %add3A_2107 : i32
    %sub3A_2110 = arith.constant 39 : i32
    %sub3A_2111 = arith.subi %sub3A_2109, %sub3A_2110 : i32
    %mul3A_2112 = arith.constant 1024 : i32
    %mul3A_2113 = arith.muli %arg1, %mul3A_2112 : i32
    %add3A_2114 = arith.addi %sub3A_2111, %mul3A_2113 : i32
    %multiple_of3A_2115 = tpu.assume_multiple %add3A_2114, 128 : i32
    %get3A_2116 = arith.constant 0 : index
    %get3A_2117 = arith.index_cast %multiple_of3A_2115 : i32 to index
    %get3A_2118 = vector.load %arg2[%get3A_2116, %get3A_2117] : memref<32x4096xf32, #tpu.memory_space<vmem>>, vector<32x1152xf32>
    %roll3A_2119 = arith.constant 1113 : i32
    %roll3A_2120 = tpu.dynamic_rotate %get3A_2118 by %roll3A_2119 dim 1 : vector<32x1152xf32>, i32 -> vector<32x1152xf32>
    %slice3A_2121 = vector.extract_strided_slice %roll3A_2120 {offsets = [0, 0], sizes = [32, 1024], strides = [1, 1]} : vector<32x1152xf32> to vector<32x1024xf32>
    %swap3A_2122 = arith.constant 88 : index
    %swap3A_2123 = arith.constant 0 : index
    %swap3A_2124 = arith.constant 0 : index
    %swap3A_2125 = vector.load %arg3[%swap3A_2122, %swap3A_2123, %swap3A_2124] : memref<128x32x1024xf32, #tpu.memory_space<vmem>>, vector<1x32x1024xf32>
    %swap3A_2126 = vector.shape_cast %swap3A_2125 : vector<1x32x1024xf32> to vector<32x1024xf32>
    %swap3A_2127 = vector.shape_cast %slice3A_2121 : vector<32x1024xf32> to vector<1x32x1024xf32>
    tpu.vector_store %arg3[%swap3A_2122, %swap3A_2123, %swap3A_2124], %swap3A_2127 {strides = array<i32>} : memref<128x32x1024xf32, #tpu.memory_space<vmem>>, vector<1x32x1024xf32>,
    %mul3A_2128 = arith.constant 128 : i32
    %mul3A_2129 = arith.muli %arg0, %mul3A_2128 : i32
    %add3A_2130 = arith.constant 89 : i32
    %add3A_2131 = arith.addi %mul3A_2129, %add3A_2130 : i32
    %sub3A_2132 = arith.constant 2047 : i32
    %sub3A_2133 = arith.subi %sub3A_2132, %add3A_2131 : i32
    %sub3A_2134 = arith.constant 38 : i32
    %sub3A_2135 = arith.subi %sub3A_2133, %sub3A_2134 : i32
    %mul3A_2136 = arith.constant 1024 : i32
    %mul3A_2137 = arith.muli %arg1, %mul3A_2136 : i32
    %add3A_2138 = arith.addi %sub3A_2135, %mul3A_2137 : i32
    %multiple_of3A_2139 = tpu.assume_multiple %add3A_2138, 128 : i32
    %get3A_2140 = arith.constant 0 : index
    %get3A_2141 = arith.index_cast %multiple_of3A_2139 : i32 to index
    %get3A_2142 = vector.load %arg2[%get3A_2140, %get3A_2141] : memref<32x4096xf32, #tpu.memory_space<vmem>>, vector<32x1152xf32>
    %roll3A_2143 = arith.constant 1114 : i32
    %roll3A_2144 = tpu.dynamic_rotate %get3A_2142 by %roll3A_2143 dim 1 : vector<32x1152xf32>, i32 -> vector<32x1152xf32>
    %slice3A_2145 = vector.extract_strided_slice %roll3A_2144 {offsets = [0, 0], sizes = [32, 1024], strides = [1, 1]} : vector<32x1152xf32> to vector<32x1024xf32>
    %swap3A_2146 = arith.constant 89 : index
    %swap3A_2147 = arith.constant 0 : index
    %swap3A_2148 = arith.constant 0 : index
    %swap3A_2149 = vector.load %arg3[%swap3A_2146, %swap3A_2147, %swap3A_2148] : memref<128x32x1024xf32, #tpu.memory_space<vmem>>, vector<1x32x1024xf32>
    %swap3A_2150 = vector.shape_cast %swap3A_2149 : vector<1x32x1024xf32> to vector<32x1024xf32>
    %swap3A_2151 = vector.shape_cast %slice3A_2145 : vector<32x1024xf32> to vector<1x32x1024xf32>
    tpu.vector_store %arg3[%swap3A_2146, %swap3A_2147, %swap3A_2148], %swap3A_2151 {strides = array<i32>} : memref<128x32x1024xf32, #tpu.memory_space<vmem>>, vector<1x32x1024xf32>,
    %mul3A_2152 = arith.constant 128 : i32
    %mul3A_2153 = arith.muli %arg0, %mul3A_2152 : i32
    %add3A_2154 = arith.constant 90 : i32
    %add3A_2155 = arith.addi %mul3A_2153, %add3A_2154 : i32
    %sub3A_2156 = arith.constant 2047 : i32
    %sub3A_2157 = arith.subi %sub3A_2156, %add3A_2155 : i32
    %sub3A_2158 = arith.constant 37 : i32
    %sub3A_2159 = arith.subi %sub3A_2157, %sub3A_2158 : i32
    %mul3A_2160 = arith.constant 1024 : i32
    %mul3A_2161 = arith.muli %arg1, %mul3A_2160 : i32
    %add3A_2162 = arith.addi %sub3A_2159, %mul3A_2161 : i32
    %multiple_of3A_2163 = tpu.assume_multiple %add3A_2162, 128 : i32
    %get3A_2164 = arith.constant 0 : index
    %get3A_2165 = arith.index_cast %multiple_of3A_2163 : i32 to index
    %get3A_2166 = vector.load %arg2[%get3A_2164, %get3A_2165] : memref<32x4096xf32, #tpu.memory_space<vmem>>, vector<32x1152xf32>
    %roll3A_2167 = arith.constant 1115 : i32
    %roll3A_2168 = tpu.dynamic_rotate %get3A_2166 by %roll3A_2167 dim 1 : vector<32x1152xf32>, i32 -> vector<32x1152xf32>
    %slice3A_2169 = vector.extract_strided_slice %roll3A_2168 {offsets = [0, 0], sizes = [32, 1024], strides = [1, 1]} : vector<32x1152xf32> to vector<32x1024xf32>
    %swap3A_2170 = arith.constant 90 : index
    %swap3A_2171 = arith.constant 0 : index
    %swap3A_2172 = arith.constant 0 : index
    %swap3A_2173 = vector.load %arg3[%swap3A_2170, %swap3A_2171, %swap3A_2172] : memref<128x32x1024xf32, #tpu.memory_space<vmem>>, vector<1x32x1024xf32>
    %swap3A_2174 = vector.shape_cast %swap3A_2173 : vector<1x32x1024xf32> to vector<32x1024xf32>
    %swap3A_2175 = vector.shape_cast %slice3A_2169 : vector<32x1024xf32> to vector<1x32x1024xf32>
    tpu.vector_store %arg3[%swap3A_2170, %swap3A_2171, %swap3A_2172], %swap3A_2175 {strides = array<i32>} : memref<128x32x1024xf32, #tpu.memory_space<vmem>>, vector<1x32x1024xf32>,
    %mul3A_2176 = arith.constant 128 : i32
    %mul3A_2177 = arith.muli %arg0, %mul3A_2176 : i32
    %add3A_2178 = arith.constant 91 : i32
    %add3A_2179 = arith.addi %mul3A_2177, %add3A_2178 : i32
    %sub3A_2180 = arith.constant 2047 : i32
    %sub3A_2181 = arith.subi %sub3A_2180, %add3A_2179 : i32
    %sub3A_2182 = arith.constant 36 : i32
    %sub3A_2183 = arith.subi %sub3A_2181, %sub3A_2182 : i32
    %mul3A_2184 = arith.constant 1024 : i32
    %mul3A_2185 = arith.muli %arg1, %mul3A_2184 : i32
    %add3A_2186 = arith.addi %sub3A_2183, %mul3A_2185 : i32
    %multiple_of3A_2187 = tpu.assume_multiple %add3A_2186, 128 : i32
    %get3A_2188 = arith.constant 0 : index
    %get3A_2189 = arith.index_cast %multiple_of3A_2187 : i32 to index
    %get3A_2190 = vector.load %arg2[%get3A_2188, %get3A_2189] : memref<32x4096xf32, #tpu.memory_space<vmem>>, vector<32x1152xf32>
    %roll3A_2191 = arith.constant 1116 : i32
    %roll3A_2192 = tpu.dynamic_rotate %get3A_2190 by %roll3A_2191 dim 1 : vector<32x1152xf32>, i32 -> vector<32x1152xf32>
    %slice3A_2193 = vector.extract_strided_slice %roll3A_2192 {offsets = [0, 0], sizes = [32, 1024], strides = [1, 1]} : vector<32x1152xf32> to vector<32x1024xf32>
    %swap3A_2194 = arith.constant 91 : index
    %swap3A_2195 = arith.constant 0 : index
    %swap3A_2196 = arith.constant 0 : index
    %swap3A_2197 = vector.load %arg3[%swap3A_2194, %swap3A_2195, %swap3A_2196] : memref<128x32x1024xf32, #tpu.memory_space<vmem>>, vector<1x32x1024xf32>
    %swap3A_2198 = vector.shape_cast %swap3A_2197 : vector<1x32x1024xf32> to vector<32x1024xf32>
    %swap3A_2199 = vector.shape_cast %slice3A_2193 : vector<32x1024xf32> to vector<1x32x1024xf32>
    tpu.vector_store %arg3[%swap3A_2194, %swap3A_2195, %swap3A_2196], %swap3A_2199 {strides = array<i32>} : memref<128x32x1024xf32, #tpu.memory_space<vmem>>, vector<1x32x1024xf32>,
    %mul3A_2200 = arith.constant 128 : i32
    %mul3A_2201 = arith.muli %arg0, %mul3A_2200 : i32
    %add3A_2202 = arith.constant 92 : i32
    %add3A_2203 = arith.addi %mul3A_2201, %add3A_2202 : i32
    %sub3A_2204 = arith.constant 2047 : i32
    %sub3A_2205 = arith.subi %sub3A_2204, %add3A_2203 : i32
    %sub3A_2206 = arith.constant 35 : i32
    %sub3A_2207 = arith.subi %sub3A_2205, %sub3A_2206 : i32
    %mul3A_2208 = arith.constant 1024 : i32
    %mul3A_2209 = arith.muli %arg1, %mul3A_2208 : i32
    %add3A_2210 = arith.addi %sub3A_2207, %mul3A_2209 : i32
    %multiple_of3A_2211 = tpu.assume_multiple %add3A_2210, 128 : i32
    %get3A_2212 = arith.constant 0 : index
    %get3A_2213 = arith.index_cast %multiple_of3A_2211 : i32 to index
    %get3A_2214 = vector.load %arg2[%get3A_2212, %get3A_2213] : memref<32x4096xf32, #tpu.memory_space<vmem>>, vector<32x1152xf32>
    %roll3A_2215 = arith.constant 1117 : i32
    %roll3A_2216 = tpu.dynamic_rotate %get3A_2214 by %roll3A_2215 dim 1 : vector<32x1152xf32>, i32 -> vector<32x1152xf32>
    %slice3A_2217 = vector.extract_strided_slice %roll3A_2216 {offsets = [0, 0], sizes = [32, 1024], strides = [1, 1]} : vector<32x1152xf32> to vector<32x1024xf32>
    %swap3A_2218 = arith.constant 92 : index
    %swap3A_2219 = arith.constant 0 : index
    %swap3A_2220 = arith.constant 0 : index
    %swap3A_2221 = vector.load %arg3[%swap3A_2218, %swap3A_2219, %swap3A_2220] : memref<128x32x1024xf32, #tpu.memory_space<vmem>>, vector<1x32x1024xf32>
    %swap3A_2222 = vector.shape_cast %swap3A_2221 : vector<1x32x1024xf32> to vector<32x1024xf32>
    %swap3A_2223 = vector.shape_cast %slice3A_2217 : vector<32x1024xf32> to vector<1x32x1024xf32>
    tpu.vector_store %arg3[%swap3A_2218, %swap3A_2219, %swap3A_2220], %swap3A_2223 {strides = array<i32>} : memref<128x32x1024xf32, #tpu.memory_space<vmem>>, vector<1x32x1024xf32>,
    %mul3A_2224 = arith.constant 128 : i32
    %mul3A_2225 = arith.muli %arg0, %mul3A_2224 : i32
    %add3A_2226 = arith.constant 93 : i32
    %add3A_2227 = arith.addi %mul3A_2225, %add3A_2226 : i32
    %sub3A_2228 = arith.constant 2047 : i32
    %sub3A_2229 = arith.subi %sub3A_2228, %add3A_2227 : i32
    %sub3A_2230 = arith.constant 34 : i32
    %sub3A_2231 = arith.subi %sub3A_2229, %sub3A_2230 : i32
    %mul3A_2232 = arith.constant 1024 : i32
    %mul3A_2233 = arith.muli %arg1, %mul3A_2232 : i32
    %add3A_2234 = arith.addi %sub3A_2231, %mul3A_2233 : i32
    %multiple_of3A_2235 = tpu.assume_multiple %add3A_2234, 128 : i32
    %get3A_2236 = arith.constant 0 : index
    %get3A_2237 = arith.index_cast %multiple_of3A_2235 : i32 to index
    %get3A_2238 = vector.load %arg2[%get3A_2236, %get3A_2237] : memref<32x4096xf32, #tpu.memory_space<vmem>>, vector<32x1152xf32>
    %roll3A_2239 = arith.constant 1118 : i32
    %roll3A_2240 = tpu.dynamic_rotate %get3A_2238 by %roll3A_2239 dim 1 : vector<32x1152xf32>, i32 -> vector<32x1152xf32>
    %slice3A_2241 = vector.extract_strided_slice %roll3A_2240 {offsets = [0, 0], sizes = [32, 1024], strides = [1, 1]} : vector<32x1152xf32> to vector<32x1024xf32>
    %swap3A_2242 = arith.constant 93 : index
    %swap3A_2243 = arith.constant 0 : index
    %swap3A_2244 = arith.constant 0 : index
    %swap3A_2245 = vector.load %arg3[%swap3A_2242, %swap3A_2243, %swap3A_2244] : memref<128x32x1024xf32, #tpu.memory_space<vmem>>, vector<1x32x1024xf32>
    %swap3A_2246 = vector.shape_cast %swap3A_2245 : vector<1x32x1024xf32> to vector<32x1024xf32>
    %swap3A_2247 = vector.shape_cast %slice3A_2241 : vector<32x1024xf32> to vector<1x32x1024xf32>
    tpu.vector_store %arg3[%swap3A_2242, %swap3A_2243, %swap3A_2244], %swap3A_2247 {strides = array<i32>} : memref<128x32x1024xf32, #tpu.memory_space<vmem>>, vector<1x32x1024xf32>,
    %mul3A_2248 = arith.constant 128 : i32
    %mul3A_2249 = arith.muli %arg0, %mul3A_2248 : i32
    %add3A_2250 = arith.constant 94 : i32
    %add3A_2251 = arith.addi %mul3A_2249, %add3A_2250 : i32
    %sub3A_2252 = arith.constant 2047 : i32
    %sub3A_2253 = arith.subi %sub3A_2252, %add3A_2251 : i32
    %sub3A_2254 = arith.constant 33 : i32
    %sub3A_2255 = arith.subi %sub3A_2253, %sub3A_2254 : i32
    %mul3A_2256 = arith.constant 1024 : i32
    %mul3A_2257 = arith.muli %arg1, %mul3A_2256 : i32
    %add3A_2258 = arith.addi %sub3A_2255, %mul3A_2257 : i32
    %multiple_of3A_2259 = tpu.assume_multiple %add3A_2258, 128 : i32
    %get3A_2260 = arith.constant 0 : index
    %get3A_2261 = arith.index_cast %multiple_of3A_2259 : i32 to index
    %get3A_2262 = vector.load %arg2[%get3A_2260, %get3A_2261] : memref<32x4096xf32, #tpu.memory_space<vmem>>, vector<32x1152xf32>
    %roll3A_2263 = arith.constant 1119 : i32
    %roll3A_2264 = tpu.dynamic_rotate %get3A_2262 by %roll3A_2263 dim 1 : vector<32x1152xf32>, i32 -> vector<32x1152xf32>
    %slice3A_2265 = vector.extract_strided_slice %roll3A_2264 {offsets = [0, 0], sizes = [32, 1024], strides = [1, 1]} : vector<32x1152xf32> to vector<32x1024xf32>
    %swap3A_2266 = arith.constant 94 : index
    %swap3A_2267 = arith.constant 0 : index
    %swap3A_2268 = arith.constant 0 : index
    %swap3A_2269 = vector.load %arg3[%swap3A_2266, %swap3A_2267, %swap3A_2268] : memref<128x32x1024xf32, #tpu.memory_space<vmem>>, vector<1x32x1024xf32>
    %swap3A_2270 = vector.shape_cast %swap3A_2269 : vector<1x32x1024xf32> to vector<32x1024xf32>
    %swap3A_2271 = vector.shape_cast %slice3A_2265 : vector<32x1024xf32> to vector<1x32x1024xf32>
    tpu.vector_store %arg3[%swap3A_2266, %swap3A_2267, %swap3A_2268], %swap3A_2271 {strides = array<i32>} : memref<128x32x1024xf32, #tpu.memory_space<vmem>>, vector<1x32x1024xf32>,
    %mul3A_2272 = arith.constant 128 : i32
    %mul3A_2273 = arith.muli %arg0, %mul3A_2272 : i32
    %add3A_2274 = arith.constant 95 : i32
    %add3A_2275 = arith.addi %mul3A_2273, %add3A_2274 : i32
    %sub3A_2276 = arith.constant 2047 : i32
    %sub3A_2277 = arith.subi %sub3A_2276, %add3A_2275 : i32
    %sub3A_2278 = arith.constant 32 : i32
    %sub3A_2279 = arith.subi %sub3A_2277, %sub3A_2278 : i32
    %mul3A_2280 = arith.constant 1024 : i32
    %mul3A_2281 = arith.muli %arg1, %mul3A_2280 : i32
    %add3A_2282 = arith.addi %sub3A_2279, %mul3A_2281 : i32
    %multiple_of3A_2283 = tpu.assume_multiple %add3A_2282, 128 : i32
    %get3A_2284 = arith.constant 0 : index
    %get3A_2285 = arith.index_cast %multiple_of3A_2283 : i32 to index
    %get3A_2286 = vector.load %arg2[%get3A_2284, %get3A_2285] : memref<32x4096xf32, #tpu.memory_space<vmem>>, vector<32x1152xf32>
    %roll3A_2287 = arith.constant 1120 : i32
    %roll3A_2288 = tpu.dynamic_rotate %get3A_2286 by %roll3A_2287 dim 1 : vector<32x1152xf32>, i32 -> vector<32x1152xf32>
    %slice3A_2289 = vector.extract_strided_slice %roll3A_2288 {offsets = [0, 0], sizes = [32, 1024], strides = [1, 1]} : vector<32x1152xf32> to vector<32x1024xf32>
    %swap3A_2290 = arith.constant 95 : index
    %swap3A_2291 = arith.constant 0 : index
    %swap3A_2292 = arith.constant 0 : index
    %swap3A_2293 = vector.load %arg3[%swap3A_2290, %swap3A_2291, %swap3A_2292] : memref<128x32x1024xf32, #tpu.memory_space<vmem>>, vector<1x32x1024xf32>
    %swap3A_2294 = vector.shape_cast %swap3A_2293 : vector<1x32x1024xf32> to vector<32x1024xf32>
    %swap3A_2295 = vector.shape_cast %slice3A_2289 : vector<32x1024xf32> to vector<1x32x1024xf32>
    tpu.vector_store %arg3[%swap3A_2290, %swap3A_2291, %swap3A_2292], %swap3A_2295 {strides = array<i32>} : memref<128x32x1024xf32, #tpu.memory_space<vmem>>, vector<1x32x1024xf32>,
    %mul3A_2296 = arith.constant 128 : i32
    %mul3A_2297 = arith.muli %arg0, %mul3A_2296 : i32
    %add3A_2298 = arith.constant 96 : i32
    %add3A_2299 = arith.addi %mul3A_2297, %add3A_2298 : i32
    %sub3A_2300 = arith.constant 2047 : i32
    %sub3A_2301 = arith.subi %sub3A_2300, %add3A_2299 : i32
    %sub3A_2302 = arith.constant 31 : i32
    %sub3A_2303 = arith.subi %sub3A_2301, %sub3A_2302 : i32
    %mul3A_2304 = arith.constant 1024 : i32
    %mul3A_2305 = arith.muli %arg1, %mul3A_2304 : i32
    %add3A_2306 = arith.addi %sub3A_2303, %mul3A_2305 : i32
    %multiple_of3A_2307 = tpu.assume_multiple %add3A_2306, 128 : i32
    %get3A_2308 = arith.constant 0 : index
    %get3A_2309 = arith.index_cast %multiple_of3A_2307 : i32 to index
    %get3A_2310 = vector.load %arg2[%get3A_2308, %get3A_2309] : memref<32x4096xf32, #tpu.memory_space<vmem>>, vector<32x1152xf32>
    %roll3A_2311 = arith.constant 1121 : i32
    %roll3A_2312 = tpu.dynamic_rotate %get3A_2310 by %roll3A_2311 dim 1 : vector<32x1152xf32>, i32 -> vector<32x1152xf32>
    %slice3A_2313 = vector.extract_strided_slice %roll3A_2312 {offsets = [0, 0], sizes = [32, 1024], strides = [1, 1]} : vector<32x1152xf32> to vector<32x1024xf32>
    %swap3A_2314 = arith.constant 96 : index
    %swap3A_2315 = arith.constant 0 : index
    %swap3A_2316 = arith.constant 0 : index
    %swap3A_2317 = vector.load %arg3[%swap3A_2314, %swap3A_2315, %swap3A_2316] : memref<128x32x1024xf32, #tpu.memory_space<vmem>>, vector<1x32x1024xf32>
    %swap3A_2318 = vector.shape_cast %swap3A_2317 : vector<1x32x1024xf32> to vector<32x1024xf32>
    %swap3A_2319 = vector.shape_cast %slice3A_2313 : vector<32x1024xf32> to vector<1x32x1024xf32>
    tpu.vector_store %arg3[%swap3A_2314, %swap3A_2315, %swap3A_2316], %swap3A_2319 {strides = array<i32>} : memref<128x32x1024xf32, #tpu.memory_space<vmem>>, vector<1x32x1024xf32>,
    %mul3A_2320 = arith.constant 128 : i32
    %mul3A_2321 = arith.muli %arg0, %mul3A_2320 : i32
    %add3A_2322 = arith.constant 97 : i32
    %add3A_2323 = arith.addi %mul3A_2321, %add3A_2322 : i32
    %sub3A_2324 = arith.constant 2047 : i32
    %sub3A_2325 = arith.subi %sub3A_2324, %add3A_2323 : i32
    %sub3A_2326 = arith.constant 30 : i32
    %sub3A_2327 = arith.subi %sub3A_2325, %sub3A_2326 : i32
    %mul3A_2328 = arith.constant 1024 : i32
    %mul3A_2329 = arith.muli %arg1, %mul3A_2328 : i32
    %add3A_2330 = arith.addi %sub3A_2327, %mul3A_2329 : i32
    %multiple_of3A_2331 = tpu.assume_multiple %add3A_2330, 128 : i32
    %get3A_2332 = arith.constant 0 : index
    %get3A_2333 = arith.index_cast %multiple_of3A_2331 : i32 to index
    %get3A_2334 = vector.load %arg2[%get3A_2332, %get3A_2333] : memref<32x4096xf32, #tpu.memory_space<vmem>>, vector<32x1152xf32>
    %roll3A_2335 = arith.constant 1122 : i32
    %roll3A_2336 = tpu.dynamic_rotate %get3A_2334 by %roll3A_2335 dim 1 : vector<32x1152xf32>, i32 -> vector<32x1152xf32>
    %slice3A_2337 = vector.extract_strided_slice %roll3A_2336 {offsets = [0, 0], sizes = [32, 1024], strides = [1, 1]} : vector<32x1152xf32> to vector<32x1024xf32>
    %swap3A_2338 = arith.constant 97 : index
    %swap3A_2339 = arith.constant 0 : index
    %swap3A_2340 = arith.constant 0 : index
    %swap3A_2341 = vector.load %arg3[%swap3A_2338, %swap3A_2339, %swap3A_2340] : memref<128x32x1024xf32, #tpu.memory_space<vmem>>, vector<1x32x1024xf32>
    %swap3A_2342 = vector.shape_cast %swap3A_2341 : vector<1x32x1024xf32> to vector<32x1024xf32>
    %swap3A_2343 = vector.shape_cast %slice3A_2337 : vector<32x1024xf32> to vector<1x32x1024xf32>
    tpu.vector_store %arg3[%swap3A_2338, %swap3A_2339, %swap3A_2340], %swap3A_2343 {strides = array<i32>} : memref<128x32x1024xf32, #tpu.memory_space<vmem>>, vector<1x32x1024xf32>,
    %mul3A_2344 = arith.constant 128 : i32
    %mul3A_2345 = arith.muli %arg0, %mul3A_2344 : i32
    %add3A_2346 = arith.constant 98 : i32
    %add3A_2347 = arith.addi %mul3A_2345, %add3A_2346 : i32
    %sub3A_2348 = arith.constant 2047 : i32
    %sub3A_2349 = arith.subi %sub3A_2348, %add3A_2347 : i32
    %sub3A_2350 = arith.constant 29 : i32
    %sub3A_2351 = arith.subi %sub3A_2349, %sub3A_2350 : i32
    %mul3A_2352 = arith.constant 1024 : i32
    %mul3A_2353 = arith.muli %arg1, %mul3A_2352 : i32
    %add3A_2354 = arith.addi %sub3A_2351, %mul3A_2353 : i32
    %multiple_of3A_2355 = tpu.assume_multiple %add3A_2354, 128 : i32
    %get3A_2356 = arith.constant 0 : index
    %get3A_2357 = arith.index_cast %multiple_of3A_2355 : i32 to index
    %get3A_2358 = vector.load %arg2[%get3A_2356, %get3A_2357] : memref<32x4096xf32, #tpu.memory_space<vmem>>, vector<32x1152xf32>
    %roll3A_2359 = arith.constant 1123 : i32
    %roll3A_2360 = tpu.dynamic_rotate %get3A_2358 by %roll3A_2359 dim 1 : vector<32x1152xf32>, i32 -> vector<32x1152xf32>
    %slice3A_2361 = vector.extract_strided_slice %roll3A_2360 {offsets = [0, 0], sizes = [32, 1024], strides = [1, 1]} : vector<32x1152xf32> to vector<32x1024xf32>
    %swap3A_2362 = arith.constant 98 : index
    %swap3A_2363 = arith.constant 0 : index
    %swap3A_2364 = arith.constant 0 : index
    %swap3A_2365 = vector.load %arg3[%swap3A_2362, %swap3A_2363, %swap3A_2364] : memref<128x32x1024xf32, #tpu.memory_space<vmem>>, vector<1x32x1024xf32>
    %swap3A_2366 = vector.shape_cast %swap3A_2365 : vector<1x32x1024xf32> to vector<32x1024xf32>
    %swap3A_2367 = vector.shape_cast %slice3A_2361 : vector<32x1024xf32> to vector<1x32x1024xf32>
    tpu.vector_store %arg3[%swap3A_2362, %swap3A_2363, %swap3A_2364], %swap3A_2367 {strides = array<i32>} : memref<128x32x1024xf32, #tpu.memory_space<vmem>>, vector<1x32x1024xf32>,
    %mul3A_2368 = arith.constant 128 : i32
    %mul3A_2369 = arith.muli %arg0, %mul3A_2368 : i32
    %add3A_2370 = arith.constant 99 : i32
    %add3A_2371 = arith.addi %mul3A_2369, %add3A_2370 : i32
    %sub3A_2372 = arith.constant 2047 : i32
    %sub3A_2373 = arith.subi %sub3A_2372, %add3A_2371 : i32
    %sub3A_2374 = arith.constant 28 : i32
    %sub3A_2375 = arith.subi %sub3A_2373, %sub3A_2374 : i32
    %mul3A_2376 = arith.constant 1024 : i32
    %mul3A_2377 = arith.muli %arg1, %mul3A_2376 : i32
    %add3A_2378 = arith.addi %sub3A_2375, %mul3A_2377 : i32
    %multiple_of3A_2379 = tpu.assume_multiple %add3A_2378, 128 : i32
    %get3A_2380 = arith.constant 0 : index
    %get3A_2381 = arith.index_cast %multiple_of3A_2379 : i32 to index
    %get3A_2382 = vector.load %arg2[%get3A_2380, %get3A_2381] : memref<32x4096xf32, #tpu.memory_space<vmem>>, vector<32x1152xf32>
    %roll3A_2383 = arith.constant 1124 : i32
    %roll3A_2384 = tpu.dynamic_rotate %get3A_2382 by %roll3A_2383 dim 1 : vector<32x1152xf32>, i32 -> vector<32x1152xf32>
    %slice3A_2385 = vector.extract_strided_slice %roll3A_2384 {offsets = [0, 0], sizes = [32, 1024], strides = [1, 1]} : vector<32x1152xf32> to vector<32x1024xf32>
    %swap3A_2386 = arith.constant 99 : index
    %swap3A_2387 = arith.constant 0 : index
    %swap3A_2388 = arith.constant 0 : index
    %swap3A_2389 = vector.load %arg3[%swap3A_2386, %swap3A_2387, %swap3A_2388] : memref<128x32x1024xf32, #tpu.memory_space<vmem>>, vector<1x32x1024xf32>
    %swap3A_2390 = vector.shape_cast %swap3A_2389 : vector<1x32x1024xf32> to vector<32x1024xf32>
    %swap3A_2391 = vector.shape_cast %slice3A_2385 : vector<32x1024xf32> to vector<1x32x1024xf32>
    tpu.vector_store %arg3[%swap3A_2386, %swap3A_2387, %swap3A_2388], %swap3A_2391 {strides = array<i32>} : memref<128x32x1024xf32, #tpu.memory_space<vmem>>, vector<1x32x1024xf32>,
    %mul3A_2392 = arith.constant 128 : i32
    %mul3A_2393 = arith.muli %arg0, %mul3A_2392 : i32
    %add3A_2394 = arith.constant 100 : i32
    %add3A_2395 = arith.addi %mul3A_2393, %add3A_2394 : i32
    %sub3A_2396 = arith.constant 2047 : i32
    %sub3A_2397 = arith.subi %sub3A_2396, %add3A_2395 : i32
    %sub3A_2398 = arith.constant 27 : i32
    %sub3A_2399 = arith.subi %sub3A_2397, %sub3A_2398 : i32
    %mul3A_2400 = arith.constant 1024 : i32
    %mul3A_2401 = arith.muli %arg1, %mul3A_2400 : i32
    %add3A_2402 = arith.addi %sub3A_2399, %mul3A_2401 : i32
    %multiple_of3A_2403 = tpu.assume_multiple %add3A_2402, 128 : i32
    %get3A_2404 = arith.constant 0 : index
    %get3A_2405 = arith.index_cast %multiple_of3A_2403 : i32 to index
    %get3A_2406 = vector.load %arg2[%get3A_2404, %get3A_2405] : memref<32x4096xf32, #tpu.memory_space<vmem>>, vector<32x1152xf32>
    %roll3A_2407 = arith.constant 1125 : i32
    %roll3A_2408 = tpu.dynamic_rotate %get3A_2406 by %roll3A_2407 dim 1 : vector<32x1152xf32>, i32 -> vector<32x1152xf32>
    %slice3A_2409 = vector.extract_strided_slice %roll3A_2408 {offsets = [0, 0], sizes = [32, 1024], strides = [1, 1]} : vector<32x1152xf32> to vector<32x1024xf32>
    %swap3A_2410 = arith.constant 100 : index
    %swap3A_2411 = arith.constant 0 : index
    %swap3A_2412 = arith.constant 0 : index
    %swap3A_2413 = vector.load %arg3[%swap3A_2410, %swap3A_2411, %swap3A_2412] : memref<128x32x1024xf32, #tpu.memory_space<vmem>>, vector<1x32x1024xf32>
    %swap3A_2414 = vector.shape_cast %swap3A_2413 : vector<1x32x1024xf32> to vector<32x1024xf32>
    %swap3A_2415 = vector.shape_cast %slice3A_2409 : vector<32x1024xf32> to vector<1x32x1024xf32>
    tpu.vector_store %arg3[%swap3A_2410, %swap3A_2411, %swap3A_2412], %swap3A_2415 {strides = array<i32>} : memref<128x32x1024xf32, #tpu.memory_space<vmem>>, vector<1x32x1024xf32>,
    %mul3A_2416 = arith.constant 128 : i32
    %mul3A_2417 = arith.muli %arg0, %mul3A_2416 : i32
    %add3A_2418 = arith.constant 101 : i32
    %add3A_2419 = arith.addi %mul3A_2417, %add3A_2418 : i32
    %sub3A_2420 = arith.constant 2047 : i32
    %sub3A_2421 = arith.subi %sub3A_2420, %add3A_2419 : i32
    %sub3A_2422 = arith.constant 26 : i32
    %sub3A_2423 = arith.subi %sub3A_2421, %sub3A_2422 : i32
    %mul3A_2424 = arith.constant 1024 : i32
    %mul3A_2425 = arith.muli %arg1, %mul3A_2424 : i32
    %add3A_2426 = arith.addi %sub3A_2423, %mul3A_2425 : i32
    %multiple_of3A_2427 = tpu.assume_multiple %add3A_2426, 128 : i32
    %get3A_2428 = arith.constant 0 : index
    %get3A_2429 = arith.index_cast %multiple_of3A_2427 : i32 to index
    %get3A_2430 = vector.load %arg2[%get3A_2428, %get3A_2429] : memref<32x4096xf32, #tpu.memory_space<vmem>>, vector<32x1152xf32>
    %roll3A_2431 = arith.constant 1126 : i32
    %roll3A_2432 = tpu.dynamic_rotate %get3A_2430 by %roll3A_2431 dim 1 : vector<32x1152xf32>, i32 -> vector<32x1152xf32>
    %slice3A_2433 = vector.extract_strided_slice %roll3A_2432 {offsets = [0, 0], sizes = [32, 1024], strides = [1, 1]} : vector<32x1152xf32> to vector<32x1024xf32>
    %swap3A_2434 = arith.constant 101 : index
    %swap3A_2435 = arith.constant 0 : index
    %swap3A_2436 = arith.constant 0 : index
    %swap3A_2437 = vector.load %arg3[%swap3A_2434, %swap3A_2435, %swap3A_2436] : memref<128x32x1024xf32, #tpu.memory_space<vmem>>, vector<1x32x1024xf32>
    %swap3A_2438 = vector.shape_cast %swap3A_2437 : vector<1x32x1024xf32> to vector<32x1024xf32>
    %swap3A_2439 = vector.shape_cast %slice3A_2433 : vector<32x1024xf32> to vector<1x32x1024xf32>
    tpu.vector_store %arg3[%swap3A_2434, %swap3A_2435, %swap3A_2436], %swap3A_2439 {strides = array<i32>} : memref<128x32x1024xf32, #tpu.memory_space<vmem>>, vector<1x32x1024xf32>,
    %mul3A_2440 = arith.constant 128 : i32
    %mul3A_2441 = arith.muli %arg0, %mul3A_2440 : i32
    %add3A_2442 = arith.constant 102 : i32
    %add3A_2443 = arith.addi %mul3A_2441, %add3A_2442 : i32
    %sub3A_2444 = arith.constant 2047 : i32
    %sub3A_2445 = arith.subi %sub3A_2444, %add3A_2443 : i32
    %sub3A_2446 = arith.constant 25 : i32
    %sub3A_2447 = arith.subi %sub3A_2445, %sub3A_2446 : i32
    %mul3A_2448 = arith.constant 1024 : i32
    %mul3A_2449 = arith.muli %arg1, %mul3A_2448 : i32
    %add3A_2450 = arith.addi %sub3A_2447, %mul3A_2449 : i32
    %multiple_of3A_2451 = tpu.assume_multiple %add3A_2450, 128 : i32
    %get3A_2452 = arith.constant 0 : index
    %get3A_2453 = arith.index_cast %multiple_of3A_2451 : i32 to index
    %get3A_2454 = vector.load %arg2[%get3A_2452, %get3A_2453] : memref<32x4096xf32, #tpu.memory_space<vmem>>, vector<32x1152xf32>
    %roll3A_2455 = arith.constant 1127 : i32
    %roll3A_2456 = tpu.dynamic_rotate %get3A_2454 by %roll3A_2455 dim 1 : vector<32x1152xf32>, i32 -> vector<32x1152xf32>
    %slice3A_2457 = vector.extract_strided_slice %roll3A_2456 {offsets = [0, 0], sizes = [32, 1024], strides = [1, 1]} : vector<32x1152xf32> to vector<32x1024xf32>
    %swap3A_2458 = arith.constant 102 : index
    %swap3A_2459 = arith.constant 0 : index
    %swap3A_2460 = arith.constant 0 : index
    %swap3A_2461 = vector.load %arg3[%swap3A_2458, %swap3A_2459, %swap3A_2460] : memref<128x32x1024xf32, #tpu.memory_space<vmem>>, vector<1x32x1024xf32>
    %swap3A_2462 = vector.shape_cast %swap3A_2461 : vector<1x32x1024xf32> to vector<32x1024xf32>
    %swap3A_2463 = vector.shape_cast %slice3A_2457 : vector<32x1024xf32> to vector<1x32x1024xf32>
    tpu.vector_store %arg3[%swap3A_2458, %swap3A_2459, %swap3A_2460], %swap3A_2463 {strides = array<i32>} : memref<128x32x1024xf32, #tpu.memory_space<vmem>>, vector<1x32x1024xf32>,
    %mul3A_2464 = arith.constant 128 : i32
    %mul3A_2465 = arith.muli %arg0, %mul3A_2464 : i32
    %add3A_2466 = arith.constant 103 : i32
    %add3A_2467 = arith.addi %mul3A_2465, %add3A_2466 : i32
    %sub3A_2468 = arith.constant 2047 : i32
    %sub3A_2469 = arith.subi %sub3A_2468, %add3A_2467 : i32
    %sub3A_2470 = arith.constant 24 : i32
    %sub3A_2471 = arith.subi %sub3A_2469, %sub3A_2470 : i32
    %mul3A_2472 = arith.constant 1024 : i32
    %mul3A_2473 = arith.muli %arg1, %mul3A_2472 : i32
    %add3A_2474 = arith.addi %sub3A_2471, %mul3A_2473 : i32
    %multiple_of3A_2475 = tpu.assume_multiple %add3A_2474, 128 : i32
    %get3A_2476 = arith.constant 0 : index
    %get3A_2477 = arith.index_cast %multiple_of3A_2475 : i32 to index
    %get3A_2478 = vector.load %arg2[%get3A_2476, %get3A_2477] : memref<32x4096xf32, #tpu.memory_space<vmem>>, vector<32x1152xf32>
    %roll3A_2479 = arith.constant 1128 : i32
    %roll3A_2480 = tpu.dynamic_rotate %get3A_2478 by %roll3A_2479 dim 1 : vector<32x1152xf32>, i32 -> vector<32x1152xf32>
    %slice3A_2481 = vector.extract_strided_slice %roll3A_2480 {offsets = [0, 0], sizes = [32, 1024], strides = [1, 1]} : vector<32x1152xf32> to vector<32x1024xf32>
    %swap3A_2482 = arith.constant 103 : index
    %swap3A_2483 = arith.constant 0 : index
    %swap3A_2484 = arith.constant 0 : index
    %swap3A_2485 = vector.load %arg3[%swap3A_2482, %swap3A_2483, %swap3A_2484] : memref<128x32x1024xf32, #tpu.memory_space<vmem>>, vector<1x32x1024xf32>
    %swap3A_2486 = vector.shape_cast %swap3A_2485 : vector<1x32x1024xf32> to vector<32x1024xf32>
    %swap3A_2487 = vector.shape_cast %slice3A_2481 : vector<32x1024xf32> to vector<1x32x1024xf32>
    tpu.vector_store %arg3[%swap3A_2482, %swap3A_2483, %swap3A_2484], %swap3A_2487 {strides = array<i32>} : memref<128x32x1024xf32, #tpu.memory_space<vmem>>, vector<1x32x1024xf32>,
    %mul3A_2488 = arith.constant 128 : i32
    %mul3A_2489 = arith.muli %arg0, %mul3A_2488 : i32
    %add3A_2490 = arith.constant 104 : i32
    %add3A_2491 = arith.addi %mul3A_2489, %add3A_2490 : i32
    %sub3A_2492 = arith.constant 2047 : i32
    %sub3A_2493 = arith.subi %sub3A_2492, %add3A_2491 : i32
    %sub3A_2494 = arith.constant 23 : i32
    %sub3A_2495 = arith.subi %sub3A_2493, %sub3A_2494 : i32
    %mul3A_2496 = arith.constant 1024 : i32
    %mul3A_2497 = arith.muli %arg1, %mul3A_2496 : i32
    %add3A_2498 = arith.addi %sub3A_2495, %mul3A_2497 : i32
    %multiple_of3A_2499 = tpu.assume_multiple %add3A_2498, 128 : i32
    %get3A_2500 = arith.constant 0 : index
    %get3A_2501 = arith.index_cast %multiple_of3A_2499 : i32 to index
    %get3A_2502 = vector.load %arg2[%get3A_2500, %get3A_2501] : memref<32x4096xf32, #tpu.memory_space<vmem>>, vector<32x1152xf32>
    %roll3A_2503 = arith.constant 1129 : i32
    %roll3A_2504 = tpu.dynamic_rotate %get3A_2502 by %roll3A_2503 dim 1 : vector<32x1152xf32>, i32 -> vector<32x1152xf32>
    %slice3A_2505 = vector.extract_strided_slice %roll3A_2504 {offsets = [0, 0], sizes = [32, 1024], strides = [1, 1]} : vector<32x1152xf32> to vector<32x1024xf32>
    %swap3A_2506 = arith.constant 104 : index
    %swap3A_2507 = arith.constant 0 : index
    %swap3A_2508 = arith.constant 0 : index
    %swap3A_2509 = vector.load %arg3[%swap3A_2506, %swap3A_2507, %swap3A_2508] : memref<128x32x1024xf32, #tpu.memory_space<vmem>>, vector<1x32x1024xf32>
    %swap3A_2510 = vector.shape_cast %swap3A_2509 : vector<1x32x1024xf32> to vector<32x1024xf32>
    %swap3A_2511 = vector.shape_cast %slice3A_2505 : vector<32x1024xf32> to vector<1x32x1024xf32>
    tpu.vector_store %arg3[%swap3A_2506, %swap3A_2507, %swap3A_2508], %swap3A_2511 {strides = array<i32>} : memref<128x32x1024xf32, #tpu.memory_space<vmem>>, vector<1x32x1024xf32>,
    %mul3A_2512 = arith.constant 128 : i32
    %mul3A_2513 = arith.muli %arg0, %mul3A_2512 : i32
    %add3A_2514 = arith.constant 105 : i32
    %add3A_2515 = arith.addi %mul3A_2513, %add3A_2514 : i32
    %sub3A_2516 = arith.constant 2047 : i32
    %sub3A_2517 = arith.subi %sub3A_2516, %add3A_2515 : i32
    %sub3A_2518 = arith.constant 22 : i32
    %sub3A_2519 = arith.subi %sub3A_2517, %sub3A_2518 : i32
    %mul3A_2520 = arith.constant 1024 : i32
    %mul3A_2521 = arith.muli %arg1, %mul3A_2520 : i32
    %add3A_2522 = arith.addi %sub3A_2519, %mul3A_2521 : i32
    %multiple_of3A_2523 = tpu.assume_multiple %add3A_2522, 128 : i32
    %get3A_2524 = arith.constant 0 : index
    %get3A_2525 = arith.index_cast %multiple_of3A_2523 : i32 to index
    %get3A_2526 = vector.load %arg2[%get3A_2524, %get3A_2525] : memref<32x4096xf32, #tpu.memory_space<vmem>>, vector<32x1152xf32>
    %roll3A_2527 = arith.constant 1130 : i32
    %roll3A_2528 = tpu.dynamic_rotate %get3A_2526 by %roll3A_2527 dim 1 : vector<32x1152xf32>, i32 -> vector<32x1152xf32>
    %slice3A_2529 = vector.extract_strided_slice %roll3A_2528 {offsets = [0, 0], sizes = [32, 1024], strides = [1, 1]} : vector<32x1152xf32> to vector<32x1024xf32>
    %swap3A_2530 = arith.constant 105 : index
    %swap3A_2531 = arith.constant 0 : index
    %swap3A_2532 = arith.constant 0 : index
    %swap3A_2533 = vector.load %arg3[%swap3A_2530, %swap3A_2531, %swap3A_2532] : memref<128x32x1024xf32, #tpu.memory_space<vmem>>, vector<1x32x1024xf32>
    %swap3A_2534 = vector.shape_cast %swap3A_2533 : vector<1x32x1024xf32> to vector<32x1024xf32>
    %swap3A_2535 = vector.shape_cast %slice3A_2529 : vector<32x1024xf32> to vector<1x32x1024xf32>
    tpu.vector_store %arg3[%swap3A_2530, %swap3A_2531, %swap3A_2532], %swap3A_2535 {strides = array<i32>} : memref<128x32x1024xf32, #tpu.memory_space<vmem>>, vector<1x32x1024xf32>,
    %mul3A_2536 = arith.constant 128 : i32
    %mul3A_2537 = arith.muli %arg0, %mul3A_2536 : i32
    %add3A_2538 = arith.constant 106 : i32
    %add3A_2539 = arith.addi %mul3A_2537, %add3A_2538 : i32
    %sub3A_2540 = arith.constant 2047 : i32
    %sub3A_2541 = arith.subi %sub3A_2540, %add3A_2539 : i32
    %sub3A_2542 = arith.constant 21 : i32
    %sub3A_2543 = arith.subi %sub3A_2541, %sub3A_2542 : i32
    %mul3A_2544 = arith.constant 1024 : i32
    %mul3A_2545 = arith.muli %arg1, %mul3A_2544 : i32
    %add3A_2546 = arith.addi %sub3A_2543, %mul3A_2545 : i32
    %multiple_of3A_2547 = tpu.assume_multiple %add3A_2546, 128 : i32
    %get3A_2548 = arith.constant 0 : index
    %get3A_2549 = arith.index_cast %multiple_of3A_2547 : i32 to index
    %get3A_2550 = vector.load %arg2[%get3A_2548, %get3A_2549] : memref<32x4096xf32, #tpu.memory_space<vmem>>, vector<32x1152xf32>
    %roll3A_2551 = arith.constant 1131 : i32
    %roll3A_2552 = tpu.dynamic_rotate %get3A_2550 by %roll3A_2551 dim 1 : vector<32x1152xf32>, i32 -> vector<32x1152xf32>
    %slice3A_2553 = vector.extract_strided_slice %roll3A_2552 {offsets = [0, 0], sizes = [32, 1024], strides = [1, 1]} : vector<32x1152xf32> to vector<32x1024xf32>
    %swap3A_2554 = arith.constant 106 : index
    %swap3A_2555 = arith.constant 0 : index
    %swap3A_2556 = arith.constant 0 : index
    %swap3A_2557 = vector.load %arg3[%swap3A_2554, %swap3A_2555, %swap3A_2556] : memref<128x32x1024xf32, #tpu.memory_space<vmem>>, vector<1x32x1024xf32>
    %swap3A_2558 = vector.shape_cast %swap3A_2557 : vector<1x32x1024xf32> to vector<32x1024xf32>
    %swap3A_2559 = vector.shape_cast %slice3A_2553 : vector<32x1024xf32> to vector<1x32x1024xf32>
    tpu.vector_store %arg3[%swap3A_2554, %swap3A_2555, %swap3A_2556], %swap3A_2559 {strides = array<i32>} : memref<128x32x1024xf32, #tpu.memory_space<vmem>>, vector<1x32x1024xf32>,
    %mul3A_2560 = arith.constant 128 : i32
    %mul3A_2561 = arith.muli %arg0, %mul3A_2560 : i32
    %add3A_2562 = arith.constant 107 : i32
    %add3A_2563 = arith.addi %mul3A_2561, %add3A_2562 : i32
    %sub3A_2564 = arith.constant 2047 : i32
    %sub3A_2565 = arith.subi %sub3A_2564, %add3A_2563 : i32
    %sub3A_2566 = arith.constant 20 : i32
    %sub3A_2567 = arith.subi %sub3A_2565, %sub3A_2566 : i32
    %mul3A_2568 = arith.constant 1024 : i32
    %mul3A_2569 = arith.muli %arg1, %mul3A_2568 : i32
    %add3A_2570 = arith.addi %sub3A_2567, %mul3A_2569 : i32
    %multiple_of3A_2571 = tpu.assume_multiple %add3A_2570, 128 : i32
    %get3A_2572 = arith.constant 0 : index
    %get3A_2573 = arith.index_cast %multiple_of3A_2571 : i32 to index
    %get3A_2574 = vector.load %arg2[%get3A_2572, %get3A_2573] : memref<32x4096xf32, #tpu.memory_space<vmem>>, vector<32x1152xf32>
    %roll3A_2575 = arith.constant 1132 : i32
    %roll3A_2576 = tpu.dynamic_rotate %get3A_2574 by %roll3A_2575 dim 1 : vector<32x1152xf32>, i32 -> vector<32x1152xf32>
    %slice3A_2577 = vector.extract_strided_slice %roll3A_2576 {offsets = [0, 0], sizes = [32, 1024], strides = [1, 1]} : vector<32x1152xf32> to vector<32x1024xf32>
    %swap3A_2578 = arith.constant 107 : index
    %swap3A_2579 = arith.constant 0 : index
    %swap3A_2580 = arith.constant 0 : index
    %swap3A_2581 = vector.load %arg3[%swap3A_2578, %swap3A_2579, %swap3A_2580] : memref<128x32x1024xf32, #tpu.memory_space<vmem>>, vector<1x32x1024xf32>
    %swap3A_2582 = vector.shape_cast %swap3A_2581 : vector<1x32x1024xf32> to vector<32x1024xf32>
    %swap3A_2583 = vector.shape_cast %slice3A_2577 : vector<32x1024xf32> to vector<1x32x1024xf32>
    tpu.vector_store %arg3[%swap3A_2578, %swap3A_2579, %swap3A_2580], %swap3A_2583 {strides = array<i32>} : memref<128x32x1024xf32, #tpu.memory_space<vmem>>, vector<1x32x1024xf32>,
    %mul3A_2584 = arith.constant 128 : i32
    %mul3A_2585 = arith.muli %arg0, %mul3A_2584 : i32
    %add3A_2586 = arith.constant 108 : i32
    %add3A_2587 = arith.addi %mul3A_2585, %add3A_2586 : i32
    %sub3A_2588 = arith.constant 2047 : i32
    %sub3A_2589 = arith.subi %sub3A_2588, %add3A_2587 : i32
    %sub3A_2590 = arith.constant 19 : i32
    %sub3A_2591 = arith.subi %sub3A_2589, %sub3A_2590 : i32
    %mul3A_2592 = arith.constant 1024 : i32
    %mul3A_2593 = arith.muli %arg1, %mul3A_2592 : i32
    %add3A_2594 = arith.addi %sub3A_2591, %mul3A_2593 : i32
    %multiple_of3A_2595 = tpu.assume_multiple %add3A_2594, 128 : i32
    %get3A_2596 = arith.constant 0 : index
    %get3A_2597 = arith.index_cast %multiple_of3A_2595 : i32 to index
    %get3A_2598 = vector.load %arg2[%get3A_2596, %get3A_2597] : memref<32x4096xf32, #tpu.memory_space<vmem>>, vector<32x1152xf32>
    %roll3A_2599 = arith.constant 1133 : i32
    %roll3A_2600 = tpu.dynamic_rotate %get3A_2598 by %roll3A_2599 dim 1 : vector<32x1152xf32>, i32 -> vector<32x1152xf32>
    %slice3A_2601 = vector.extract_strided_slice %roll3A_2600 {offsets = [0, 0], sizes = [32, 1024], strides = [1, 1]} : vector<32x1152xf32> to vector<32x1024xf32>
    %swap3A_2602 = arith.constant 108 : index
    %swap3A_2603 = arith.constant 0 : index
    %swap3A_2604 = arith.constant 0 : index
    %swap3A_2605 = vector.load %arg3[%swap3A_2602, %swap3A_2603, %swap3A_2604] : memref<128x32x1024xf32, #tpu.memory_space<vmem>>, vector<1x32x1024xf32>
    %swap3A_2606 = vector.shape_cast %swap3A_2605 : vector<1x32x1024xf32> to vector<32x1024xf32>
    %swap3A_2607 = vector.shape_cast %slice3A_2601 : vector<32x1024xf32> to vector<1x32x1024xf32>
    tpu.vector_store %arg3[%swap3A_2602, %swap3A_2603, %swap3A_2604], %swap3A_2607 {strides = array<i32>} : memref<128x32x1024xf32, #tpu.memory_space<vmem>>, vector<1x32x1024xf32>,
    %mul3A_2608 = arith.constant 128 : i32
    %mul3A_2609 = arith.muli %arg0, %mul3A_2608 : i32
    %add3A_2610 = arith.constant 109 : i32
    %add3A_2611 = arith.addi %mul3A_2609, %add3A_2610 : i32
    %sub3A_2612 = arith.constant 2047 : i32
    %sub3A_2613 = arith.subi %sub3A_2612, %add3A_2611 : i32
    %sub3A_2614 = arith.constant 18 : i32
    %sub3A_2615 = arith.subi %sub3A_2613, %sub3A_2614 : i32
    %mul3A_2616 = arith.constant 1024 : i32
    %mul3A_2617 = arith.muli %arg1, %mul3A_2616 : i32
    %add3A_2618 = arith.addi %sub3A_2615, %mul3A_2617 : i32
    %multiple_of3A_2619 = tpu.assume_multiple %add3A_2618, 128 : i32
    %get3A_2620 = arith.constant 0 : index
    %get3A_2621 = arith.index_cast %multiple_of3A_2619 : i32 to index
    %get3A_2622 = vector.load %arg2[%get3A_2620, %get3A_2621] : memref<32x4096xf32, #tpu.memory_space<vmem>>, vector<32x1152xf32>
    %roll3A_2623 = arith.constant 1134 : i32
    %roll3A_2624 = tpu.dynamic_rotate %get3A_2622 by %roll3A_2623 dim 1 : vector<32x1152xf32>, i32 -> vector<32x1152xf32>
    %slice3A_2625 = vector.extract_strided_slice %roll3A_2624 {offsets = [0, 0], sizes = [32, 1024], strides = [1, 1]} : vector<32x1152xf32> to vector<32x1024xf32>
    %swap3A_2626 = arith.constant 109 : index
    %swap3A_2627 = arith.constant 0 : index
    %swap3A_2628 = arith.constant 0 : index
    %swap3A_2629 = vector.load %arg3[%swap3A_2626, %swap3A_2627, %swap3A_2628] : memref<128x32x1024xf32, #tpu.memory_space<vmem>>, vector<1x32x1024xf32>
    %swap3A_2630 = vector.shape_cast %swap3A_2629 : vector<1x32x1024xf32> to vector<32x1024xf32>
    %swap3A_2631 = vector.shape_cast %slice3A_2625 : vector<32x1024xf32> to vector<1x32x1024xf32>
    tpu.vector_store %arg3[%swap3A_2626, %swap3A_2627, %swap3A_2628], %swap3A_2631 {strides = array<i32>} : memref<128x32x1024xf32, #tpu.memory_space<vmem>>, vector<1x32x1024xf32>,
    %mul3A_2632 = arith.constant 128 : i32
    %mul3A_2633 = arith.muli %arg0, %mul3A_2632 : i32
    %add3A_2634 = arith.constant 110 : i32
    %add3A_2635 = arith.addi %mul3A_2633, %add3A_2634 : i32
    %sub3A_2636 = arith.constant 2047 : i32
    %sub3A_2637 = arith.subi %sub3A_2636, %add3A_2635 : i32
    %sub3A_2638 = arith.constant 17 : i32
    %sub3A_2639 = arith.subi %sub3A_2637, %sub3A_2638 : i32
    %mul3A_2640 = arith.constant 1024 : i32
    %mul3A_2641 = arith.muli %arg1, %mul3A_2640 : i32
    %add3A_2642 = arith.addi %sub3A_2639, %mul3A_2641 : i32
    %multiple_of3A_2643 = tpu.assume_multiple %add3A_2642, 128 : i32
    %get3A_2644 = arith.constant 0 : index
    %get3A_2645 = arith.index_cast %multiple_of3A_2643 : i32 to index
    %get3A_2646 = vector.load %arg2[%get3A_2644, %get3A_2645] : memref<32x4096xf32, #tpu.memory_space<vmem>>, vector<32x1152xf32>
    %roll3A_2647 = arith.constant 1135 : i32
    %roll3A_2648 = tpu.dynamic_rotate %get3A_2646 by %roll3A_2647 dim 1 : vector<32x1152xf32>, i32 -> vector<32x1152xf32>
    %slice3A_2649 = vector.extract_strided_slice %roll3A_2648 {offsets = [0, 0], sizes = [32, 1024], strides = [1, 1]} : vector<32x1152xf32> to vector<32x1024xf32>
    %swap3A_2650 = arith.constant 110 : index
    %swap3A_2651 = arith.constant 0 : index
    %swap3A_2652 = arith.constant 0 : index
    %swap3A_2653 = vector.load %arg3[%swap3A_2650, %swap3A_2651, %swap3A_2652] : memref<128x32x1024xf32, #tpu.memory_space<vmem>>, vector<1x32x1024xf32>
    %swap3A_2654 = vector.shape_cast %swap3A_2653 : vector<1x32x1024xf32> to vector<32x1024xf32>
    %swap3A_2655 = vector.shape_cast %slice3A_2649 : vector<32x1024xf32> to vector<1x32x1024xf32>
    tpu.vector_store %arg3[%swap3A_2650, %swap3A_2651, %swap3A_2652], %swap3A_2655 {strides = array<i32>} : memref<128x32x1024xf32, #tpu.memory_space<vmem>>, vector<1x32x1024xf32>,
    %mul3A_2656 = arith.constant 128 : i32
    %mul3A_2657 = arith.muli %arg0, %mul3A_2656 : i32
    %add3A_2658 = arith.constant 111 : i32
    %add3A_2659 = arith.addi %mul3A_2657, %add3A_2658 : i32
    %sub3A_2660 = arith.constant 2047 : i32
    %sub3A_2661 = arith.subi %sub3A_2660, %add3A_2659 : i32
    %sub3A_2662 = arith.constant 16 : i32
    %sub3A_2663 = arith.subi %sub3A_2661, %sub3A_2662 : i32
    %mul3A_2664 = arith.constant 1024 : i32
    %mul3A_2665 = arith.muli %arg1, %mul3A_2664 : i32
    %add3A_2666 = arith.addi %sub3A_2663, %mul3A_2665 : i32
    %multiple_of3A_2667 = tpu.assume_multiple %add3A_2666, 128 : i32
    %get3A_2668 = arith.constant 0 : index
    %get3A_2669 = arith.index_cast %multiple_of3A_2667 : i32 to index
    %get3A_2670 = vector.load %arg2[%get3A_2668, %get3A_2669] : memref<32x4096xf32, #tpu.memory_space<vmem>>, vector<32x1152xf32>
    %roll3A_2671 = arith.constant 1136 : i32
    %roll3A_2672 = tpu.dynamic_rotate %get3A_2670 by %roll3A_2671 dim 1 : vector<32x1152xf32>, i32 -> vector<32x1152xf32>
    %slice3A_2673 = vector.extract_strided_slice %roll3A_2672 {offsets = [0, 0], sizes = [32, 1024], strides = [1, 1]} : vector<32x1152xf32> to vector<32x1024xf32>
    %swap3A_2674 = arith.constant 111 : index
    %swap3A_2675 = arith.constant 0 : index
    %swap3A_2676 = arith.constant 0 : index
    %swap3A_2677 = vector.load %arg3[%swap3A_2674, %swap3A_2675, %swap3A_2676] : memref<128x32x1024xf32, #tpu.memory_space<vmem>>, vector<1x32x1024xf32>
    %swap3A_2678 = vector.shape_cast %swap3A_2677 : vector<1x32x1024xf32> to vector<32x1024xf32>
    %swap3A_2679 = vector.shape_cast %slice3A_2673 : vector<32x1024xf32> to vector<1x32x1024xf32>
    tpu.vector_store %arg3[%swap3A_2674, %swap3A_2675, %swap3A_2676], %swap3A_2679 {strides = array<i32>} : memref<128x32x1024xf32, #tpu.memory_space<vmem>>, vector<1x32x1024xf32>,
    %mul3A_2680 = arith.constant 128 : i32
    %mul3A_2681 = arith.muli %arg0, %mul3A_2680 : i32
    %add3A_2682 = arith.constant 112 : i32
    %add3A_2683 = arith.addi %mul3A_2681, %add3A_2682 : i32
    %sub3A_2684 = arith.constant 2047 : i32
    %sub3A_2685 = arith.subi %sub3A_2684, %add3A_2683 : i32
    %sub3A_2686 = arith.constant 15 : i32
    %sub3A_2687 = arith.subi %sub3A_2685, %sub3A_2686 : i32
    %mul3A_2688 = arith.constant 1024 : i32
    %mul3A_2689 = arith.muli %arg1, %mul3A_2688 : i32
    %add3A_2690 = arith.addi %sub3A_2687, %mul3A_2689 : i32
    %multiple_of3A_2691 = tpu.assume_multiple %add3A_2690, 128 : i32
    %get3A_2692 = arith.constant 0 : index
    %get3A_2693 = arith.index_cast %multiple_of3A_2691 : i32 to index
    %get3A_2694 = vector.load %arg2[%get3A_2692, %get3A_2693] : memref<32x4096xf32, #tpu.memory_space<vmem>>, vector<32x1152xf32>
    %roll3A_2695 = arith.constant 1137 : i32
    %roll3A_2696 = tpu.dynamic_rotate %get3A_2694 by %roll3A_2695 dim 1 : vector<32x1152xf32>, i32 -> vector<32x1152xf32>
    %slice3A_2697 = vector.extract_strided_slice %roll3A_2696 {offsets = [0, 0], sizes = [32, 1024], strides = [1, 1]} : vector<32x1152xf32> to vector<32x1024xf32>
    %swap3A_2698 = arith.constant 112 : index
    %swap3A_2699 = arith.constant 0 : index
    %swap3A_2700 = arith.constant 0 : index
    %swap3A_2701 = vector.load %arg3[%swap3A_2698, %swap3A_2699, %swap3A_2700] : memref<128x32x1024xf32, #tpu.memory_space<vmem>>, vector<1x32x1024xf32>
    %swap3A_2702 = vector.shape_cast %swap3A_2701 : vector<1x32x1024xf32> to vector<32x1024xf32>
    %swap3A_2703 = vector.shape_cast %slice3A_2697 : vector<32x1024xf32> to vector<1x32x1024xf32>
    tpu.vector_store %arg3[%swap3A_2698, %swap3A_2699, %swap3A_2700], %swap3A_2703 {strides = array<i32>} : memref<128x32x1024xf32, #tpu.memory_space<vmem>>, vector<1x32x1024xf32>,
    %mul3A_2704 = arith.constant 128 : i32
    %mul3A_2705 = arith.muli %arg0, %mul3A_2704 : i32
    %add3A_2706 = arith.constant 113 : i32
    %add3A_2707 = arith.addi %mul3A_2705, %add3A_2706 : i32
    %sub3A_2708 = arith.constant 2047 : i32
    %sub3A_2709 = arith.subi %sub3A_2708, %add3A_2707 : i32
    %sub3A_2710 = arith.constant 14 : i32
    %sub3A_2711 = arith.subi %sub3A_2709, %sub3A_2710 : i32
    %mul3A_2712 = arith.constant 1024 : i32
    %mul3A_2713 = arith.muli %arg1, %mul3A_2712 : i32
    %add3A_2714 = arith.addi %sub3A_2711, %mul3A_2713 : i32
    %multiple_of3A_2715 = tpu.assume_multiple %add3A_2714, 128 : i32
    %get3A_2716 = arith.constant 0 : index
    %get3A_2717 = arith.index_cast %multiple_of3A_2715 : i32 to index
    %get3A_2718 = vector.load %arg2[%get3A_2716, %get3A_2717] : memref<32x4096xf32, #tpu.memory_space<vmem>>, vector<32x1152xf32>
    %roll3A_2719 = arith.constant 1138 : i32
    %roll3A_2720 = tpu.dynamic_rotate %get3A_2718 by %roll3A_2719 dim 1 : vector<32x1152xf32>, i32 -> vector<32x1152xf32>
    %slice3A_2721 = vector.extract_strided_slice %roll3A_2720 {offsets = [0, 0], sizes = [32, 1024], strides = [1, 1]} : vector<32x1152xf32> to vector<32x1024xf32>
    %swap3A_2722 = arith.constant 113 : index
    %swap3A_2723 = arith.constant 0 : index
    %swap3A_2724 = arith.constant 0 : index
    %swap3A_2725 = vector.load %arg3[%swap3A_2722, %swap3A_2723, %swap3A_2724] : memref<128x32x1024xf32, #tpu.memory_space<vmem>>, vector<1x32x1024xf32>
    %swap3A_2726 = vector.shape_cast %swap3A_2725 : vector<1x32x1024xf32> to vector<32x1024xf32>
    %swap3A_2727 = vector.shape_cast %slice3A_2721 : vector<32x1024xf32> to vector<1x32x1024xf32>
    tpu.vector_store %arg3[%swap3A_2722, %swap3A_2723, %swap3A_2724], %swap3A_2727 {strides = array<i32>} : memref<128x32x1024xf32, #tpu.memory_space<vmem>>, vector<1x32x1024xf32>,
    %mul3A_2728 = arith.constant 128 : i32
    %mul3A_2729 = arith.muli %arg0, %mul3A_2728 : i32
    %add3A_2730 = arith.constant 114 : i32
    %add3A_2731 = arith.addi %mul3A_2729, %add3A_2730 : i32
    %sub3A_2732 = arith.constant 2047 : i32
    %sub3A_2733 = arith.subi %sub3A_2732, %add3A_2731 : i32
    %sub3A_2734 = arith.constant 13 : i32
    %sub3A_2735 = arith.subi %sub3A_2733, %sub3A_2734 : i32
    %mul3A_2736 = arith.constant 1024 : i32
    %mul3A_2737 = arith.muli %arg1, %mul3A_2736 : i32
    %add3A_2738 = arith.addi %sub3A_2735, %mul3A_2737 : i32
    %multiple_of3A_2739 = tpu.assume_multiple %add3A_2738, 128 : i32
    %get3A_2740 = arith.constant 0 : index
    %get3A_2741 = arith.index_cast %multiple_of3A_2739 : i32 to index
    %get3A_2742 = vector.load %arg2[%get3A_2740, %get3A_2741] : memref<32x4096xf32, #tpu.memory_space<vmem>>, vector<32x1152xf32>
    %roll3A_2743 = arith.constant 1139 : i32
    %roll3A_2744 = tpu.dynamic_rotate %get3A_2742 by %roll3A_2743 dim 1 : vector<32x1152xf32>, i32 -> vector<32x1152xf32>
    %slice3A_2745 = vector.extract_strided_slice %roll3A_2744 {offsets = [0, 0], sizes = [32, 1024], strides = [1, 1]} : vector<32x1152xf32> to vector<32x1024xf32>
    %swap3A_2746 = arith.constant 114 : index
    %swap3A_2747 = arith.constant 0 : index
    %swap3A_2748 = arith.constant 0 : index
    %swap3A_2749 = vector.load %arg3[%swap3A_2746, %swap3A_2747, %swap3A_2748] : memref<128x32x1024xf32, #tpu.memory_space<vmem>>, vector<1x32x1024xf32>
    %swap3A_2750 = vector.shape_cast %swap3A_2749 : vector<1x32x1024xf32> to vector<32x1024xf32>
    %swap3A_2751 = vector.shape_cast %slice3A_2745 : vector<32x1024xf32> to vector<1x32x1024xf32>
    tpu.vector_store %arg3[%swap3A_2746, %swap3A_2747, %swap3A_2748], %swap3A_2751 {strides = array<i32>} : memref<128x32x1024xf32, #tpu.memory_space<vmem>>, vector<1x32x1024xf32>,
    %mul3A_2752 = arith.constant 128 : i32
    %mul3A_2753 = arith.muli %arg0, %mul3A_2752 : i32
    %add3A_2754 = arith.constant 115 : i32
    %add3A_2755 = arith.addi %mul3A_2753, %add3A_2754 : i32
    %sub3A_2756 = arith.constant 2047 : i32
    %sub3A_2757 = arith.subi %sub3A_2756, %add3A_2755 : i32
    %sub3A_2758 = arith.constant 12 : i32
    %sub3A_2759 = arith.subi %sub3A_2757, %sub3A_2758 : i32
    %mul3A_2760 = arith.constant 1024 : i32
    %mul3A_2761 = arith.muli %arg1, %mul3A_2760 : i32
    %add3A_2762 = arith.addi %sub3A_2759, %mul3A_2761 : i32
    %multiple_of3A_2763 = tpu.assume_multiple %add3A_2762, 128 : i32
    %get3A_2764 = arith.constant 0 : index
    %get3A_2765 = arith.index_cast %multiple_of3A_2763 : i32 to index
    %get3A_2766 = vector.load %arg2[%get3A_2764, %get3A_2765] : memref<32x4096xf32, #tpu.memory_space<vmem>>, vector<32x1152xf32>
    %roll3A_2767 = arith.constant 1140 : i32
    %roll3A_2768 = tpu.dynamic_rotate %get3A_2766 by %roll3A_2767 dim 1 : vector<32x1152xf32>, i32 -> vector<32x1152xf32>
    %slice3A_2769 = vector.extract_strided_slice %roll3A_2768 {offsets = [0, 0], sizes = [32, 1024], strides = [1, 1]} : vector<32x1152xf32> to vector<32x1024xf32>
    %swap3A_2770 = arith.constant 115 : index
    %swap3A_2771 = arith.constant 0 : index
    %swap3A_2772 = arith.constant 0 : index
    %swap3A_2773 = vector.load %arg3[%swap3A_2770, %swap3A_2771, %swap3A_2772] : memref<128x32x1024xf32, #tpu.memory_space<vmem>>, vector<1x32x1024xf32>
    %swap3A_2774 = vector.shape_cast %swap3A_2773 : vector<1x32x1024xf32> to vector<32x1024xf32>
    %swap3A_2775 = vector.shape_cast %slice3A_2769 : vector<32x1024xf32> to vector<1x32x1024xf32>
    tpu.vector_store %arg3[%swap3A_2770, %swap3A_2771, %swap3A_2772], %swap3A_2775 {strides = array<i32>} : memref<128x32x1024xf32, #tpu.memory_space<vmem>>, vector<1x32x1024xf32>,
    %mul3A_2776 = arith.constant 128 : i32
    %mul3A_2777 = arith.muli %arg0, %mul3A_2776 : i32
    %add3A_2778 = arith.constant 116 : i32
    %add3A_2779 = arith.addi %mul3A_2777, %add3A_2778 : i32
    %sub3A_2780 = arith.constant 2047 : i32
    %sub3A_2781 = arith.subi %sub3A_2780, %add3A_2779 : i32
    %sub3A_2782 = arith.constant 11 : i32
    %sub3A_2783 = arith.subi %sub3A_2781, %sub3A_2782 : i32
    %mul3A_2784 = arith.constant 1024 : i32
    %mul3A_2785 = arith.muli %arg1, %mul3A_2784 : i32
    %add3A_2786 = arith.addi %sub3A_2783, %mul3A_2785 : i32
    %multiple_of3A_2787 = tpu.assume_multiple %add3A_2786, 128 : i32
    %get3A_2788 = arith.constant 0 : index
    %get3A_2789 = arith.index_cast %multiple_of3A_2787 : i32 to index
    %get3A_2790 = vector.load %arg2[%get3A_2788, %get3A_2789] : memref<32x4096xf32, #tpu.memory_space<vmem>>, vector<32x1152xf32>
    %roll3A_2791 = arith.constant 1141 : i32
    %roll3A_2792 = tpu.dynamic_rotate %get3A_2790 by %roll3A_2791 dim 1 : vector<32x1152xf32>, i32 -> vector<32x1152xf32>
    %slice3A_2793 = vector.extract_strided_slice %roll3A_2792 {offsets = [0, 0], sizes = [32, 1024], strides = [1, 1]} : vector<32x1152xf32> to vector<32x1024xf32>
    %swap3A_2794 = arith.constant 116 : index
    %swap3A_2795 = arith.constant 0 : index
    %swap3A_2796 = arith.constant 0 : index
    %swap3A_2797 = vector.load %arg3[%swap3A_2794, %swap3A_2795, %swap3A_2796] : memref<128x32x1024xf32, #tpu.memory_space<vmem>>, vector<1x32x1024xf32>
    %swap3A_2798 = vector.shape_cast %swap3A_2797 : vector<1x32x1024xf32> to vector<32x1024xf32>
    %swap3A_2799 = vector.shape_cast %slice3A_2793 : vector<32x1024xf32> to vector<1x32x1024xf32>
    tpu.vector_store %arg3[%swap3A_2794, %swap3A_2795, %swap3A_2796], %swap3A_2799 {strides = array<i32>} : memref<128x32x1024xf32, #tpu.memory_space<vmem>>, vector<1x32x1024xf32>,
    %mul3A_2800 = arith.constant 128 : i32
    %mul3A_2801 = arith.muli %arg0, %mul3A_2800 : i32
    %add3A_2802 = arith.constant 117 : i32
    %add3A_2803 = arith.addi %mul3A_2801, %add3A_2802 : i32
    %sub3A_2804 = arith.constant 2047 : i32
    %sub3A_2805 = arith.subi %sub3A_2804, %add3A_2803 : i32
    %sub3A_2806 = arith.constant 10 : i32
    %sub3A_2807 = arith.subi %sub3A_2805, %sub3A_2806 : i32
    %mul3A_2808 = arith.constant 1024 : i32
    %mul3A_2809 = arith.muli %arg1, %mul3A_2808 : i32
    %add3A_2810 = arith.addi %sub3A_2807, %mul3A_2809 : i32
    %multiple_of3A_2811 = tpu.assume_multiple %add3A_2810, 128 : i32
    %get3A_2812 = arith.constant 0 : index
    %get3A_2813 = arith.index_cast %multiple_of3A_2811 : i32 to index
    %get3A_2814 = vector.load %arg2[%get3A_2812, %get3A_2813] : memref<32x4096xf32, #tpu.memory_space<vmem>>, vector<32x1152xf32>
    %roll3A_2815 = arith.constant 1142 : i32
    %roll3A_2816 = tpu.dynamic_rotate %get3A_2814 by %roll3A_2815 dim 1 : vector<32x1152xf32>, i32 -> vector<32x1152xf32>
    %slice3A_2817 = vector.extract_strided_slice %roll3A_2816 {offsets = [0, 0], sizes = [32, 1024], strides = [1, 1]} : vector<32x1152xf32> to vector<32x1024xf32>
    %swap3A_2818 = arith.constant 117 : index
    %swap3A_2819 = arith.constant 0 : index
    %swap3A_2820 = arith.constant 0 : index
    %swap3A_2821 = vector.load %arg3[%swap3A_2818, %swap3A_2819, %swap3A_2820] : memref<128x32x1024xf32, #tpu.memory_space<vmem>>, vector<1x32x1024xf32>
    %swap3A_2822 = vector.shape_cast %swap3A_2821 : vector<1x32x1024xf32> to vector<32x1024xf32>
    %swap3A_2823 = vector.shape_cast %slice3A_2817 : vector<32x1024xf32> to vector<1x32x1024xf32>
    tpu.vector_store %arg3[%swap3A_2818, %swap3A_2819, %swap3A_2820], %swap3A_2823 {strides = array<i32>} : memref<128x32x1024xf32, #tpu.memory_space<vmem>>, vector<1x32x1024xf32>,
    %mul3A_2824 = arith.constant 128 : i32
    %mul3A_2825 = arith.muli %arg0, %mul3A_2824 : i32
    %add3A_2826 = arith.constant 118 : i32
    %add3A_2827 = arith.addi %mul3A_2825, %add3A_2826 : i32
    %sub3A_2828 = arith.constant 2047 : i32
    %sub3A_2829 = arith.subi %sub3A_2828, %add3A_2827 : i32
    %sub3A_2830 = arith.constant 9 : i32
    %sub3A_2831 = arith.subi %sub3A_2829, %sub3A_2830 : i32
    %mul3A_2832 = arith.constant 1024 : i32
    %mul3A_2833 = arith.muli %arg1, %mul3A_2832 : i32
    %add3A_2834 = arith.addi %sub3A_2831, %mul3A_2833 : i32
    %multiple_of3A_2835 = tpu.assume_multiple %add3A_2834, 128 : i32
    %get3A_2836 = arith.constant 0 : index
    %get3A_2837 = arith.index_cast %multiple_of3A_2835 : i32 to index
    %get3A_2838 = vector.load %arg2[%get3A_2836, %get3A_2837] : memref<32x4096xf32, #tpu.memory_space<vmem>>, vector<32x1152xf32>
    %roll3A_2839 = arith.constant 1143 : i32
    %roll3A_2840 = tpu.dynamic_rotate %get3A_2838 by %roll3A_2839 dim 1 : vector<32x1152xf32>, i32 -> vector<32x1152xf32>
    %slice3A_2841 = vector.extract_strided_slice %roll3A_2840 {offsets = [0, 0], sizes = [32, 1024], strides = [1, 1]} : vector<32x1152xf32> to vector<32x1024xf32>
    %swap3A_2842 = arith.constant 118 : index
    %swap3A_2843 = arith.constant 0 : index
    %swap3A_2844 = arith.constant 0 : index
    %swap3A_2845 = vector.load %arg3[%swap3A_2842, %swap3A_2843, %swap3A_2844] : memref<128x32x1024xf32, #tpu.memory_space<vmem>>, vector<1x32x1024xf32>
    %swap3A_2846 = vector.shape_cast %swap3A_2845 : vector<1x32x1024xf32> to vector<32x1024xf32>
    %swap3A_2847 = vector.shape_cast %slice3A_2841 : vector<32x1024xf32> to vector<1x32x1024xf32>
    tpu.vector_store %arg3[%swap3A_2842, %swap3A_2843, %swap3A_2844], %swap3A_2847 {strides = array<i32>} : memref<128x32x1024xf32, #tpu.memory_space<vmem>>, vector<1x32x1024xf32>,
    %mul3A_2848 = arith.constant 128 : i32
    %mul3A_2849 = arith.muli %arg0, %mul3A_2848 : i32
    %add3A_2850 = arith.constant 119 : i32
    %add3A_2851 = arith.addi %mul3A_2849, %add3A_2850 : i32
    %sub3A_2852 = arith.constant 2047 : i32
    %sub3A_2853 = arith.subi %sub3A_2852, %add3A_2851 : i32
    %sub3A_2854 = arith.constant 8 : i32
    %sub3A_2855 = arith.subi %sub3A_2853, %sub3A_2854 : i32
    %mul3A_2856 = arith.constant 1024 : i32
    %mul3A_2857 = arith.muli %arg1, %mul3A_2856 : i32
    %add3A_2858 = arith.addi %sub3A_2855, %mul3A_2857 : i32
    %multiple_of3A_2859 = tpu.assume_multiple %add3A_2858, 128 : i32
    %get3A_2860 = arith.constant 0 : index
    %get3A_2861 = arith.index_cast %multiple_of3A_2859 : i32 to index
    %get3A_2862 = vector.load %arg2[%get3A_2860, %get3A_2861] : memref<32x4096xf32, #tpu.memory_space<vmem>>, vector<32x1152xf32>
    %roll3A_2863 = arith.constant 1144 : i32
    %roll3A_2864 = tpu.dynamic_rotate %get3A_2862 by %roll3A_2863 dim 1 : vector<32x1152xf32>, i32 -> vector<32x1152xf32>
    %slice3A_2865 = vector.extract_strided_slice %roll3A_2864 {offsets = [0, 0], sizes = [32, 1024], strides = [1, 1]} : vector<32x1152xf32> to vector<32x1024xf32>
    %swap3A_2866 = arith.constant 119 : index
    %swap3A_2867 = arith.constant 0 : index
    %swap3A_2868 = arith.constant 0 : index
    %swap3A_2869 = vector.load %arg3[%swap3A_2866, %swap3A_2867, %swap3A_2868] : memref<128x32x1024xf32, #tpu.memory_space<vmem>>, vector<1x32x1024xf32>
    %swap3A_2870 = vector.shape_cast %swap3A_2869 : vector<1x32x1024xf32> to vector<32x1024xf32>
    %swap3A_2871 = vector.shape_cast %slice3A_2865 : vector<32x1024xf32> to vector<1x32x1024xf32>
    tpu.vector_store %arg3[%swap3A_2866, %swap3A_2867, %swap3A_2868], %swap3A_2871 {strides = array<i32>} : memref<128x32x1024xf32, #tpu.memory_space<vmem>>, vector<1x32x1024xf32>,
    %mul3A_2872 = arith.constant 128 : i32
    %mul3A_2873 = arith.muli %arg0, %mul3A_2872 : i32
    %add3A_2874 = arith.constant 120 : i32
    %add3A_2875 = arith.addi %mul3A_2873, %add3A_2874 : i32
    %sub3A_2876 = arith.constant 2047 : i32
    %sub3A_2877 = arith.subi %sub3A_2876, %add3A_2875 : i32
    %sub3A_2878 = arith.constant 7 : i32
    %sub3A_2879 = arith.subi %sub3A_2877, %sub3A_2878 : i32
    %mul3A_2880 = arith.constant 1024 : i32
    %mul3A_2881 = arith.muli %arg1, %mul3A_2880 : i32
    %add3A_2882 = arith.addi %sub3A_2879, %mul3A_2881 : i32
    %multiple_of3A_2883 = tpu.assume_multiple %add3A_2882, 128 : i32
    %get3A_2884 = arith.constant 0 : index
    %get3A_2885 = arith.index_cast %multiple_of3A_2883 : i32 to index
    %get3A_2886 = vector.load %arg2[%get3A_2884, %get3A_2885] : memref<32x4096xf32, #tpu.memory_space<vmem>>, vector<32x1152xf32>
    %roll3A_2887 = arith.constant 1145 : i32
    %roll3A_2888 = tpu.dynamic_rotate %get3A_2886 by %roll3A_2887 dim 1 : vector<32x1152xf32>, i32 -> vector<32x1152xf32>
    %slice3A_2889 = vector.extract_strided_slice %roll3A_2888 {offsets = [0, 0], sizes = [32, 1024], strides = [1, 1]} : vector<32x1152xf32> to vector<32x1024xf32>
    %swap3A_2890 = arith.constant 120 : index
    %swap3A_2891 = arith.constant 0 : index
    %swap3A_2892 = arith.constant 0 : index
    %swap3A_2893 = vector.load %arg3[%swap3A_2890, %swap3A_2891, %swap3A_2892] : memref<128x32x1024xf32, #tpu.memory_space<vmem>>, vector<1x32x1024xf32>
    %swap3A_2894 = vector.shape_cast %swap3A_2893 : vector<1x32x1024xf32> to vector<32x1024xf32>
    %swap3A_2895 = vector.shape_cast %slice3A_2889 : vector<32x1024xf32> to vector<1x32x1024xf32>
    tpu.vector_store %arg3[%swap3A_2890, %swap3A_2891, %swap3A_2892], %swap3A_2895 {strides = array<i32>} : memref<128x32x1024xf32, #tpu.memory_space<vmem>>, vector<1x32x1024xf32>,
    %mul3A_2896 = arith.constant 128 : i32
    %mul3A_2897 = arith.muli %arg0, %mul3A_2896 : i32
    %add3A_2898 = arith.constant 121 : i32
    %add3A_2899 = arith.addi %mul3A_2897, %add3A_2898 : i32
    %sub3A_2900 = arith.constant 2047 : i32
    %sub3A_2901 = arith.subi %sub3A_2900, %add3A_2899 : i32
    %sub3A_2902 = arith.constant 6 : i32
    %sub3A_2903 = arith.subi %sub3A_2901, %sub3A_2902 : i32
    %mul3A_2904 = arith.constant 1024 : i32
    %mul3A_2905 = arith.muli %arg1, %mul3A_2904 : i32
    %add3A_2906 = arith.addi %sub3A_2903, %mul3A_2905 : i32
    %multiple_of3A_2907 = tpu.assume_multiple %add3A_2906, 128 : i32
    %get3A_2908 = arith.constant 0 : index
    %get3A_2909 = arith.index_cast %multiple_of3A_2907 : i32 to index
    %get3A_2910 = vector.load %arg2[%get3A_2908, %get3A_2909] : memref<32x4096xf32, #tpu.memory_space<vmem>>, vector<32x1152xf32>
    %roll3A_2911 = arith.constant 1146 : i32
    %roll3A_2912 = tpu.dynamic_rotate %get3A_2910 by %roll3A_2911 dim 1 : vector<32x1152xf32>, i32 -> vector<32x1152xf32>
    %slice3A_2913 = vector.extract_strided_slice %roll3A_2912 {offsets = [0, 0], sizes = [32, 1024], strides = [1, 1]} : vector<32x1152xf32> to vector<32x1024xf32>
    %swap3A_2914 = arith.constant 121 : index
    %swap3A_2915 = arith.constant 0 : index
    %swap3A_2916 = arith.constant 0 : index
    %swap3A_2917 = vector.load %arg3[%swap3A_2914, %swap3A_2915, %swap3A_2916] : memref<128x32x1024xf32, #tpu.memory_space<vmem>>, vector<1x32x1024xf32>
    %swap3A_2918 = vector.shape_cast %swap3A_2917 : vector<1x32x1024xf32> to vector<32x1024xf32>
    %swap3A_2919 = vector.shape_cast %slice3A_2913 : vector<32x1024xf32> to vector<1x32x1024xf32>
    tpu.vector_store %arg3[%swap3A_2914, %swap3A_2915, %swap3A_2916], %swap3A_2919 {strides = array<i32>} : memref<128x32x1024xf32, #tpu.memory_space<vmem>>, vector<1x32x1024xf32>,
    %mul3A_2920 = arith.constant 128 : i32
    %mul3A_2921 = arith.muli %arg0, %mul3A_2920 : i32
    %add3A_2922 = arith.constant 122 : i32
    %add3A_2923 = arith.addi %mul3A_2921, %add3A_2922 : i32
    %sub3A_2924 = arith.constant 2047 : i32
    %sub3A_2925 = arith.subi %sub3A_2924, %add3A_2923 : i32
    %sub3A_2926 = arith.constant 5 : i32
    %sub3A_2927 = arith.subi %sub3A_2925, %sub3A_2926 : i32
    %mul3A_2928 = arith.constant 1024 : i32
    %mul3A_2929 = arith.muli %arg1, %mul3A_2928 : i32
    %add3A_2930 = arith.addi %sub3A_2927, %mul3A_2929 : i32
    %multiple_of3A_2931 = tpu.assume_multiple %add3A_2930, 128 : i32
    %get3A_2932 = arith.constant 0 : index
    %get3A_2933 = arith.index_cast %multiple_of3A_2931 : i32 to index
    %get3A_2934 = vector.load %arg2[%get3A_2932, %get3A_2933] : memref<32x4096xf32, #tpu.memory_space<vmem>>, vector<32x1152xf32>
    %roll3A_2935 = arith.constant 1147 : i32
    %roll3A_2936 = tpu.dynamic_rotate %get3A_2934 by %roll3A_2935 dim 1 : vector<32x1152xf32>, i32 -> vector<32x1152xf32>
    %slice3A_2937 = vector.extract_strided_slice %roll3A_2936 {offsets = [0, 0], sizes = [32, 1024], strides = [1, 1]} : vector<32x1152xf32> to vector<32x1024xf32>
    %swap3A_2938 = arith.constant 122 : index
    %swap3A_2939 = arith.constant 0 : index
    %swap3A_2940 = arith.constant 0 : index
    %swap3A_2941 = vector.load %arg3[%swap3A_2938, %swap3A_2939, %swap3A_2940] : memref<128x32x1024xf32, #tpu.memory_space<vmem>>, vector<1x32x1024xf32>
    %swap3A_2942 = vector.shape_cast %swap3A_2941 : vector<1x32x1024xf32> to vector<32x1024xf32>
    %swap3A_2943 = vector.shape_cast %slice3A_2937 : vector<32x1024xf32> to vector<1x32x1024xf32>
    tpu.vector_store %arg3[%swap3A_2938, %swap3A_2939, %swap3A_2940], %swap3A_2943 {strides = array<i32>} : memref<128x32x1024xf32, #tpu.memory_space<vmem>>, vector<1x32x1024xf32>,
    %mul3A_2944 = arith.constant 128 : i32
    %mul3A_2945 = arith.muli %arg0, %mul3A_2944 : i32
    %add3A_2946 = arith.constant 123 : i32
    %add3A_2947 = arith.addi %mul3A_2945, %add3A_2946 : i32
    %sub3A_2948 = arith.constant 2047 : i32
    %sub3A_2949 = arith.subi %sub3A_2948, %add3A_2947 : i32
    %sub3A_2950 = arith.constant 4 : i32
    %sub3A_2951 = arith.subi %sub3A_2949, %sub3A_2950 : i32
    %mul3A_2952 = arith.constant 1024 : i32
    %mul3A_2953 = arith.muli %arg1, %mul3A_2952 : i32
    %add3A_2954 = arith.addi %sub3A_2951, %mul3A_2953 : i32
    %multiple_of3A_2955 = tpu.assume_multiple %add3A_2954, 128 : i32
    %get3A_2956 = arith.constant 0 : index
    %get3A_2957 = arith.index_cast %multiple_of3A_2955 : i32 to index
    %get3A_2958 = vector.load %arg2[%get3A_2956, %get3A_2957] : memref<32x4096xf32, #tpu.memory_space<vmem>>, vector<32x1152xf32>
    %roll3A_2959 = arith.constant 1148 : i32
    %roll3A_2960 = tpu.dynamic_rotate %get3A_2958 by %roll3A_2959 dim 1 : vector<32x1152xf32>, i32 -> vector<32x1152xf32>
    %slice3A_2961 = vector.extract_strided_slice %roll3A_2960 {offsets = [0, 0], sizes = [32, 1024], strides = [1, 1]} : vector<32x1152xf32> to vector<32x1024xf32>
    %swap3A_2962 = arith.constant 123 : index
    %swap3A_2963 = arith.constant 0 : index
    %swap3A_2964 = arith.constant 0 : index
    %swap3A_2965 = vector.load %arg3[%swap3A_2962, %swap3A_2963, %swap3A_2964] : memref<128x32x1024xf32, #tpu.memory_space<vmem>>, vector<1x32x1024xf32>
    %swap3A_2966 = vector.shape_cast %swap3A_2965 : vector<1x32x1024xf32> to vector<32x1024xf32>
    %swap3A_2967 = vector.shape_cast %slice3A_2961 : vector<32x1024xf32> to vector<1x32x1024xf32>
    tpu.vector_store %arg3[%swap3A_2962, %swap3A_2963, %swap3A_2964], %swap3A_2967 {strides = array<i32>} : memref<128x32x1024xf32, #tpu.memory_space<vmem>>, vector<1x32x1024xf32>,
    %mul3A_2968 = arith.constant 128 : i32
    %mul3A_2969 = arith.muli %arg0, %mul3A_2968 : i32
    %add3A_2970 = arith.constant 124 : i32
    %add3A_2971 = arith.addi %mul3A_2969, %add3A_2970 : i32
    %sub3A_2972 = arith.constant 2047 : i32
    %sub3A_2973 = arith.subi %sub3A_2972, %add3A_2971 : i32
    %sub3A_2974 = arith.constant 3 : i32
    %sub3A_2975 = arith.subi %sub3A_2973, %sub3A_2974 : i32
    %mul3A_2976 = arith.constant 1024 : i32
    %mul3A_2977 = arith.muli %arg1, %mul3A_2976 : i32
    %add3A_2978 = arith.addi %sub3A_2975, %mul3A_2977 : i32
    %multiple_of3A_2979 = tpu.assume_multiple %add3A_2978, 128 : i32
    %get3A_2980 = arith.constant 0 : index
    %get3A_2981 = arith.index_cast %multiple_of3A_2979 : i32 to index
    %get3A_2982 = vector.load %arg2[%get3A_2980, %get3A_2981] : memref<32x4096xf32, #tpu.memory_space<vmem>>, vector<32x1152xf32>
    %roll3A_2983 = arith.constant 1149 : i32
    %roll3A_2984 = tpu.dynamic_rotate %get3A_2982 by %roll3A_2983 dim 1 : vector<32x1152xf32>, i32 -> vector<32x1152xf32>
    %slice3A_2985 = vector.extract_strided_slice %roll3A_2984 {offsets = [0, 0], sizes = [32, 1024], strides = [1, 1]} : vector<32x1152xf32> to vector<32x1024xf32>
    %swap3A_2986 = arith.constant 124 : index
    %swap3A_2987 = arith.constant 0 : index
    %swap3A_2988 = arith.constant 0 : index
    %swap3A_2989 = vector.load %arg3[%swap3A_2986, %swap3A_2987, %swap3A_2988] : memref<128x32x1024xf32, #tpu.memory_space<vmem>>, vector<1x32x1024xf32>
    %swap3A_2990 = vector.shape_cast %swap3A_2989 : vector<1x32x1024xf32> to vector<32x1024xf32>
    %swap3A_2991 = vector.shape_cast %slice3A_2985 : vector<32x1024xf32> to vector<1x32x1024xf32>
    tpu.vector_store %arg3[%swap3A_2986, %swap3A_2987, %swap3A_2988], %swap3A_2991 {strides = array<i32>} : memref<128x32x1024xf32, #tpu.memory_space<vmem>>, vector<1x32x1024xf32>,
    %mul3A_2992 = arith.constant 128 : i32
    %mul3A_2993 = arith.muli %arg0, %mul3A_2992 : i32
    %add3A_2994 = arith.constant 125 : i32
    %add3A_2995 = arith.addi %mul3A_2993, %add3A_2994 : i32
    %sub3A_2996 = arith.constant 2047 : i32
    %sub3A_2997 = arith.subi %sub3A_2996, %add3A_2995 : i32
    %sub3A_2998 = arith.constant 2 : i32
    %sub3A_2999 = arith.subi %sub3A_2997, %sub3A_2998 : i32
    %mul3A_3000 = arith.constant 1024 : i32
    %mul3A_3001 = arith.muli %arg1, %mul3A_3000 : i32
    %add3A_3002 = arith.addi %sub3A_2999, %mul3A_3001 : i32
    %multiple_of3A_3003 = tpu.assume_multiple %add3A_3002, 128 : i32
    %get3A_3004 = arith.constant 0 : index
    %get3A_3005 = arith.index_cast %multiple_of3A_3003 : i32 to index
    %get3A_3006 = vector.load %arg2[%get3A_3004, %get3A_3005] : memref<32x4096xf32, #tpu.memory_space<vmem>>, vector<32x1152xf32>
    %roll3A_3007 = arith.constant 1150 : i32
    %roll3A_3008 = tpu.dynamic_rotate %get3A_3006 by %roll3A_3007 dim 1 : vector<32x1152xf32>, i32 -> vector<32x1152xf32>
    %slice3A_3009 = vector.extract_strided_slice %roll3A_3008 {offsets = [0, 0], sizes = [32, 1024], strides = [1, 1]} : vector<32x1152xf32> to vector<32x1024xf32>
    %swap3A_3010 = arith.constant 125 : index
    %swap3A_3011 = arith.constant 0 : index
    %swap3A_3012 = arith.constant 0 : index
    %swap3A_3013 = vector.load %arg3[%swap3A_3010, %swap3A_3011, %swap3A_3012] : memref<128x32x1024xf32, #tpu.memory_space<vmem>>, vector<1x32x1024xf32>
    %swap3A_3014 = vector.shape_cast %swap3A_3013 : vector<1x32x1024xf32> to vector<32x1024xf32>
    %swap3A_3015 = vector.shape_cast %slice3A_3009 : vector<32x1024xf32> to vector<1x32x1024xf32>
    tpu.vector_store %arg3[%swap3A_3010, %swap3A_3011, %swap3A_3012], %swap3A_3015 {strides = array<i32>} : memref<128x32x1024xf32, #tpu.memory_space<vmem>>, vector<1x32x1024xf32>,
    %mul3A_3016 = arith.constant 128 : i32
    %mul3A_3017 = arith.muli %arg0, %mul3A_3016 : i32
    %add3A_3018 = arith.constant 126 : i32
    %add3A_3019 = arith.addi %mul3A_3017, %add3A_3018 : i32
    %sub3A_3020 = arith.constant 2047 : i32
    %sub3A_3021 = arith.subi %sub3A_3020, %add3A_3019 : i32
    %sub3A_3022 = arith.constant 1 : i32
    %sub3A_3023 = arith.subi %sub3A_3021, %sub3A_3022 : i32
    %mul3A_3024 = arith.constant 1024 : i32
    %mul3A_3025 = arith.muli %arg1, %mul3A_3024 : i32
    %add3A_3026 = arith.addi %sub3A_3023, %mul3A_3025 : i32
    %multiple_of3A_3027 = tpu.assume_multiple %add3A_3026, 128 : i32
    %get3A_3028 = arith.constant 0 : index
    %get3A_3029 = arith.index_cast %multiple_of3A_3027 : i32 to index
    %get3A_3030 = vector.load %arg2[%get3A_3028, %get3A_3029] : memref<32x4096xf32, #tpu.memory_space<vmem>>, vector<32x1152xf32>
    %roll3A_3031 = arith.constant 1151 : i32
    %roll3A_3032 = tpu.dynamic_rotate %get3A_3030 by %roll3A_3031 dim 1 : vector<32x1152xf32>, i32 -> vector<32x1152xf32>
    %slice3A_3033 = vector.extract_strided_slice %roll3A_3032 {offsets = [0, 0], sizes = [32, 1024], strides = [1, 1]} : vector<32x1152xf32> to vector<32x1024xf32>
    %swap3A_3034 = arith.constant 126 : index
    %swap3A_3035 = arith.constant 0 : index
    %swap3A_3036 = arith.constant 0 : index
    %swap3A_3037 = vector.load %arg3[%swap3A_3034, %swap3A_3035, %swap3A_3036] : memref<128x32x1024xf32, #tpu.memory_space<vmem>>, vector<1x32x1024xf32>
    %swap3A_3038 = vector.shape_cast %swap3A_3037 : vector<1x32x1024xf32> to vector<32x1024xf32>
    %swap3A_3039 = vector.shape_cast %slice3A_3033 : vector<32x1024xf32> to vector<1x32x1024xf32>
    tpu.vector_store %arg3[%swap3A_3034, %swap3A_3035, %swap3A_3036], %swap3A_3039 {strides = array<i32>} : memref<128x32x1024xf32, #tpu.memory_space<vmem>>, vector<1x32x1024xf32>,
    %mul3A_3040 = arith.constant 128 : i32
    %mul3A_3041 = arith.muli %arg0, %mul3A_3040 : i32
    %add3A_3042 = arith.constant 127 : i32
    %add3A_3043 = arith.addi %mul3A_3041, %add3A_3042 : i32
    %sub3A_3044 = arith.constant 2047 : i32
    %sub3A_3045 = arith.subi %sub3A_3044, %add3A_3043 : i32
    %sub3A_3046 = arith.constant 0 : i32
    %sub3A_3047 = arith.subi %sub3A_3045, %sub3A_3046 : i32
    %mul3A_3048 = arith.constant 1024 : i32
    %mul3A_3049 = arith.muli %arg1, %mul3A_3048 : i32
    %add3A_3050 = arith.addi %sub3A_3047, %mul3A_3049 : i32
    %multiple_of3A_3051 = tpu.assume_multiple %add3A_3050, 128 : i32
    %get3A_3052 = arith.constant 0 : index
    %get3A_3053 = arith.index_cast %multiple_of3A_3051 : i32 to index
    %get3A_3054 = vector.load %arg2[%get3A_3052, %get3A_3053] : memref<32x4096xf32, #tpu.memory_space<vmem>>, vector<32x1152xf32>
    %roll3A_3055 = arith.constant 1152 : i32
    %roll3A_3056 = tpu.dynamic_rotate %get3A_3054 by %roll3A_3055 dim 1 : vector<32x1152xf32>, i32 -> vector<32x1152xf32>
    %slice3A_3057 = vector.extract_strided_slice %roll3A_3056 {offsets = [0, 0], sizes = [32, 1024], strides = [1, 1]} : vector<32x1152xf32> to vector<32x1024xf32>
    %swap3A_3058 = arith.constant 127 : index
    %swap3A_3059 = arith.constant 0 : index
    %swap3A_3060 = arith.constant 0 : index
    %swap3A_3061 = vector.load %arg3[%swap3A_3058, %swap3A_3059, %swap3A_3060] : memref<128x32x1024xf32, #tpu.memory_space<vmem>>, vector<1x32x1024xf32>
    %swap3A_3062 = vector.shape_cast %swap3A_3061 : vector<1x32x1024xf32> to vector<32x1024xf32>
    %swap3A_3063 = vector.shape_cast %slice3A_3057 : vector<32x1024xf32> to vector<1x32x1024xf32>
    tpu.vector_store %arg3[%swap3A_3058, %swap3A_3059, %swap3A_3060], %swap3A_3063 {strides = array<i32>} : memref<128x32x1024xf32, #tpu.memory_space<vmem>>, vector<1x32x1024xf32>,
    return
  }
  func.func @transform_0(%arg0: i32, %arg1: i32) -> (i32, i32) {
    %c0_i32 = arith.constant 0 : i32
    %c0_i32_0 = arith.constant 0 : i32
    %c0_i32_1 = arith.constant 0 : i32
    return %c0_i32, %c0_i32_0 : i32, i32
  }
  func.func @transform_1(%arg0: i32, %arg1: i32) -> (i32, i32, i32) {
    %c0_i32 = arith.constant 0 : i32
    %c0_i32_0 = arith.constant 0 : i32
    return %arg0, %c0_i32, %arg1 : i32, i32, i32
  }
}

</mosaic_0001>

<sc_bundles>
// kernel: kernel.4.cloned.1.call-start
scs
__scs_entry_jumppad:
0x0: {  	(pc) =	sbr.rel $0x88, $3  }
0x1: {  	(tag) =	ssettag $0x0;
	lr =	simm.s32 $0x1  }
0x2: {  	[smem:$0x3FA0] =	sst lr;
	_ =	strace $0xD0000000  }
0x3: {  	_ = 	snop  }
0x4: {  	_ = 	snop  }
0x5: {  	_ = 	snop  }
0x6: {  	_ = 	snop  }
0x7: {  	_ = 	snop  }
__scs_overlays_trampoline_lowered:
0x8: {  	[smem:$0x3FAF] =	sst s0  }
0x9: {  	[smem:$0x3FB0] =	sst s1  }
0xa: {  	[smem:$0x3FB1] =	sst s2  }
0xb: {  	[smem:$0x3FB2] =	sst s3  }
0xc: {  	[smem:$0x3FB3] =	sst s4  }
0xd: {  	[smem:$0x3FB4] =	sst s5  }
0xe: {  	[smem:$0x3FB5] =	sst s6  }
0xf: {  	[smem:$0x3FB6] =	sst s7  }
0x10: {  	[smem:$0x3FB7] =	sst s8  }
0x11: {  	[smem:$0x3FB8] =	sst s9;
	s0 =	simm.s32 @!p0 $0x0  }
0x12: {  	s1 =	sld [smem:$0x3F9E];
	s0 =	simm.s32 @p0 $0x1  }
0x13: {  	[smem:$0x3FB9] =	sst s0;
	s0 =	simm.s32 @!p1 $0x0  }
0x14: {  	s2 =	sld [smem:$0x3F9D];
	s0 =	simm.s32 @p1 $0x1  }
0x15: {  	[smem:$0x3FBA] =	sst s0;
	s0 =	simm.s32 @!p2 $0x0  }
0x16: {  	s3 =	sld [smem:$0x3FDB];
	s0 =	simm.s32 @p2 $0x1  }
0x17: {  	s4 =	simm.s32 $0x1BF5;
	[smem:$0x3FBC] =	sst s0  }
0x18: {  	s0 =	sld [smem:$0x3F9F];
	_ =	swait.ge [sflag:s4], $0x0  }
0x19: {  	s7 =	sld [smem:$0x3FA0]  }
0x1a: {  	s8 =	sadd.s32 $0xFFFFE003, lr  }
0x1b: {  	s9 =	sadd.s32 $0xFFFFFEF7, lr;
	s5 =	simm.s32 $0xFFFFFFFF;
	p2 =	slt.u32 s8, $0xFFFFF086  }
0x1c: {  	p1 =	slt.u32 s9, $0xF7A;
	s5 =	simm.s32 @!p2 $0x0  }
0x1d: {  	s5 =	simm.s32 @p1 $0x1;
	p0 =	seq.s32 s7, s2  }
0x1e: {  	s7 =	smul.u32 @!p0 $0xF7A, s2;
	p2 =	seq.s32 @!p0 s5, $0x0  }
0x1f: {  	s9 =	smul.u32 $0xF7A, s1;
	s8 =	simm.s32 @!p0 $0x1BF5;
	p2 =	por !p2, p0  }
0x20: {  	[sflag:s8] =	ssyncset.s32 @!p0 $0xFFFFF086;
	s6 =	sadd.s32 @!p0 s3, s7;
	s7 =	simm.s32 @!p0 $0x108  }
0x21: {  	s3 =	sadd.s32 s3, s9;
	s6 =	sadd.s32 @!p0 $0x88, s6;
	s7 =	simm.s32 @p2 $0x1082  }
0x22: {  	[simem:s7], [sflag:s8] =	dma.local @!p0 [hbm:s6], $0xF7A  }
0x23: {  	s9 =	sor.u32 $0xD0000000, s2;
	s6 =	simm.s32 $0x108;
	_ =	swait.ge @!p0 [sflag:s8], $0x0  }
0x24: {  	s3 =	sadd.s32 $0x88, s3;
	s6 =	simm.s32 @!p1 $0x1082;
	[sflag:s4] =	ssyncset.s32 $0xFFFFF086  }
0x25: {  	[simem:s6], [sflag:s4] =	dma.local [hbm:s3], $0xF7A  }
0x26: {  	[smem:$0x3FA0] =	sst s1;
	(tag) =	ssettag s2;
	_ =	strace s9  }
0x27: {  	s1 =	sld [smem:$0x3FB0]  }
0x28: {  	s2 =	sld [smem:$0x3FB1]  }
0x29: {  	s4 =	sld [smem:$0x3FB3]  }
0x2a: {  	p0 =	seq.s32 s5, $0x0;
	s5 =	sld [smem:$0x3FB4]  }
0x2b: {  	s6 =	sld [smem:$0x3FB5]  }
0x2c: {  	s7 =	sld [smem:$0x3FB6]  }
0x2d: {  	s3 =	simm.s32 $0x108;
	s8 =	sld [smem:$0x3FB7]  }
0x2e: {  	s3 =	simm.s32 @!p0 $0x1082;
	s9 =	sld [smem:$0x3FB8]  }
0x2f: {  	lr =	sadd.s32 s0, s3;
	s0 =	sld [smem:$0x3FAF]  }
0x30: {  	s3 =	sld [smem:$0x3FB2]  }
0x31: {  	[smem:$0x3FBB] =	sst s10  }
0x32: {  	s10 =	sld [smem:$0x3FB9];
	_ =	sdelay $0x3  }
0x33: {  	p0 =	seq.s32 s10, $0x1;
	s10 =	sld [smem:$0x3FBB];
	_ =	sdelay $0x3  }
0x34: {  	[smem:$0x3FBB] =	sst s10  }
0x35: {  	s10 =	sld [smem:$0x3FBA];
	_ =	sdelay $0x3  }
0x36: {  	p1 =	seq.s32 s10, $0x1;
	s10 =	sld [smem:$0x3FBB];
	_ =	sdelay $0x3  }
0x37: {  	[smem:$0x3FBB] =	sst s10  }
0x38: {  	s10 =	sld [smem:$0x3FBC]  }
0x39: {  	_ = 	snop;
	(pc) =	sbr.ind lr, $3  }
0x3a: {  	_ = 	snop  }
0x3b: {  	_ = 	snop  }
0x3c: {  	p2 =	seq.s32 s10, $0x1;
	s10 =	sld [smem:$0x3FBB]  }
0x3d: {  	_ =	shalt  }
0x3e: {  	_ =	shalt  }
0x3f: {  	_ =	shalt  }
0x40: {  	_ =	shalt  }
0x41: {  	_ =	shalt  }
0x42: {  	_ =	shalt  }
0x43: {  	_ =	shalt  }
0x44: {  	_ =	shalt  }
0x45: {  	_ =	shalt  }
0x46: {  	_ =	shalt  }
0x47: {  	_ =	shalt  }
0x48: {  	_ =	shalt  }
0x49: {  	_ =	shalt  }
0x4a: {  	_ =	shalt  }
0x4b: {  	_ =	shalt  }
0x4c: {  	_ =	shalt  }
0x4d: {  	_ =	shalt  }
0x4e: {  	_ =	shalt  }
0x4f: {  	_ =	shalt  }
0x50: {  	_ =	shalt  }
0x51: {  	_ =	shalt  }
0x52: {  	_ =	shalt  }
0x53: {  	_ =	shalt  }
0x54: {  	_ =	shalt  }
0x55: {  	_ =	shalt  }
0x56: {  	_ =	shalt  }
0x57: {  	_ =	shalt  }
0x58: {  	_ =	shalt  }
0x59: {  	_ =	shalt  }
0x5a: {  	_ =	shalt  }
0x5b: {  	_ =	shalt  }
0x5c: {  	_ =	shalt  }
0x5d: {  	_ =	shalt  }
0x5e: {  	_ =	shalt  }
0x5f: {  	_ =	shalt  }
0x60: {  	_ =	shalt  }
0x61: {  	_ =	shalt  }
0x62: {  	_ =	shalt  }
0x63: {  	_ =	shalt  }
0x64: {  	_ =	shalt  }
0x65: {  	_ =	shalt  }
0x66: {  	_ =	shalt  }
0x67: {  	_ =	shalt  }
0x68: {  	_ =	shalt  }
0x69: {  	_ =	shalt  }
0x6a: {  	_ =	shalt  }
0x6b: {  	_ =	shalt  }
0x6c: {  	_ =	shalt  }
0x6d: {  	_ =	shalt  }
0x6e: {  	_ =	shalt  }
0x6f: {  	_ =	shalt  }
0x70: {  	_ =	shalt  }
0x71: {  	_ =	shalt  }
0x72: {  	_ =	shalt  }
0x73: {  	_ =	shalt  }
0x74: {  	_ =	shalt  }
0x75: {  	_ =	shalt  }
0x76: {  	_ =	shalt  }
0x77: {  	_ =	shalt  }
0x78: {  	_ =	shalt  }
0x79: {  	_ =	shalt  }
0x7a: {  	_ =	shalt  }
0x7b: {  	_ =	shalt  }
0x7c: {  	_ =	shalt  }
0x7d: {  	_ =	shalt  }
0x7e: {  	_ =	shalt  }
0x7f: {  	_ =	shalt  }
0x80: {  	_ =	shalt  }
0x81: {  	_ =	shalt  }
0x82: {  	_ =	shalt  }
0x83: {  	_ =	shalt  }
0x84: {  	_ =	shalt  }
0x85: {  	_ =	shalt  }
0x86: {  	_ =	shalt  }
0x87: {  	_ =	shalt  }
.Lfunc_end0:
.L_simem_size_0:
called_computation_lowered:
.L_overlay_start_0:
0x88: {  	s2 =	sld [smem:$0x3FD9]  }
0x89: {  	s3 =	sld [smem:$0x3FFE];
	_ =	sdelay $0x1  }
0x8a: {  	s1 =	srdreg.scid  }
0x8b: {  	s0 =	sand.u32 $0x1, s1  }
0x8c: {  	s17 =	sshll.u32 s0, $0xA;
	s2 =	sadd.s32 s3, s2  }
0x8d: {  	s2 =	sadd.s32 s2, s17  }
0x8e: {  	[smem:$0x3FC7] =	sst s2  }
0x8f: {  	_ = 	snop  }
0x90: {  	s2 =	sld [smem:$0x3FD0];
	(tm) =	ssettm $0x1  }
0x91: {  	s18 =	sld [smem:$0x3FFB];
	_ =	sdelay $0x3  }
0x92: {  	_ =	strace s18  }
0x93: {  	s3 =	sld [smem:$0x3FFC];
	_ =	sdelay $0x3  }
0x94: {  	_ =	strace s3  }
0x95: {  	s3 =	sld [smem:$0x3FFD];
	_ =	sdelay $0x3  }
0x96: {  	_ =	strace s3  }
0x97: {  	_ =	strace $0x8FFFFFFF  }
0x98: {  	s19 =	sld [smem:$0x3FDB];
	_ =	sdelay $0x1  }
0x99: {  	s4 =	simm.s32 $_scs_section_size  }
0x9a: {  	s5 =	simm.s32 $_size__tile_overlayer_lowered;
	s6 =	simm.s32 $_tile_overlayer_lowered  }
0x9b: {  	s22 =	simm.s32 $0x1BFF;
	s21 =	sshll.u32 s6, $0x1;
	s3 =	sadd.s32 s4, s19  }
0x9c: {  	s7 =	simm.s32 $0x0;
	s20 =	sshll.u32 s5, $0x1;
	s5 =	sadd.s32 s21, s3  }
0x9d: {  	[timem:s7], [sflag:s22] =	dma.local [hbm:s5], s20  }
0x9e: {  	_ =	swait.ge [sflag:s22], s20  }
0x9f: {  	s4 =	ssub.s32 $0x0, s20;
	[sflag:s22] =	ssyncset.done $0x0  }
0xa0: {  	[sflag:s22] =	ssyncadd.s32 s4;
	_ =	sdelay $0x1  }
0xa1: {  	s23 =	simm.s32 $0x1B8B  }
0xa2: {  	_ =	swait.ge [sflag:s23], $0x1  }
0xa3: {  	[sflag:s23] =	ssyncset.done $0x0  }
0xa4: {  	s25 =	simm.s32 $0x1B8E;
	s24 =	sld [smem:$0x3FFE];
	[sflag:s23] =	ssyncadd.s32 $0xFFFFFFFF  }
0xa5: {  	s26 =	simm.s32 $execute0_lowered;
	[smem:$0x3FD2] =	sst s25  }
0xa6: {  	s5 =	sshll.u32 s26, $0x1;
	_ =	strace $0x80000046;
	[dreg:$0x1] =	wrdreg $0xFFFFFFFF  }
0xa7: {  	s28 =	simm.s32 $_size_execute0_lowered;
	s3 =	sadd.s32 s3, s5;
	[dreg:$0x0] =	wrdreg $0x0  }
0xa8: {  	s5 =	sshll.u32 s28, $0x1;
	[dreg:$0x2] =	wrdreg s3  }
0xa9: {  	[dreg:$0x3] =	wrdreg s5  }
0xaa: {  	[dreg:$0x4] =	wrdreg $0xC0  }
0xab: {  	_ =	task [dreg:s7], $0x5FFFF  }
0xac: {  	[dreg:$0x1] =	wrdreg $0xFFFFFFFF  }
0xad: {  	[dreg:$0x0] =	wrdreg $0x60  }
0xae: {  	[dreg:$0x2] =	wrdreg s24  }
0xaf: {  	[dreg:$0x3] =	wrdreg s2  }
0xb0: {  	[dreg:$0x4] =	wrdreg $0x9  }
0xb1: {  	_ =	task.clear_ibuf [dreg:s7], $0x5FFFF;
	_ =	strace $0x90000046  }
0xb2: {  	s29 =	simm.s32 $0x9;
	_ =	strace $0x80000048  }
0xb3: {  	_ =	swait.ge [sflag:s29], $0x1  }
0xb4: {  	[sflag:s29] =	ssyncadd.s32 $0xFFFFFFFF  }
0xb5: {  	_ =	strace $0x90000048  }
0xb6: {  	_ =	sfence  }
0xb7: {  	s30 =	sld [smem:$0x0];
	_ =	sdelay $0x2  }
0xb8: {  	s31 =	sshll.u32 s1, $0xD;
	s1 =	sshrl.u32 s1, $0x2  }
0xb9: {  	s3 =	sand.u32 $0x4000, s31;
	s1 =	sadd.s32 s1, s30  }
0xba: {  	s0 =	sor.u32 s3, s0;
	s1 =	sshll.u32 s1, $0x11  }
0xbb: {  	s0 =	sor.u32 s1, s0  }
0xbc: {  	s0 =	sadd.s32 $0x8F2B, s0  }
0xbd: {  	[sflag:s0] =	ssyncadd.remote.s32 $0x1  }
0xbe: {  	_ =	sfence.sel $0xFFFF  }
0xbf: {  	[dreg:$0x0] =	wrdreg $0xFFFFFFFF;
	(pc) =	sbr.abs _section_cstart, $3  }
0xc0: {  	[dreg:$0x1] =	wrdreg $0xFFFFFFFF  }
0xc1: {  	_ =	task.clear_ibuf [dreg:s7], $0x2FFFF;
	_ =	strace $0x9FFFFFFF  }
0xc2: {  	(tm) =	ssettm $0x7FFFFFFF  }
0xc3: {  	_ =	shalt  }
tec
execute0_lowered:
.L_overlay_start_1:
0x0: {  	(tag) =	ssettag $0x1  }
0x1: {  	s3 =	rddreg [dreg:$0x0]  }
0x2: {  	s4 =	rddreg [dreg:$0x1];
	s1 =	srdreg.scid  }
0x3: {  	s0 =	rddreg [dreg:$0x2];
	s2 =	simm.s32 $0x0;
	s5 =	sand.u32 $0x1, s1  }
0x4: {  	s1 =	stileid.u32;
	[smem:$0x7FF] =	sst s2;
	s6 =	ssub.s32 $0x2, s5  }
0x5: {  	s3 =	sadd.s32 $0x400, s3;
	s5 =	sshll.u32 s5, $0x4;
	s7 =	sshrl.u32 s6, $0x1  }
0x6: {  	_ =	strace $0x80000047;
	s8 =	sor.u32 s1, s5;
	s30 =	ssub.s32 s6, s7  }
0x7: {  	s31 =	sshll.u32 s8, $0x9;
	s6 =	simm.s32 $0x1;
	s7 =	simm.s32 $0x7FE0  }
0x8: {  	v1 =	vlaneseq.u32;
	v0 =	vmov s8;
	s8 =	simm.s32 $0x0;
	s4 =	sadd.s32 s4, s31;
	s5 =	smax.u32 s30, $0x1  }
.LBB2_1:
0x9: {  	s9 =	simm.s32 $0xFFFFFA00  }
0xa: {  	v2 =	vor.u32 s9, v1  }
0xb: {  	vm0 =	vgt.s32 v2, $0x0  }
0xc: {  	v2 =	vnsel vm0, $0x0, v2  }
0xd: {  	v2 =	vmin.u32 v2, $0x3FE  }
0xe: {  	v2 =	vshll.u32 v2, $0x5  }
0xf: {  	s29 =	simm.s32 $0xFFFFFA10;
	v2 =	vor.u32 v0, v2  }
0x10: {  	[tilespmem:s2], [sflag:$0x1] =	stream.linear.gather [hbm4b:s3+s2], $0x7FE0, $0x38;
	v3 =	vor.u32 s29, v1;
	[tilespmem:$0x8FE0] =	vst v63  }
0x11: {  	_ =	swait.ge [sflag:s6], $0x7FE0;
	vm14 =	vgt.s32 v3, $0x0  }
0x12: {  	[sflag:s6] =	ssyncset.done $0x0;
	v3 =	vnsel vm14, $0x0, v3  }
0x13: {  	[sflag:s6] =	ssyncadd.s32 $0xFFFF8020;
	v3 =	vmin.u32 v3, $0x3FE  }
0x14: {  	v3 =	vshll.u32 v3, $0x5;
	v2 =	vld.idx.msk [tilespmem:v2+s2+$0x0], $0xffff  }
0x15: {  	s30 =	simm.s32 $0xFFFFFA20;
	v3 =	vor.u32 v0, v3  }
0x16: {  	v4 =	vor.u32 s30, v1  }
0x17: {  	vm15 =	vgt.s32 v4, $0x0  }
0x18: {  	v4 =	vnsel vm15, $0x0, v4  }
0x19: {  	v4 =	vmin.u32 v4, $0x3FE;
	[tilespmem:s7+$0x0] =	vst v2  }
0x1a: {  	v4 =	vshll.u32 v4, $0x5;
	v2 =	vld.idx.msk [tilespmem:v3+s2+$0x0], $0xffff  }
0x1b: {  	v3 =	vor.u32 v0, v4  }
0x1c: {  	s31 =	simm.s32 $0xFFFFFA30  }
0x1d: {  	s10 =	simm.s32 $0xFFFFFA40;
	s9 =	simm.s32 $0x7FE0;
	v4 =	vor.u32 s31, v1  }
.LBB2_2:
0x1e: {  	p0 =	sne.s32 s10, $0x9F0;
	vm0 =	vgt.s32 v4, $0x0;
	s9 =	sadd.s32 $0x10, s9  }
0x1f: {  	v4 =	vnsel vm0, $0x0, v4;
	[tilespmem:s9+$0x0] =	vst v2  }
.Ltmp0:
0x20: {  	v4 =	vmin.u32 v4, $0x3FE;
	v2 =	vld.idx.msk [tilespmem:v3+s2+$0x0], $0xffff;
	(pc) =	sbr.rel @p0 .LBB2_2-.Ltmp0, $3  }
0x21: {  	v3 =	vshll.u32 v4, $0x5  }
0x22: {  	v3 =	vor.u32 v0, v3;
	_ =	sdelay $0x1  }
0x23: {  	v4 =	vor.u32 s10, v1;
	s10 =	sadd.s32 $0x10, s10  }
0x24: {  	_ = 	snop  }
0x25: {  	vm0 =	vgt.s32 v4, $0x0  }
0x26: {  	s9 =	sadd.s32 $0x10, s9;
	v4 =	vnsel vm0, $0x0, v4  }
0x27: {  	[tilespmem:s9+$0x0] =	vst v2;
	v2 =	vmin.u32 v4, $0x3FE  }
0x28: {  	v3 =	vld.idx.msk [tilespmem:v3+s2+$0x0], $0xffff;
	v2 =	vshll.u32 v2, $0x5  }
0x29: {  	v2 =	vor.u32 v0, v2;
	_ =	sdelay $0x2  }
0x2a: {  	s9 =	sadd.s32 $0x10, s9  }
0x2b: {  	[tilespmem:s9+$0x0] =	vst v3  }
0x2c: {  	v2 =	vld.idx.msk [tilespmem:v2+s2+$0x0], $0xffff;
	_ =	sdelay $0x2  }
0x2d: {  	s8 =	sadd.s32 $0x1, s8  }
0x2e: {  	p0 =	sne.s32 s8, s5;
	s9 =	sadd.s32 $0x10, s9  }
.Ltmp1:
0x2f: {  	[tilespmem:s9+$0x0] =	vst v2;
	(pc) =	sbr.rel @p0 .LBB2_1-.Ltmp1, $4  }
0x30: {  	[hbm4b:s4+s2] =	stream.linear.scatter [tilespmem:s7], [sflag:$0x1], $0x1000, $0x38;
	[tilespmem:$0x8FE0] =	vst v63  }
0x31: {  	_ =	swait.ge [sflag:s6], $0x1000  }
0x32: {  	[sflag:s6] =	ssyncset.done $0x0  }
0x33: {  	[sflag:s6] =	ssyncadd.s32 $0xFFFFF000  }
0x34: {  	_ =	sfence.sel $0x180000  }
0x35: {  	[bflag:$0x0] =	sbarrier.arrive $0xFFFF  }
0x36: {  	p0 =	sne.s32 s1, $0x0;
	_ =	strace $0x90000047  }
0x37: {  	s0 =	sadd.s32 @!p0 $0x100000, s0;
	[bflag:$0x2] =	sbarrier.arrive $0xFFFF  }
0x38: {  	[sflag:s0] =	ssyncadd.tile.s32 @!p0 $0x1;
	_ =	shalt  }
.Lfunc_end2:
_tile_overlayer_lowered:
.L_overlay_start_2:
0x39: {  	(tag) =	ssettag $0x2  }
0x3a: {  	s0 =	rddreg [dreg:$0x0];
	s2 =	stileid.u32  }
0x3b: {  	s1 =	rddreg [dreg:$0x1];
	p0 =	sne.s32 s2, $0x0  }
0x3c: {  	s3 =	rddreg [dreg:$0x2];
	[bflag:$0x3] =	sbarrier.arrive $0xFFFF;
	s2 =	simm.s32 @!p0 $0x1C02  }
0x3d: {  	[timem:s3], [sflag:s2] =	dma.local @!p0 [hbm:s0], s1  }
0x3e: {  	s0 =	simm.s32 @!p0 $0x2  }
0x3f: {  	_ =	swait.ge @!p0 [sflag:s0], s1  }
0x40: {  	s1 =	ssub.s32 @!p0 $0x0, s1;
	[sflag:s0] =	ssyncset.done @!p0 $0x0  }
0x41: {  	[sflag:s0] =	ssyncadd.s32 @!p0 s1  }
0x42: {  	[bflag:$0x3] =	sbarrier.arrive $0xFFFF  }
0x43: {  	_ =	shalt  }

</sc_bundles>
